<compile_context>
chip_gen: v7x
topology: tpu7x:2x2x1
jax: 0.10.2.dev20260603
libtpu: 0.0.44.dev20260713+nightly
codegen_flags: <defaults>
</compile_context>

<pallas_src>
import jax
import jax.numpy as jnp
from jax import lax
from jax.experimental import pallas as pl
from jax.experimental.pallas import tpu as pltpu, tpu_sc as plsc

B = 8
T = 2048
D = 256
G = 64
C = G * G
SMAX = 4
NOFF = SMAX * SMAX
TRASH = C
MAPN = 4112
CPW = C // 4
CHUNK = 64
NCH = CPW // CHUNK
NBUF = 4


def _sc_body(cidx_hbm, tok_hbm, inter_hbm, mapout_hbm,
             slab_v, map_v, idxa_v, rows_v, gsem, wsem):
    wid = lax.axis_index("c") * 16 + lax.axis_index("s")
    b = wid // 4
    q = wid % 4

    with jax.named_scope("p0_slab"):
        pltpu.sync_copy(cidx_hbm.at[b], slab_v)

    with jax.named_scope("p0_init"):
        zeros16 = jnp.zeros((16,), jnp.int32)
        def init_body(i, carry):
            map_v[pl.ds(i * 16, 16)] = zeros16
            return carry
        lax.fori_loop(0, MAPN // 16, init_body, 0)

    with jax.named_scope("p1_scatter"):
        iota16 = lax.iota(jnp.int32, 16)
        def scat_body(i, carry):
            tval = i * 16 + iota16 + 1
            for j in range(NOFF):
                idx16 = slab_v[j, pl.ds(i * 16, 16)]
                plsc.store_scatter(map_v, [idx16], tval)
            return carry
        lax.fori_loop(0, T // 16, scat_body, 0)

    with jax.named_scope("p2_idx"):
        cell0 = q * CPW
        def idx_body(i, carry):
            mv = map_v[pl.ds(cell0 + i * 16, 16)]
            idxa_v[pl.ds(i * 16, 16)] = b * T + jnp.maximum(mv - 1, 0)
            return carry
        lax.fori_loop(0, CPW // 16, idx_body, 0)

    with jax.named_scope("p2_map_out"):
        @pl.when(q == 0)
        def _():
            pltpu.sync_copy(map_v, mapout_hbm.at[pl.ds(b * MAPN, MAPN)])

    with jax.named_scope("p2_ring"):
        def gfire(k):
            return pltpu.async_copy(
                tok_hbm.at[idxa_v.at[pl.ds(k * CHUNK, CHUNK)]],
                rows_v.at[k % NBUF], gsem)

        def wfire(k):
            return pltpu.async_copy(
                rows_v.at[k % NBUF],
                inter_hbm.at[pl.ds(b * C + cell0 + k * CHUNK, CHUNK)], wsem)

        gd = {}
        wd = {}
        for k in range(NBUF - 1):
            gd[k] = gfire(k)
        for k in range(NCH):
            gd[k].wait()
            wd[k] = wfire(k)
            nk = k + NBUF - 1
            if nk < NCH:
                if k >= 1:
                    wd[k - 1].wait()
                gd[nk] = gfire(nk)
        for k in range(NCH - NBUF, NCH):
            wd[k].wait()


def _transpose_body(x_ref, m_ref, out_ref):
    x = x_ref[0, 0]
    m = m_ref[0, 0]
    valid = (m > 0).astype(jnp.float32)
    out_ref[0] = x.T * valid


def kernel(tokens, metas):
    r = metas[..., 0].astype(jnp.int32)
    c = metas[..., 1].astype(jnp.int32)
    span = metas[..., 2].astype(jnp.int32)
    valid = metas[..., 3] > 0

    o = jnp.arange(SMAX, dtype=jnp.int32)
    dr, dc = jnp.meshgrid(o, o, indexing="ij")
    dr = dr.reshape(-1)
    dc = dc.reshape(-1)
    cell_r = r[:, None, :] + dr[None, :, None]
    cell_c = c[:, None, :] + dc[None, :, None]
    cover = (valid[:, None, :]
             & (dr[None, :, None] < span[:, None, :])
             & (dc[None, :, None] < span[:, None, :]))
    flat = cell_r * G + cell_c
    ok = cover & (flat >= 0) & (flat < C)
    cidx = jnp.where(ok, flat, TRASH).astype(jnp.int32)

    tok2d = tokens.reshape(B * T, D)

    mesh = plsc.VectorSubcoreMesh(core_axis_name="c", subcore_axis_name="s")
    sc = pl.kernel(
        _sc_body,
        out_type=(
            jax.ShapeDtypeStruct((B * C, D), jnp.float32),
            jax.ShapeDtypeStruct((B * MAPN,), jnp.int32),
        ),
        mesh=mesh,
        scratch_types=[
            pltpu.VMEM((NOFF, T), jnp.int32),
            pltpu.VMEM((MAPN,), jnp.int32),
            pltpu.VMEM((CPW,), jnp.int32),
            pltpu.VMEM((NBUF, CHUNK, D), jnp.float32),
            pltpu.SemaphoreType.DMA,
            pltpu.SemaphoreType.DMA,
        ],
        compiler_params=pltpu.CompilerParams(needs_layout_passes=False),
    )
    inter, mapout = sc(cidx, tok2d)

    CB = 512
    NJ = C // CB
    inter4 = inter.reshape(B, NJ, CB, D)
    mp = mapout.reshape(B, MAPN)[:, :C].reshape(B, NJ, 1, CB)
    out = pl.pallas_call(
        _transpose_body,
        grid=(B, NJ),
        in_specs=[
            pl.BlockSpec((1, 1, CB, D), lambda b, j: (b, j, 0, 0)),
            pl.BlockSpec((1, 1, 1, CB), lambda b, j: (b, j, 0, 0)),
        ],
        out_specs=pl.BlockSpec((1, D, CB), lambda b, j: (b, 0, j)),
        out_shape=jax.ShapeDtypeStruct((B, D, C), jnp.float32),
    )(inter4, mp)
    return out.reshape(B, D, G, G)

# --- scband reference (transcript-rebuilt; emitter-appended) ---
"""Pipeline reference for scband-uncertainty-guided-corrector-35527969473145 (READ-ONLY COPY).

The authoritative reference and input builder live on the scoring server;
editing this copy changes nothing except your own understanding.
"""

import jax, jax.numpy as jnp
import numpy as np

B = 8
T = 2048
D = 256
G = 64          # finest_grid = image_size // min_patch_size = 256 // 4
SMAX = 4        # max span = max_patch_size // min_patch_size = 16 // 4
MIN_PATCH = 4


def _build_metas():
    # Deterministic valid quadtree-style layout (non-overlapping), matching the
    # meta format produced by BatchedQuadtreeTokenizer:
    # [TL_ROW, TL_COL, CELL_SPAN, PATCH_SIZE_px, score] with row/col/span in
    # finest-grid units. Top-left 32x32 cell region covered by span-2 tokens,
    # the rest by span-1 leaf tokens, then pad/truncate to T (as _pad_truncate_meta).
    rows = []
    for r in range(0, 32, 2):
        for c in range(0, 32, 2):
            rows.append([r, c, 2, 2 * MIN_PATCH, 0.5])
    for r in range(G):
        for c in range(G):
            if r < 32 and c < 32:
                continue
            rows.append([r, c, 1, MIN_PATCH, 0.25])
    m = np.asarray(rows, dtype=np.float32)
    if m.shape[0] < T:
        pad = np.zeros((T - m.shape[0], 5), dtype=np.float32)
        m = np.concatenate([m, pad], axis=0)
    else:
        m = m[:T]
    return np.tile(m[None], (B, 1, 1))


def setup_inputs(seed: int = 0) -> dict:
    key = jax.random.key(seed)
    tokens = jax.random.normal(key, (B, T, D), dtype=jnp.float32)
    metas = jnp.asarray(_build_metas())
    return {"tokens": tokens, "metas": metas}


def _spatial_scatter(tokens, metas):
    # Faithful jax translation of spatial_scatter: each token's embedding is
    # tiled (overwrite-scatter) across all span x span finest-grid cells it covers.
    # Quadtree cells are non-overlapping, so scatter-set order does not matter.
    r = metas[..., 0].astype(jnp.int32)      # TL_ROW  [B, T]
    c = metas[..., 1].astype(jnp.int32)      # TL_COL  [B, T]
    span = metas[..., 2].astype(jnp.int32)   # CELL_SPAN [B, T]
    p = metas[..., 3]                        # PATCH_SIZE px [B, T]
    valid = p > 0

    o = jnp.arange(SMAX, dtype=jnp.int32)
    dr, dc = jnp.meshgrid(o, o, indexing='ij')          # [SMAX, SMAX]
    cell_r = r[..., None, None] + dr[None, None]         # [B, T, SMAX, SMAX]
    cell_c = c[..., None, None] + dc[None, None]
    mask = (valid[..., None, None]
            & (dr[None, None] < span[..., None, None])
            & (dc[None, None] < span[..., None, None]))
    flat = cell_r * G + cell_c
    flat = jnp.where(mask, flat, G * G)  # out-of-range -> dropped by scatter

    def one(tok_b, flat_b):
        vals = jnp.broadcast_to(tok_b[:, None, None, :], (T, SMAX, SMAX, D)).reshape(-1, D)
        idx = flat_b.reshape(-1)
        fmap = jnp.zeros((G * G, D), dtype=jnp.float32).at[idx].set(vals, mode='drop')
        return fmap.T.reshape(D, G, G)

    return jax.vmap(one)(tokens, flat)  # [B, D, G, G]


def reference(tokens, metas):
    return _spatial_scatter(tokens, metas)

if __name__ == "__main__":
    import jax
    _d = setup_inputs()
    print(jax.jit(kernel)(*tuple(_d.values())))

</pallas_src>

<mosaic_0001>
#map = affine_map<(d0, d1) -> (0, 0, 0)>
#map1 = affine_map<(d0, d1) -> (0, 0)>
#map2 = affine_map<(d0, d1) -> (0)>
module attributes {stable_mosaic.version = 14 : i64} {
  func.func @_sc_body(%arg0: i32, %arg1: i32, %arg2: memref<8x16x2048xi32, #tpu.memory_space<hbm>>, %arg3: memref<16384x256xf32, #tpu.memory_space<hbm>>, %arg4: memref<32768x256xf32, #tpu.memory_space<hbm>>, %arg5: memref<32896xi32, #tpu.memory_space<hbm>>, %arg6: memref<16x2048xi32, #tpu.memory_space<vmem>>, %arg7: memref<4112xi32, #tpu.memory_space<vmem>>, %arg8: memref<1024xi32, #tpu.memory_space<vmem>>, %arg9: memref<4x64x256xf32, #tpu.memory_space<vmem>>, %arg10: memref<!tpu.dma_semaphore, #tpu.memory_space<semaphore_mem>>, %arg11: memref<!tpu.dma_semaphore, #tpu.memory_space<semaphore_mem>>) attributes {dimension_semantics = [#tpu.dimension_semantics<core_parallel>, #tpu.dimension_semantics<subcore_parallel>], iteration_bounds = array<i64: 2, 16>, scalar_prefetch = 0 : i64, scratch_operands = 6 : i64, tpu.core_type = #tpu.core_type<sc_vector_subcore>, window_params = [{transform_indices = #map}, {transform_indices = #map1}, {transform_indices = #map1}, {transform_indices = #map2}]} {
    %mul3A = arith.constant 16 : i32
    %mul3A_0 = arith.muli %arg0, %mul3A : i32
    %add3A = arith.addi %mul3A_0, %arg1 : i32
    %jit3A = arith.constant 4 : i32
    %div3A = arith.divsi %add3A, %jit3A : i32
    %sign3A = arith.constant 0 : i32
    %sign3A_1 = arith.cmpi sgt, %add3A, %sign3A : i32
    %sign3A_2 = arith.extui %sign3A_1 : i1 to i32
    %sign3A_3 = arith.constant 0 : i32
    %sign3A_4 = arith.cmpi slt, %add3A, %sign3A_3 : i32
    %sign3A_5 = arith.extui %sign3A_4 : i1 to i32
    %sign3A_6 = arith.subi %sign3A_2, %sign3A_5 : i32
    %sign3A_7 = arith.constant 0 : i32
    %sign3A_8 = arith.cmpi sgt, %jit3A, %sign3A_7 : i32
    %sign3A_9 = arith.extui %sign3A_8 : i1 to i32
    %sign3A_10 = arith.constant 0 : i32
    %sign3A_11 = arith.cmpi slt, %jit3A, %sign3A_10 : i32
    %sign3A_12 = arith.extui %sign3A_11 : i1 to i32
    %sign3A_13 = arith.subi %sign3A_9, %sign3A_12 : i32
    %ne3A = arith.cmpi ne, %sign3A_6, %sign3A_13 : i32
    %rem3A = arith.remsi %add3A, %jit3A : i32
    %ne3A_14 = arith.constant 0 : i32
    %ne3A_15 = arith.cmpi ne, %rem3A, %ne3A_14 : i32
    %and3A = arith.andi %ne3A, %ne3A_15 : i1
    %sub3A = arith.constant 1 : i32
    %sub3A_16 = arith.subi %div3A, %sub3A : i32
    %select_n3A = arith.select %and3A, %sub3A_16, %div3A : i32
    %jit3A_17 = arith.constant 4 : i32
    %eq3A = arith.constant 0 : i32
    %eq3A_18 = arith.cmpi eq, %jit3A_17, %eq3A : i32
    %jit3A_19 = arith.constant 1 : i32
    %select_n3A_20 = arith.select %eq3A_18, %jit3A_19, %jit3A_17 : i32
    %rem3A_21 = arith.remsi %add3A, %select_n3A_20 : i32
    %ne3A_22 = arith.constant 0 : i32
    %ne3A_23 = arith.cmpi ne, %rem3A_21, %ne3A_22 : i32
    %lt3A = arith.constant 0 : i32
    %lt3A_24 = arith.cmpi slt, %rem3A_21, %lt3A : i32
    %lt3A_25 = arith.constant 0 : i32
    %lt3A_26 = arith.cmpi slt, %select_n3A_20, %lt3A_25 : i32
    %ne3A_27 = arith.xori %lt3A_24, %lt3A_26 : i1
    %and3A_28 = arith.andi %ne3A_27, %ne3A_23 : i1
    %add3A_29 = arith.addi %rem3A_21, %select_n3A_20 : i32
    %select_n3A_30 = arith.select %and3A_28, %add3A_29, %rem3A_21 : i32
    "tpu.trace_start"() <{level = 10 : i32, message = "p0_slab"}> : () -> ()
    "tpu.region"() ({
      %run_scoped3A = tpu.sem_alloc : memref<!tpu.dma_semaphore, #tpu.memory_space<semaphore_mem>>
      %dma_start3A_868 = arith.constant 0 : i32
      %dma_start3A_869 = arith.constant 0 : i32
      %dma_start3A_870 = tpu.memref_slice %arg2[%select_n3A, %dma_start3A_868, %dma_start3A_869] : memref<8x16x2048xi32, #tpu.memory_space<hbm>> -> memref<1x16x2048xi32, #tpu.memory_space<hbm>>
      %dma_start3A_871 = tpu.memref_squeeze %dma_start3A_870 : memref<1x16x2048xi32, #tpu.memory_space<hbm>> -> memref<16x2048xi32, #tpu.memory_space<hbm>>
      %dma_start3A_872 = arith.constant 0 : i32
      %dma_start3A_873 = arith.constant 0 : i32
      %dma_start3A_874 = tpu.memref_slice %arg2[%select_n3A, %dma_start3A_872, %dma_start3A_873] : memref<8x16x2048xi32, #tpu.memory_space<hbm>> -> memref<1x16x2048xi32, #tpu.memory_space<hbm>>
      %dma_start3A_875 = tpu.memref_squeeze %dma_start3A_874 : memref<1x16x2048xi32, #tpu.memory_space<hbm>> -> memref<16x2048xi32, #tpu.memory_space<hbm>>
      tpu.enqueue_dma source(%dma_start3A_875 : memref<16x2048xi32, #tpu.memory_space<hbm>>) target(%arg6 : memref<16x2048xi32, #tpu.memory_space<vmem>>) target_semaphore(%run_scoped3A : memref<!tpu.dma_semaphore, #tpu.memory_space<semaphore_mem>>)
      %dma_wait3A_876 = arith.constant 0 : i32
      %dma_wait3A_877 = arith.constant 0 : i32
      %dma_wait3A_878 = tpu.memref_slice %arg2[%select_n3A, %dma_wait3A_876, %dma_wait3A_877] : memref<8x16x2048xi32, #tpu.memory_space<hbm>> -> memref<1x16x2048xi32, #tpu.memory_space<hbm>>
      %dma_wait3A_879 = tpu.memref_squeeze %dma_wait3A_878 : memref<1x16x2048xi32, #tpu.memory_space<hbm>> -> memref<16x2048xi32, #tpu.memory_space<hbm>>
      %dma_wait3A_880 = arith.constant 0 : i32
      %dma_wait3A_881 = arith.constant 0 : i32
      %dma_wait3A_882 = tpu.memref_slice %arg2[%select_n3A, %dma_wait3A_880, %dma_wait3A_881] : memref<8x16x2048xi32, #tpu.memory_space<hbm>> -> memref<1x16x2048xi32, #tpu.memory_space<hbm>>
      %dma_wait3A_883 = tpu.memref_squeeze %dma_wait3A_882 : memref<1x16x2048xi32, #tpu.memory_space<hbm>> -> memref<16x2048xi32, #tpu.memory_space<hbm>>
      tpu.wait_dma2 semaphore(%run_scoped3A : memref<!tpu.dma_semaphore, #tpu.memory_space<semaphore_mem>>) src(%dma_wait3A_883 : memref<16x2048xi32, #tpu.memory_space<hbm>>) dst(%arg6 : memref<16x2048xi32, #tpu.memory_space<vmem>>)
      tpu.yield
    }) : () -> ()
    %broadcast_in_dim3A = arith.constant 0 : i32
    "tpu.trace_stop"() : () -> ()
    "tpu.trace_start"() <{level = 10 : i32, message = "p0_init"}> : () -> ()
    %broadcast_in_dim3A_31 = vector.broadcast %broadcast_in_dim3A : i32 to vector<16xi32>
    %scan3A = arith.constant 0 : i32
    %scan3A_32 = arith.constant 0 : i32
    %scan3A_33 = arith.constant 257 : i32
    %scan3A_34 = arith.addi %scan3A_32, %scan3A_33 : i32
    %scan3A_35 = arith.constant 1 : i32
    scf.for %scan3A_868 = %scan3A_32 to %scan3A_34 step %scan3A_35  : i32 {
      %mul3A_869 = arith.constant 16 : i32
      %mul3A_870 = arith.muli %scan3A_868, %mul3A_869 : i32
      %swap3A = arith.index_cast %mul3A_870 : i32 to index
      %swap3A_871 = tpu.vector_load %arg7[%swap3A] {strides = array<i32>} : memref<4112xi32, #tpu.memory_space<vmem>>, vector<16xi32>,
      tpu.vector_store %arg7[%swap3A], %broadcast_in_dim3A_31 {strides = array<i32>} : memref<4112xi32, #tpu.memory_space<vmem>>, vector<16xi32>,
    }
    %scan3A_36 = arith.constant 257 : i32
    "tpu.trace_stop"() : () -> ()
    "tpu.trace_start"() <{level = 10 : i32, message = "p1_scatter"}> : () -> ()
    %iota3A = tpu.iota {dimensions = array<i32: 0>} : vector<16xi32>
    %scan3A_37 = arith.constant 0 : i32
    %scan3A_38 = arith.constant 0 : i32
    %scan3A_39 = arith.constant 128 : i32
    %scan3A_40 = arith.addi %scan3A_38, %scan3A_39 : i32
    %scan3A_41 = arith.constant 1 : i32
    scf.for %scan3A_868 = %scan3A_38 to %scan3A_40 step %scan3A_41  : i32 {
      %mul3A_869 = arith.constant 16 : i32
      %mul3A_870 = arith.muli %scan3A_868, %mul3A_869 : i32
      %add3A_871 = vector.broadcast %mul3A_870 : i32 to vector<16xi32>
      %add3A_872 = arith.addi %add3A_871, %iota3A : vector<16xi32>
      %add3A_873 = arith.constant 1 : i32
      %add3A_874 = vector.broadcast %add3A_873 : i32 to vector<16xi32>
      %add3A_875 = arith.addi %add3A_872, %add3A_874 : vector<16xi32>
      %mul3A_876 = arith.constant 16 : i32
      %mul3A_877 = arith.muli %scan3A_868, %mul3A_876 : i32
      %get3A = arith.constant 0 : i32
      %get3A_878 = arith.index_cast %get3A : i32 to index
      %get3A_879 = arith.index_cast %mul3A_877 : i32 to index
      %get3A_880 = tpu.vector_load %arg6[%get3A_878, %get3A_879] {strides = array<i32>} : memref<16x2048xi32, #tpu.memory_space<vmem>>, vector<16xi32>,
      tpu.vector_store_idx %arg7[%get3A_880], %add3A_875 : memref<4112xi32, #tpu.memory_space<vmem>>[vector<16xi32>], vector<16xi32>,
      %mul3A_881 = arith.constant 16 : i32
      %mul3A_882 = arith.muli %scan3A_868, %mul3A_881 : i32
      %get3A_883 = arith.constant 1 : i32
      %get3A_884 = arith.index_cast %get3A_883 : i32 to index
      %get3A_885 = arith.index_cast %mul3A_882 : i32 to index
      %get3A_886 = tpu.vector_load %arg6[%get3A_884, %get3A_885] {strides = array<i32>} : memref<16x2048xi32, #tpu.memory_space<vmem>>, vector<16xi32>,
      tpu.vector_store_idx %arg7[%get3A_886], %add3A_875 : memref<4112xi32, #tpu.memory_space<vmem>>[vector<16xi32>], vector<16xi32>,
      %mul3A_887 = arith.constant 16 : i32
      %mul3A_888 = arith.muli %scan3A_868, %mul3A_887 : i32
      %get3A_889 = arith.constant 2 : i32
      %get3A_890 = arith.index_cast %get3A_889 : i32 to index
      %get3A_891 = arith.index_cast %mul3A_888 : i32 to index
      %get3A_892 = tpu.vector_load %arg6[%get3A_890, %get3A_891] {strides = array<i32>} : memref<16x2048xi32, #tpu.memory_space<vmem>>, vector<16xi32>,
      tpu.vector_store_idx %arg7[%get3A_892], %add3A_875 : memref<4112xi32, #tpu.memory_space<vmem>>[vector<16xi32>], vector<16xi32>,
      %mul3A_893 = arith.constant 16 : i32
      %mul3A_894 = arith.muli %scan3A_868, %mul3A_893 : i32
      %get3A_895 = arith.constant 3 : i32
      %get3A_896 = arith.index_cast %get3A_895 : i32 to index
      %get3A_897 = arith.index_cast %mul3A_894 : i32 to index
      %get3A_898 = tpu.vector_load %arg6[%get3A_896, %get3A_897] {strides = array<i32>} : memref<16x2048xi32, #tpu.memory_space<vmem>>, vector<16xi32>,
      tpu.vector_store_idx %arg7[%get3A_898], %add3A_875 : memref<4112xi32, #tpu.memory_space<vmem>>[vector<16xi32>], vector<16xi32>,
      %mul3A_899 = arith.constant 16 : i32
      %mul3A_900 = arith.muli %scan3A_868, %mul3A_899 : i32
      %get3A_901 = arith.constant 4 : i32
      %get3A_902 = arith.index_cast %get3A_901 : i32 to index
      %get3A_903 = arith.index_cast %mul3A_900 : i32 to index
      %get3A_904 = tpu.vector_load %arg6[%get3A_902, %get3A_903] {strides = array<i32>} : memref<16x2048xi32, #tpu.memory_space<vmem>>, vector<16xi32>,
      tpu.vector_store_idx %arg7[%get3A_904], %add3A_875 : memref<4112xi32, #tpu.memory_space<vmem>>[vector<16xi32>], vector<16xi32>,
      %mul3A_905 = arith.constant 16 : i32
      %mul3A_906 = arith.muli %scan3A_868, %mul3A_905 : i32
      %get3A_907 = arith.constant 5 : i32
      %get3A_908 = arith.index_cast %get3A_907 : i32 to index
      %get3A_909 = arith.index_cast %mul3A_906 : i32 to index
      %get3A_910 = tpu.vector_load %arg6[%get3A_908, %get3A_909] {strides = array<i32>} : memref<16x2048xi32, #tpu.memory_space<vmem>>, vector<16xi32>,
      tpu.vector_store_idx %arg7[%get3A_910], %add3A_875 : memref<4112xi32, #tpu.memory_space<vmem>>[vector<16xi32>], vector<16xi32>,
      %mul3A_911 = arith.constant 16 : i32
      %mul3A_912 = arith.muli %scan3A_868, %mul3A_911 : i32
      %get3A_913 = arith.constant 6 : i32
      %get3A_914 = arith.index_cast %get3A_913 : i32 to index
      %get3A_915 = arith.index_cast %mul3A_912 : i32 to index
      %get3A_916 = tpu.vector_load %arg6[%get3A_914, %get3A_915] {strides = array<i32>} : memref<16x2048xi32, #tpu.memory_space<vmem>>, vector<16xi32>,
      tpu.vector_store_idx %arg7[%get3A_916], %add3A_875 : memref<4112xi32, #tpu.memory_space<vmem>>[vector<16xi32>], vector<16xi32>,
      %mul3A_917 = arith.constant 16 : i32
      %mul3A_918 = arith.muli %scan3A_868, %mul3A_917 : i32
      %get3A_919 = arith.constant 7 : i32
      %get3A_920 = arith.index_cast %get3A_919 : i32 to index
      %get3A_921 = arith.index_cast %mul3A_918 : i32 to index
      %get3A_922 = tpu.vector_load %arg6[%get3A_920, %get3A_921] {strides = array<i32>} : memref<16x2048xi32, #tpu.memory_space<vmem>>, vector<16xi32>,
      tpu.vector_store_idx %arg7[%get3A_922], %add3A_875 : memref<4112xi32, #tpu.memory_space<vmem>>[vector<16xi32>], vector<16xi32>,
      %mul3A_923 = arith.constant 16 : i32
      %mul3A_924 = arith.muli %scan3A_868, %mul3A_923 : i32
      %get3A_925 = arith.constant 8 : i32
      %get3A_926 = arith.index_cast %get3A_925 : i32 to index
      %get3A_927 = arith.index_cast %mul3A_924 : i32 to index
      %get3A_928 = tpu.vector_load %arg6[%get3A_926, %get3A_927] {strides = array<i32>} : memref<16x2048xi32, #tpu.memory_space<vmem>>, vector<16xi32>,
      tpu.vector_store_idx %arg7[%get3A_928], %add3A_875 : memref<4112xi32, #tpu.memory_space<vmem>>[vector<16xi32>], vector<16xi32>,
      %mul3A_929 = arith.constant 16 : i32
      %mul3A_930 = arith.muli %scan3A_868, %mul3A_929 : i32
      %get3A_931 = arith.constant 9 : i32
      %get3A_932 = arith.index_cast %get3A_931 : i32 to index
      %get3A_933 = arith.index_cast %mul3A_930 : i32 to index
      %get3A_934 = tpu.vector_load %arg6[%get3A_932, %get3A_933] {strides = array<i32>} : memref<16x2048xi32, #tpu.memory_space<vmem>>, vector<16xi32>,
      tpu.vector_store_idx %arg7[%get3A_934], %add3A_875 : memref<4112xi32, #tpu.memory_space<vmem>>[vector<16xi32>], vector<16xi32>,
      %mul3A_935 = arith.constant 16 : i32
      %mul3A_936 = arith.muli %scan3A_868, %mul3A_935 : i32
      %get3A_937 = arith.constant 10 : i32
      %get3A_938 = arith.index_cast %get3A_937 : i32 to index
      %get3A_939 = arith.index_cast %mul3A_936 : i32 to index
      %get3A_940 = tpu.vector_load %arg6[%get3A_938, %get3A_939] {strides = array<i32>} : memref<16x2048xi32, #tpu.memory_space<vmem>>, vector<16xi32>,
      tpu.vector_store_idx %arg7[%get3A_940], %add3A_875 : memref<4112xi32, #tpu.memory_space<vmem>>[vector<16xi32>], vector<16xi32>,
      %mul3A_941 = arith.constant 16 : i32
      %mul3A_942 = arith.muli %scan3A_868, %mul3A_941 : i32
      %get3A_943 = arith.constant 11 : i32
      %get3A_944 = arith.index_cast %get3A_943 : i32 to index
      %get3A_945 = arith.index_cast %mul3A_942 : i32 to index
      %get3A_946 = tpu.vector_load %arg6[%get3A_944, %get3A_945] {strides = array<i32>} : memref<16x2048xi32, #tpu.memory_space<vmem>>, vector<16xi32>,
      tpu.vector_store_idx %arg7[%get3A_946], %add3A_875 : memref<4112xi32, #tpu.memory_space<vmem>>[vector<16xi32>], vector<16xi32>,
      %mul3A_947 = arith.constant 16 : i32
      %mul3A_948 = arith.muli %scan3A_868, %mul3A_947 : i32
      %get3A_949 = arith.constant 12 : i32
      %get3A_950 = arith.index_cast %get3A_949 : i32 to index
      %get3A_951 = arith.index_cast %mul3A_948 : i32 to index
      %get3A_952 = tpu.vector_load %arg6[%get3A_950, %get3A_951] {strides = array<i32>} : memref<16x2048xi32, #tpu.memory_space<vmem>>, vector<16xi32>,
      tpu.vector_store_idx %arg7[%get3A_952], %add3A_875 : memref<4112xi32, #tpu.memory_space<vmem>>[vector<16xi32>], vector<16xi32>,
      %mul3A_953 = arith.constant 16 : i32
      %mul3A_954 = arith.muli %scan3A_868, %mul3A_953 : i32
      %get3A_955 = arith.constant 13 : i32
      %get3A_956 = arith.index_cast %get3A_955 : i32 to index
      %get3A_957 = arith.index_cast %mul3A_954 : i32 to index
      %get3A_958 = tpu.vector_load %arg6[%get3A_956, %get3A_957] {strides = array<i32>} : memref<16x2048xi32, #tpu.memory_space<vmem>>, vector<16xi32>,
      tpu.vector_store_idx %arg7[%get3A_958], %add3A_875 : memref<4112xi32, #tpu.memory_space<vmem>>[vector<16xi32>], vector<16xi32>,
      %mul3A_959 = arith.constant 16 : i32
      %mul3A_960 = arith.muli %scan3A_868, %mul3A_959 : i32
      %get3A_961 = arith.constant 14 : i32
      %get3A_962 = arith.index_cast %get3A_961 : i32 to index
      %get3A_963 = arith.index_cast %mul3A_960 : i32 to index
      %get3A_964 = tpu.vector_load %arg6[%get3A_962, %get3A_963] {strides = array<i32>} : memref<16x2048xi32, #tpu.memory_space<vmem>>, vector<16xi32>,
      tpu.vector_store_idx %arg7[%get3A_964], %add3A_875 : memref<4112xi32, #tpu.memory_space<vmem>>[vector<16xi32>], vector<16xi32>,
      %mul3A_965 = arith.constant 16 : i32
      %mul3A_966 = arith.muli %scan3A_868, %mul3A_965 : i32
      %get3A_967 = arith.constant 15 : i32
      %get3A_968 = arith.index_cast %get3A_967 : i32 to index
      %get3A_969 = arith.index_cast %mul3A_966 : i32 to index
      %get3A_970 = tpu.vector_load %arg6[%get3A_968, %get3A_969] {strides = array<i32>} : memref<16x2048xi32, #tpu.memory_space<vmem>>, vector<16xi32>,
      tpu.vector_store_idx %arg7[%get3A_970], %add3A_875 : memref<4112xi32, #tpu.memory_space<vmem>>[vector<16xi32>], vector<16xi32>,
    }
    %scan3A_42 = arith.constant 128 : i32
    "tpu.trace_stop"() : () -> ()
    "tpu.trace_start"() <{level = 10 : i32, message = "p2_idx"}> : () -> ()
    %mul3A_43 = arith.constant 1024 : i32
    %mul3A_44 = arith.muli %select_n3A_30, %mul3A_43 : i32
    %scan3A_45 = arith.constant 0 : i32
    %scan3A_46 = arith.constant 0 : i32
    %scan3A_47 = arith.constant 64 : i32
    %scan3A_48 = arith.addi %scan3A_46, %scan3A_47 : i32
    %scan3A_49 = arith.constant 1 : i32
    scf.for %scan3A_868 = %scan3A_46 to %scan3A_48 step %scan3A_49  : i32 {
      %mul3A_869 = arith.constant 16 : i32
      %mul3A_870 = arith.muli %scan3A_868, %mul3A_869 : i32
      %add3A_871 = arith.addi %mul3A_44, %mul3A_870 : i32
      %get3A = arith.index_cast %add3A_871 : i32 to index
      %get3A_872 = tpu.vector_load %arg7[%get3A] {strides = array<i32>} : memref<4112xi32, #tpu.memory_space<vmem>>, vector<16xi32>,
      %mul3A_873 = arith.constant 2048 : i32
      %mul3A_874 = arith.muli %select_n3A, %mul3A_873 : i32
      %sub3A_875 = arith.constant 1 : i32
      %sub3A_876 = vector.broadcast %sub3A_875 : i32 to vector<16xi32>
      %sub3A_877 = arith.subi %get3A_872, %sub3A_876 : vector<16xi32>
      %max3A = arith.constant 0 : i32
      %max3A_878 = vector.broadcast %max3A : i32 to vector<16xi32>
      %max3A_879 = arith.maxsi %sub3A_877, %max3A_878 : vector<16xi32>
      %add3A_880 = vector.broadcast %mul3A_874 : i32 to vector<16xi32>
      %add3A_881 = arith.addi %add3A_880, %max3A_879 : vector<16xi32>
      %mul3A_882 = arith.constant 16 : i32
      %mul3A_883 = arith.muli %scan3A_868, %mul3A_882 : i32
      %swap3A = arith.index_cast %mul3A_883 : i32 to index
      %swap3A_884 = tpu.vector_load %arg8[%swap3A] {strides = array<i32>} : memref<1024xi32, #tpu.memory_space<vmem>>, vector<16xi32>,
      tpu.vector_store %arg8[%swap3A], %add3A_881 {strides = array<i32>} : memref<1024xi32, #tpu.memory_space<vmem>>, vector<16xi32>,
    }
    %scan3A_50 = arith.constant 64 : i32
    %eq3A_51 = arith.constant 0 : i32
    "tpu.trace_stop"() : () -> ()
    "tpu.trace_start"() <{level = 10 : i32, message = "p2_map_out"}> : () -> ()
    %eq3A_52 = arith.cmpi eq, %select_n3A_30, %eq3A_51 : i32
    %convert_element_type3A = arith.extui %eq3A_52 : i1 to i32
    %cond3A = arith.constant 0 : i32
    %cond3A_53 = arith.cmpi ne, %convert_element_type3A, %cond3A : i32
    scf.if %cond3A_53 {
      %mul3A_868 = arith.constant 4112 : i32
      %mul3A_869 = arith.muli %select_n3A, %mul3A_868 : i32
      "tpu.region"() ({
        %run_scoped3A = tpu.sem_alloc : memref<!tpu.dma_semaphore, #tpu.memory_space<semaphore_mem>>
        %dma_start3A_870 = tpu.memref_slice %arg5[%mul3A_869] : memref<32896xi32, #tpu.memory_space<hbm>> -> memref<4112xi32, #tpu.memory_space<hbm>>
        %dma_start3A_871 = tpu.memref_slice %arg5[%mul3A_869] : memref<32896xi32, #tpu.memory_space<hbm>> -> memref<4112xi32, #tpu.memory_space<hbm>>
        tpu.enqueue_dma source(%arg7 : memref<4112xi32, #tpu.memory_space<vmem>>) target(%dma_start3A_871 : memref<4112xi32, #tpu.memory_space<hbm>>) target_semaphore(%run_scoped3A : memref<!tpu.dma_semaphore, #tpu.memory_space<semaphore_mem>>)
        %dma_wait3A_872 = tpu.memref_slice %arg5[%mul3A_869] : memref<32896xi32, #tpu.memory_space<hbm>> -> memref<4112xi32, #tpu.memory_space<hbm>>
        %dma_wait3A_873 = tpu.memref_slice %arg5[%mul3A_869] : memref<32896xi32, #tpu.memory_space<hbm>> -> memref<4112xi32, #tpu.memory_space<hbm>>
        tpu.wait_dma2 semaphore(%run_scoped3A : memref<!tpu.dma_semaphore, #tpu.memory_space<semaphore_mem>>) src(%arg7 : memref<4112xi32, #tpu.memory_space<vmem>>) dst(%dma_wait3A_873 : memref<4112xi32, #tpu.memory_space<hbm>>)
        tpu.yield
      }) : () -> ()
    } else {
    }
    %dma_start3A = arith.constant 0 : i32
    "tpu.trace_stop"() : () -> ()
    "tpu.trace_start"() <{level = 10 : i32, message = "p2_ring"}> : () -> ()
    %dma_start3A_54 = arith.constant 0 : i32
    %dma_start3A_55 = arith.constant 0 : i32
    %dma_start3A_56 = tpu.memref_slice %arg9[%dma_start3A, %dma_start3A_54, %dma_start3A_55] : memref<4x64x256xf32, #tpu.memory_space<vmem>> -> memref<1x64x256xf32, #tpu.memory_space<vmem>>
    %dma_start3A_57 = tpu.memref_squeeze %dma_start3A_56 : memref<1x64x256xf32, #tpu.memory_space<vmem>> -> memref<64x256xf32, #tpu.memory_space<vmem>>
    %dma_start3A_58 = arith.constant 0 : i32
    %dma_start3A_59 = tpu.memref_slice %arg8[%dma_start3A_58] : memref<1024xi32, #tpu.memory_space<vmem>> -> memref<64xi32, #tpu.memory_space<vmem>>
    %dma_start3A_60 = arith.constant 0 : i32
    %dma_start3A_61 = arith.constant 0 : i32
    %dma_start3A_62 = tpu.memref_slice %arg3[%dma_start3A_60, %dma_start3A_61] : memref<16384x256xf32, #tpu.memory_space<hbm>> -> memref<16384x256xf32, #tpu.memory_space<hbm>>
    tpu.enqueue_indirect_dma source(%dma_start3A_62 : memref<16384x256xf32, #tpu.memory_space<hbm>>) target(%dma_start3A_57 : memref<64x256xf32, #tpu.memory_space<vmem>>) offsets(%dma_start3A_59 : memref<64xi32, #tpu.memory_space<vmem>>) semaphore(%arg10 : memref<!tpu.dma_semaphore, #tpu.memory_space<semaphore_mem>>)
    %dma_start3A_63 = arith.constant 1 : i32
    %dma_start3A_64 = arith.constant 0 : i32
    %dma_start3A_65 = arith.constant 0 : i32
    %dma_start3A_66 = tpu.memref_slice %arg9[%dma_start3A_63, %dma_start3A_64, %dma_start3A_65] : memref<4x64x256xf32, #tpu.memory_space<vmem>> -> memref<1x64x256xf32, #tpu.memory_space<vmem>>
    %dma_start3A_67 = tpu.memref_squeeze %dma_start3A_66 : memref<1x64x256xf32, #tpu.memory_space<vmem>> -> memref<64x256xf32, #tpu.memory_space<vmem>>
    %dma_start3A_68 = arith.constant 64 : i32
    %dma_start3A_69 = tpu.memref_slice %arg8[%dma_start3A_68] : memref<1024xi32, #tpu.memory_space<vmem>> -> memref<64xi32, #tpu.memory_space<vmem>>
    %dma_start3A_70 = arith.constant 0 : i32
    %dma_start3A_71 = arith.constant 0 : i32
    %dma_start3A_72 = tpu.memref_slice %arg3[%dma_start3A_70, %dma_start3A_71] : memref<16384x256xf32, #tpu.memory_space<hbm>> -> memref<16384x256xf32, #tpu.memory_space<hbm>>
    tpu.enqueue_indirect_dma source(%dma_start3A_72 : memref<16384x256xf32, #tpu.memory_space<hbm>>) target(%dma_start3A_67 : memref<64x256xf32, #tpu.memory_space<vmem>>) offsets(%dma_start3A_69 : memref<64xi32, #tpu.memory_space<vmem>>) semaphore(%arg10 : memref<!tpu.dma_semaphore, #tpu.memory_space<semaphore_mem>>)
    %dma_start3A_73 = arith.constant 2 : i32
    %dma_start3A_74 = arith.constant 0 : i32
    %dma_start3A_75 = arith.constant 0 : i32
    %dma_start3A_76 = tpu.memref_slice %arg9[%dma_start3A_73, %dma_start3A_74, %dma_start3A_75] : memref<4x64x256xf32, #tpu.memory_space<vmem>> -> memref<1x64x256xf32, #tpu.memory_space<vmem>>
    %dma_start3A_77 = tpu.memref_squeeze %dma_start3A_76 : memref<1x64x256xf32, #tpu.memory_space<vmem>> -> memref<64x256xf32, #tpu.memory_space<vmem>>
    %dma_start3A_78 = arith.constant 128 : i32
    %dma_start3A_79 = tpu.memref_slice %arg8[%dma_start3A_78] : memref<1024xi32, #tpu.memory_space<vmem>> -> memref<64xi32, #tpu.memory_space<vmem>>
    %dma_start3A_80 = arith.constant 0 : i32
    %dma_start3A_81 = arith.constant 0 : i32
    %dma_start3A_82 = tpu.memref_slice %arg3[%dma_start3A_80, %dma_start3A_81] : memref<16384x256xf32, #tpu.memory_space<hbm>> -> memref<16384x256xf32, #tpu.memory_space<hbm>>
    tpu.enqueue_indirect_dma source(%dma_start3A_82 : memref<16384x256xf32, #tpu.memory_space<hbm>>) target(%dma_start3A_77 : memref<64x256xf32, #tpu.memory_space<vmem>>) offsets(%dma_start3A_79 : memref<64xi32, #tpu.memory_space<vmem>>) semaphore(%arg10 : memref<!tpu.dma_semaphore, #tpu.memory_space<semaphore_mem>>)
    %dma_wait3A = arith.constant 0 : i32
    %dma_wait3A_83 = arith.constant 0 : i32
    %dma_wait3A_84 = arith.constant 0 : i32
    %dma_wait3A_85 = tpu.memref_slice %arg9[%dma_wait3A, %dma_wait3A_83, %dma_wait3A_84] : memref<4x64x256xf32, #tpu.memory_space<vmem>> -> memref<1x64x256xf32, #tpu.memory_space<vmem>>
    %dma_wait3A_86 = tpu.memref_squeeze %dma_wait3A_85 : memref<1x64x256xf32, #tpu.memory_space<vmem>> -> memref<64x256xf32, #tpu.memory_space<vmem>>
    %dma_wait3A_87 = arith.constant 0 : i32
    %dma_wait3A_88 = tpu.memref_slice %arg8[%dma_wait3A_87] : memref<1024xi32, #tpu.memory_space<vmem>> -> memref<64xi32, #tpu.memory_space<vmem>>
    %dma_wait3A_89 = arith.constant 0 : i32
    %dma_wait3A_90 = arith.constant 0 : i32
    %dma_wait3A_91 = tpu.memref_slice %arg3[%dma_wait3A_89, %dma_wait3A_90] : memref<16384x256xf32, #tpu.memory_space<hbm>> -> memref<16384x256xf32, #tpu.memory_space<hbm>>
    tpu.wait_indirect_dma semaphore(%arg10 : memref<!tpu.dma_semaphore, #tpu.memory_space<semaphore_mem>>) src(%dma_wait3A_91 : memref<16384x256xf32, #tpu.memory_space<hbm>>) dst(%dma_wait3A_86 : memref<64x256xf32, #tpu.memory_space<vmem>>)
    %mul3A_92 = arith.constant 4096 : i32
    %mul3A_93 = arith.muli %select_n3A, %mul3A_92 : i32
    %add3A_94 = arith.addi %mul3A_93, %mul3A_44 : i32
    %add3A_95 = arith.constant 0 : i32
    %add3A_96 = arith.addi %add3A_94, %add3A_95 : i32
    %dma_start3A_97 = arith.constant 0 : i32
    %dma_start3A_98 = arith.constant 0 : i32
    %dma_start3A_99 = arith.constant 0 : i32
    %dma_start3A_100 = tpu.memref_slice %arg9[%dma_start3A_97, %dma_start3A_98, %dma_start3A_99] : memref<4x64x256xf32, #tpu.memory_space<vmem>> -> memref<1x64x256xf32, #tpu.memory_space<vmem>>
    %dma_start3A_101 = tpu.memref_squeeze %dma_start3A_100 : memref<1x64x256xf32, #tpu.memory_space<vmem>> -> memref<64x256xf32, #tpu.memory_space<vmem>>
    %dma_start3A_102 = arith.constant 0 : i32
    %dma_start3A_103 = tpu.memref_slice %arg4[%add3A_96, %dma_start3A_102] : memref<32768x256xf32, #tpu.memory_space<hbm>> -> memref<64x256xf32, #tpu.memory_space<hbm>>
    %dma_start3A_104 = arith.constant 0 : i32
    %dma_start3A_105 = tpu.memref_slice %arg4[%add3A_96, %dma_start3A_104] : memref<32768x256xf32, #tpu.memory_space<hbm>> -> memref<64x256xf32, #tpu.memory_space<hbm>>
    %dma_start3A_106 = arith.constant 0 : i32
    %dma_start3A_107 = arith.constant 0 : i32
    %dma_start3A_108 = tpu.memref_slice %arg9[%dma_start3A_97, %dma_start3A_106, %dma_start3A_107] : memref<4x64x256xf32, #tpu.memory_space<vmem>> -> memref<1x64x256xf32, #tpu.memory_space<vmem>>
    %dma_start3A_109 = tpu.memref_squeeze %dma_start3A_108 : memref<1x64x256xf32, #tpu.memory_space<vmem>> -> memref<64x256xf32, #tpu.memory_space<vmem>>
    tpu.enqueue_dma source(%dma_start3A_109 : memref<64x256xf32, #tpu.memory_space<vmem>>) target(%dma_start3A_105 : memref<64x256xf32, #tpu.memory_space<hbm>>) target_semaphore(%arg11 : memref<!tpu.dma_semaphore, #tpu.memory_space<semaphore_mem>>)
    %dma_start3A_110 = arith.constant 3 : i32
    %dma_start3A_111 = arith.constant 0 : i32
    %dma_start3A_112 = arith.constant 0 : i32
    %dma_start3A_113 = tpu.memref_slice %arg9[%dma_start3A_110, %dma_start3A_111, %dma_start3A_112] : memref<4x64x256xf32, #tpu.memory_space<vmem>> -> memref<1x64x256xf32, #tpu.memory_space<vmem>>
    %dma_start3A_114 = tpu.memref_squeeze %dma_start3A_113 : memref<1x64x256xf32, #tpu.memory_space<vmem>> -> memref<64x256xf32, #tpu.memory_space<vmem>>
    %dma_start3A_115 = arith.constant 192 : i32
    %dma_start3A_116 = tpu.memref_slice %arg8[%dma_start3A_115] : memref<1024xi32, #tpu.memory_space<vmem>> -> memref<64xi32, #tpu.memory_space<vmem>>
    %dma_start3A_117 = arith.constant 0 : i32
    %dma_start3A_118 = arith.constant 0 : i32
    %dma_start3A_119 = tpu.memref_slice %arg3[%dma_start3A_117, %dma_start3A_118] : memref<16384x256xf32, #tpu.memory_space<hbm>> -> memref<16384x256xf32, #tpu.memory_space<hbm>>
    tpu.enqueue_indirect_dma source(%dma_start3A_119 : memref<16384x256xf32, #tpu.memory_space<hbm>>) target(%dma_start3A_114 : memref<64x256xf32, #tpu.memory_space<vmem>>) offsets(%dma_start3A_116 : memref<64xi32, #tpu.memory_space<vmem>>) semaphore(%arg10 : memref<!tpu.dma_semaphore, #tpu.memory_space<semaphore_mem>>)
    %dma_wait3A_120 = arith.constant 1 : i32
    %dma_wait3A_121 = arith.constant 0 : i32
    %dma_wait3A_122 = arith.constant 0 : i32
    %dma_wait3A_123 = tpu.memref_slice %arg9[%dma_wait3A_120, %dma_wait3A_121, %dma_wait3A_122] : memref<4x64x256xf32, #tpu.memory_space<vmem>> -> memref<1x64x256xf32, #tpu.memory_space<vmem>>
    %dma_wait3A_124 = tpu.memref_squeeze %dma_wait3A_123 : memref<1x64x256xf32, #tpu.memory_space<vmem>> -> memref<64x256xf32, #tpu.memory_space<vmem>>
    %dma_wait3A_125 = arith.constant 64 : i32
    %dma_wait3A_126 = tpu.memref_slice %arg8[%dma_wait3A_125] : memref<1024xi32, #tpu.memory_space<vmem>> -> memref<64xi32, #tpu.memory_space<vmem>>
    %dma_wait3A_127 = arith.constant 0 : i32
    %dma_wait3A_128 = arith.constant 0 : i32
    %dma_wait3A_129 = tpu.memref_slice %arg3[%dma_wait3A_127, %dma_wait3A_128] : memref<16384x256xf32, #tpu.memory_space<hbm>> -> memref<16384x256xf32, #tpu.memory_space<hbm>>
    tpu.wait_indirect_dma semaphore(%arg10 : memref<!tpu.dma_semaphore, #tpu.memory_space<semaphore_mem>>) src(%dma_wait3A_129 : memref<16384x256xf32, #tpu.memory_space<hbm>>) dst(%dma_wait3A_124 : memref<64x256xf32, #tpu.memory_space<vmem>>)
    %mul3A_130 = arith.constant 4096 : i32
    %mul3A_131 = arith.muli %select_n3A, %mul3A_130 : i32
    %add3A_132 = arith.addi %mul3A_131, %mul3A_44 : i32
    %add3A_133 = arith.constant 64 : i32
    %add3A_134 = arith.addi %add3A_132, %add3A_133 : i32
    %dma_start3A_135 = arith.constant 1 : i32
    %dma_start3A_136 = arith.constant 0 : i32
    %dma_start3A_137 = arith.constant 0 : i32
    %dma_start3A_138 = tpu.memref_slice %arg9[%dma_start3A_135, %dma_start3A_136, %dma_start3A_137] : memref<4x64x256xf32, #tpu.memory_space<vmem>> -> memref<1x64x256xf32, #tpu.memory_space<vmem>>
    %dma_start3A_139 = tpu.memref_squeeze %dma_start3A_138 : memref<1x64x256xf32, #tpu.memory_space<vmem>> -> memref<64x256xf32, #tpu.memory_space<vmem>>
    %dma_start3A_140 = arith.constant 0 : i32
    %dma_start3A_141 = tpu.memref_slice %arg4[%add3A_134, %dma_start3A_140] : memref<32768x256xf32, #tpu.memory_space<hbm>> -> memref<64x256xf32, #tpu.memory_space<hbm>>
    %dma_start3A_142 = arith.constant 0 : i32
    %dma_start3A_143 = tpu.memref_slice %arg4[%add3A_134, %dma_start3A_142] : memref<32768x256xf32, #tpu.memory_space<hbm>> -> memref<64x256xf32, #tpu.memory_space<hbm>>
    %dma_start3A_144 = arith.constant 0 : i32
    %dma_start3A_145 = arith.constant 0 : i32
    %dma_start3A_146 = tpu.memref_slice %arg9[%dma_start3A_135, %dma_start3A_144, %dma_start3A_145] : memref<4x64x256xf32, #tpu.memory_space<vmem>> -> memref<1x64x256xf32, #tpu.memory_space<vmem>>
    %dma_start3A_147 = tpu.memref_squeeze %dma_start3A_146 : memref<1x64x256xf32, #tpu.memory_space<vmem>> -> memref<64x256xf32, #tpu.memory_space<vmem>>
    tpu.enqueue_dma source(%dma_start3A_147 : memref<64x256xf32, #tpu.memory_space<vmem>>) target(%dma_start3A_143 : memref<64x256xf32, #tpu.memory_space<hbm>>) target_semaphore(%arg11 : memref<!tpu.dma_semaphore, #tpu.memory_space<semaphore_mem>>)
    %dma_wait3A_148 = arith.constant 0 : i32
    %dma_wait3A_149 = arith.constant 0 : i32
    %dma_wait3A_150 = arith.constant 0 : i32
    %dma_wait3A_151 = tpu.memref_slice %arg9[%dma_wait3A_148, %dma_wait3A_149, %dma_wait3A_150] : memref<4x64x256xf32, #tpu.memory_space<vmem>> -> memref<1x64x256xf32, #tpu.memory_space<vmem>>
    %dma_wait3A_152 = tpu.memref_squeeze %dma_wait3A_151 : memref<1x64x256xf32, #tpu.memory_space<vmem>> -> memref<64x256xf32, #tpu.memory_space<vmem>>
    %dma_wait3A_153 = arith.constant 0 : i32
    %dma_wait3A_154 = tpu.memref_slice %arg4[%add3A_96, %dma_wait3A_153] : memref<32768x256xf32, #tpu.memory_space<hbm>> -> memref<64x256xf32, #tpu.memory_space<hbm>>
    %dma_wait3A_155 = arith.constant 0 : i32
    %dma_wait3A_156 = tpu.memref_slice %arg4[%add3A_96, %dma_wait3A_155] : memref<32768x256xf32, #tpu.memory_space<hbm>> -> memref<64x256xf32, #tpu.memory_space<hbm>>
    %dma_wait3A_157 = arith.constant 0 : i32
    %dma_wait3A_158 = arith.constant 0 : i32
    %dma_wait3A_159 = tpu.memref_slice %arg9[%dma_wait3A_148, %dma_wait3A_157, %dma_wait3A_158] : memref<4x64x256xf32, #tpu.memory_space<vmem>> -> memref<1x64x256xf32, #tpu.memory_space<vmem>>
    %dma_wait3A_160 = tpu.memref_squeeze %dma_wait3A_159 : memref<1x64x256xf32, #tpu.memory_space<vmem>> -> memref<64x256xf32, #tpu.memory_space<vmem>>
    tpu.wait_dma2 semaphore(%arg11 : memref<!tpu.dma_semaphore, #tpu.memory_space<semaphore_mem>>) src(%dma_wait3A_160 : memref<64x256xf32, #tpu.memory_space<vmem>>) dst(%dma_wait3A_156 : memref<64x256xf32, #tpu.memory_space<hbm>>)
    %dma_start3A_161 = arith.constant 0 : i32
    %dma_start3A_162 = arith.constant 0 : i32
    %dma_start3A_163 = arith.constant 0 : i32
    %dma_start3A_164 = tpu.memref_slice %arg9[%dma_start3A_161, %dma_start3A_162, %dma_start3A_163] : memref<4x64x256xf32, #tpu.memory_space<vmem>> -> memref<1x64x256xf32, #tpu.memory_space<vmem>>
    %dma_start3A_165 = tpu.memref_squeeze %dma_start3A_164 : memref<1x64x256xf32, #tpu.memory_space<vmem>> -> memref<64x256xf32, #tpu.memory_space<vmem>>
    %dma_start3A_166 = arith.constant 256 : i32
    %dma_start3A_167 = tpu.memref_slice %arg8[%dma_start3A_166] : memref<1024xi32, #tpu.memory_space<vmem>> -> memref<64xi32, #tpu.memory_space<vmem>>
    %dma_start3A_168 = arith.constant 0 : i32
    %dma_start3A_169 = arith.constant 0 : i32
    %dma_start3A_170 = tpu.memref_slice %arg3[%dma_start3A_168, %dma_start3A_169] : memref<16384x256xf32, #tpu.memory_space<hbm>> -> memref<16384x256xf32, #tpu.memory_space<hbm>>
    tpu.enqueue_indirect_dma source(%dma_start3A_170 : memref<16384x256xf32, #tpu.memory_space<hbm>>) target(%dma_start3A_165 : memref<64x256xf32, #tpu.memory_space<vmem>>) offsets(%dma_start3A_167 : memref<64xi32, #tpu.memory_space<vmem>>) semaphore(%arg10 : memref<!tpu.dma_semaphore, #tpu.memory_space<semaphore_mem>>)
    %dma_wait3A_171 = arith.constant 2 : i32
    %dma_wait3A_172 = arith.constant 0 : i32
    %dma_wait3A_173 = arith.constant 0 : i32
    %dma_wait3A_174 = tpu.memref_slice %arg9[%dma_wait3A_171, %dma_wait3A_172, %dma_wait3A_173] : memref<4x64x256xf32, #tpu.memory_space<vmem>> -> memref<1x64x256xf32, #tpu.memory_space<vmem>>
    %dma_wait3A_175 = tpu.memref_squeeze %dma_wait3A_174 : memref<1x64x256xf32, #tpu.memory_space<vmem>> -> memref<64x256xf32, #tpu.memory_space<vmem>>
    %dma_wait3A_176 = arith.constant 128 : i32
    %dma_wait3A_177 = tpu.memref_slice %arg8[%dma_wait3A_176] : memref<1024xi32, #tpu.memory_space<vmem>> -> memref<64xi32, #tpu.memory_space<vmem>>
    %dma_wait3A_178 = arith.constant 0 : i32
    %dma_wait3A_179 = arith.constant 0 : i32
    %dma_wait3A_180 = tpu.memref_slice %arg3[%dma_wait3A_178, %dma_wait3A_179] : memref<16384x256xf32, #tpu.memory_space<hbm>> -> memref<16384x256xf32, #tpu.memory_space<hbm>>
    tpu.wait_indirect_dma semaphore(%arg10 : memref<!tpu.dma_semaphore, #tpu.memory_space<semaphore_mem>>) src(%dma_wait3A_180 : memref<16384x256xf32, #tpu.memory_space<hbm>>) dst(%dma_wait3A_175 : memref<64x256xf32, #tpu.memory_space<vmem>>)
    %mul3A_181 = arith.constant 4096 : i32
    %mul3A_182 = arith.muli %select_n3A, %mul3A_181 : i32
    %add3A_183 = arith.addi %mul3A_182, %mul3A_44 : i32
    %add3A_184 = arith.constant 128 : i32
    %add3A_185 = arith.addi %add3A_183, %add3A_184 : i32
    %dma_start3A_186 = arith.constant 2 : i32
    %dma_start3A_187 = arith.constant 0 : i32
    %dma_start3A_188 = arith.constant 0 : i32
    %dma_start3A_189 = tpu.memref_slice %arg9[%dma_start3A_186, %dma_start3A_187, %dma_start3A_188] : memref<4x64x256xf32, #tpu.memory_space<vmem>> -> memref<1x64x256xf32, #tpu.memory_space<vmem>>
    %dma_start3A_190 = tpu.memref_squeeze %dma_start3A_189 : memref<1x64x256xf32, #tpu.memory_space<vmem>> -> memref<64x256xf32, #tpu.memory_space<vmem>>
    %dma_start3A_191 = arith.constant 0 : i32
    %dma_start3A_192 = tpu.memref_slice %arg4[%add3A_185, %dma_start3A_191] : memref<32768x256xf32, #tpu.memory_space<hbm>> -> memref<64x256xf32, #tpu.memory_space<hbm>>
    %dma_start3A_193 = arith.constant 0 : i32
    %dma_start3A_194 = tpu.memref_slice %arg4[%add3A_185, %dma_start3A_193] : memref<32768x256xf32, #tpu.memory_space<hbm>> -> memref<64x256xf32, #tpu.memory_space<hbm>>
    %dma_start3A_195 = arith.constant 0 : i32
    %dma_start3A_196 = arith.constant 0 : i32
    %dma_start3A_197 = tpu.memref_slice %arg9[%dma_start3A_186, %dma_start3A_195, %dma_start3A_196] : memref<4x64x256xf32, #tpu.memory_space<vmem>> -> memref<1x64x256xf32, #tpu.memory_space<vmem>>
    %dma_start3A_198 = tpu.memref_squeeze %dma_start3A_197 : memref<1x64x256xf32, #tpu.memory_space<vmem>> -> memref<64x256xf32, #tpu.memory_space<vmem>>
    tpu.enqueue_dma source(%dma_start3A_198 : memref<64x256xf32, #tpu.memory_space<vmem>>) target(%dma_start3A_194 : memref<64x256xf32, #tpu.memory_space<hbm>>) target_semaphore(%arg11 : memref<!tpu.dma_semaphore, #tpu.memory_space<semaphore_mem>>)
    %dma_wait3A_199 = arith.constant 1 : i32
    %dma_wait3A_200 = arith.constant 0 : i32
    %dma_wait3A_201 = arith.constant 0 : i32
    %dma_wait3A_202 = tpu.memref_slice %arg9[%dma_wait3A_199, %dma_wait3A_200, %dma_wait3A_201] : memref<4x64x256xf32, #tpu.memory_space<vmem>> -> memref<1x64x256xf32, #tpu.memory_space<vmem>>
    %dma_wait3A_203 = tpu.memref_squeeze %dma_wait3A_202 : memref<1x64x256xf32, #tpu.memory_space<vmem>> -> memref<64x256xf32, #tpu.memory_space<vmem>>
    %dma_wait3A_204 = arith.constant 0 : i32
    %dma_wait3A_205 = tpu.memref_slice %arg4[%add3A_134, %dma_wait3A_204] : memref<32768x256xf32, #tpu.memory_space<hbm>> -> memref<64x256xf32, #tpu.memory_space<hbm>>
    %dma_wait3A_206 = arith.constant 0 : i32
    %dma_wait3A_207 = tpu.memref_slice %arg4[%add3A_134, %dma_wait3A_206] : memref<32768x256xf32, #tpu.memory_space<hbm>> -> memref<64x256xf32, #tpu.memory_space<hbm>>
    %dma_wait3A_208 = arith.constant 0 : i32
    %dma_wait3A_209 = arith.constant 0 : i32
    %dma_wait3A_210 = tpu.memref_slice %arg9[%dma_wait3A_199, %dma_wait3A_208, %dma_wait3A_209] : memref<4x64x256xf32, #tpu.memory_space<vmem>> -> memref<1x64x256xf32, #tpu.memory_space<vmem>>
    %dma_wait3A_211 = tpu.memref_squeeze %dma_wait3A_210 : memref<1x64x256xf32, #tpu.memory_space<vmem>> -> memref<64x256xf32, #tpu.memory_space<vmem>>
    tpu.wait_dma2 semaphore(%arg11 : memref<!tpu.dma_semaphore, #tpu.memory_space<semaphore_mem>>) src(%dma_wait3A_211 : memref<64x256xf32, #tpu.memory_space<vmem>>) dst(%dma_wait3A_207 : memref<64x256xf32, #tpu.memory_space<hbm>>)
    %dma_start3A_212 = arith.constant 1 : i32
    %dma_start3A_213 = arith.constant 0 : i32
    %dma_start3A_214 = arith.constant 0 : i32
    %dma_start3A_215 = tpu.memref_slice %arg9[%dma_start3A_212, %dma_start3A_213, %dma_start3A_214] : memref<4x64x256xf32, #tpu.memory_space<vmem>> -> memref<1x64x256xf32, #tpu.memory_space<vmem>>
    %dma_start3A_216 = tpu.memref_squeeze %dma_start3A_215 : memref<1x64x256xf32, #tpu.memory_space<vmem>> -> memref<64x256xf32, #tpu.memory_space<vmem>>
    %dma_start3A_217 = arith.constant 320 : i32
    %dma_start3A_218 = tpu.memref_slice %arg8[%dma_start3A_217] : memref<1024xi32, #tpu.memory_space<vmem>> -> memref<64xi32, #tpu.memory_space<vmem>>
    %dma_start3A_219 = arith.constant 0 : i32
    %dma_start3A_220 = arith.constant 0 : i32
    %dma_start3A_221 = tpu.memref_slice %arg3[%dma_start3A_219, %dma_start3A_220] : memref<16384x256xf32, #tpu.memory_space<hbm>> -> memref<16384x256xf32, #tpu.memory_space<hbm>>
    tpu.enqueue_indirect_dma source(%dma_start3A_221 : memref<16384x256xf32, #tpu.memory_space<hbm>>) target(%dma_start3A_216 : memref<64x256xf32, #tpu.memory_space<vmem>>) offsets(%dma_start3A_218 : memref<64xi32, #tpu.memory_space<vmem>>) semaphore(%arg10 : memref<!tpu.dma_semaphore, #tpu.memory_space<semaphore_mem>>)
    %dma_wait3A_222 = arith.constant 3 : i32
    %dma_wait3A_223 = arith.constant 0 : i32
    %dma_wait3A_224 = arith.constant 0 : i32
    %dma_wait3A_225 = tpu.memref_slice %arg9[%dma_wait3A_222, %dma_wait3A_223, %dma_wait3A_224] : memref<4x64x256xf32, #tpu.memory_space<vmem>> -> memref<1x64x256xf32, #tpu.memory_space<vmem>>
    %dma_wait3A_226 = tpu.memref_squeeze %dma_wait3A_225 : memref<1x64x256xf32, #tpu.memory_space<vmem>> -> memref<64x256xf32, #tpu.memory_space<vmem>>
    %dma_wait3A_227 = arith.constant 192 : i32
    %dma_wait3A_228 = tpu.memref_slice %arg8[%dma_wait3A_227] : memref<1024xi32, #tpu.memory_space<vmem>> -> memref<64xi32, #tpu.memory_space<vmem>>
    %dma_wait3A_229 = arith.constant 0 : i32
    %dma_wait3A_230 = arith.constant 0 : i32
    %dma_wait3A_231 = tpu.memref_slice %arg3[%dma_wait3A_229, %dma_wait3A_230] : memref<16384x256xf32, #tpu.memory_space<hbm>> -> memref<16384x256xf32, #tpu.memory_space<hbm>>
    tpu.wait_indirect_dma semaphore(%arg10 : memref<!tpu.dma_semaphore, #tpu.memory_space<semaphore_mem>>) src(%dma_wait3A_231 : memref<16384x256xf32, #tpu.memory_space<hbm>>) dst(%dma_wait3A_226 : memref<64x256xf32, #tpu.memory_space<vmem>>)
    %mul3A_232 = arith.constant 4096 : i32
    %mul3A_233 = arith.muli %select_n3A, %mul3A_232 : i32
    %add3A_234 = arith.addi %mul3A_233, %mul3A_44 : i32
    %add3A_235 = arith.constant 192 : i32
    %add3A_236 = arith.addi %add3A_234, %add3A_235 : i32
    %dma_start3A_237 = arith.constant 3 : i32
    %dma_start3A_238 = arith.constant 0 : i32
    %dma_start3A_239 = arith.constant 0 : i32
    %dma_start3A_240 = tpu.memref_slice %arg9[%dma_start3A_237, %dma_start3A_238, %dma_start3A_239] : memref<4x64x256xf32, #tpu.memory_space<vmem>> -> memref<1x64x256xf32, #tpu.memory_space<vmem>>
    %dma_start3A_241 = tpu.memref_squeeze %dma_start3A_240 : memref<1x64x256xf32, #tpu.memory_space<vmem>> -> memref<64x256xf32, #tpu.memory_space<vmem>>
    %dma_start3A_242 = arith.constant 0 : i32
    %dma_start3A_243 = tpu.memref_slice %arg4[%add3A_236, %dma_start3A_242] : memref<32768x256xf32, #tpu.memory_space<hbm>> -> memref<64x256xf32, #tpu.memory_space<hbm>>
    %dma_start3A_244 = arith.constant 0 : i32
    %dma_start3A_245 = tpu.memref_slice %arg4[%add3A_236, %dma_start3A_244] : memref<32768x256xf32, #tpu.memory_space<hbm>> -> memref<64x256xf32, #tpu.memory_space<hbm>>
    %dma_start3A_246 = arith.constant 0 : i32
    %dma_start3A_247 = arith.constant 0 : i32
    %dma_start3A_248 = tpu.memref_slice %arg9[%dma_start3A_237, %dma_start3A_246, %dma_start3A_247] : memref<4x64x256xf32, #tpu.memory_space<vmem>> -> memref<1x64x256xf32, #tpu.memory_space<vmem>>
    %dma_start3A_249 = tpu.memref_squeeze %dma_start3A_248 : memref<1x64x256xf32, #tpu.memory_space<vmem>> -> memref<64x256xf32, #tpu.memory_space<vmem>>
    tpu.enqueue_dma source(%dma_start3A_249 : memref<64x256xf32, #tpu.memory_space<vmem>>) target(%dma_start3A_245 : memref<64x256xf32, #tpu.memory_space<hbm>>) target_semaphore(%arg11 : memref<!tpu.dma_semaphore, #tpu.memory_space<semaphore_mem>>)
    %dma_wait3A_250 = arith.constant 2 : i32
    %dma_wait3A_251 = arith.constant 0 : i32
    %dma_wait3A_252 = arith.constant 0 : i32
    %dma_wait3A_253 = tpu.memref_slice %arg9[%dma_wait3A_250, %dma_wait3A_251, %dma_wait3A_252] : memref<4x64x256xf32, #tpu.memory_space<vmem>> -> memref<1x64x256xf32, #tpu.memory_space<vmem>>
    %dma_wait3A_254 = tpu.memref_squeeze %dma_wait3A_253 : memref<1x64x256xf32, #tpu.memory_space<vmem>> -> memref<64x256xf32, #tpu.memory_space<vmem>>
    %dma_wait3A_255 = arith.constant 0 : i32
    %dma_wait3A_256 = tpu.memref_slice %arg4[%add3A_185, %dma_wait3A_255] : memref<32768x256xf32, #tpu.memory_space<hbm>> -> memref<64x256xf32, #tpu.memory_space<hbm>>
    %dma_wait3A_257 = arith.constant 0 : i32
    %dma_wait3A_258 = tpu.memref_slice %arg4[%add3A_185, %dma_wait3A_257] : memref<32768x256xf32, #tpu.memory_space<hbm>> -> memref<64x256xf32, #tpu.memory_space<hbm>>
    %dma_wait3A_259 = arith.constant 0 : i32
    %dma_wait3A_260 = arith.constant 0 : i32
    %dma_wait3A_261 = tpu.memref_slice %arg9[%dma_wait3A_250, %dma_wait3A_259, %dma_wait3A_260] : memref<4x64x256xf32, #tpu.memory_space<vmem>> -> memref<1x64x256xf32, #tpu.memory_space<vmem>>
    %dma_wait3A_262 = tpu.memref_squeeze %dma_wait3A_261 : memref<1x64x256xf32, #tpu.memory_space<vmem>> -> memref<64x256xf32, #tpu.memory_space<vmem>>
    tpu.wait_dma2 semaphore(%arg11 : memref<!tpu.dma_semaphore, #tpu.memory_space<semaphore_mem>>) src(%dma_wait3A_262 : memref<64x256xf32, #tpu.memory_space<vmem>>) dst(%dma_wait3A_258 : memref<64x256xf32, #tpu.memory_space<hbm>>)
    %dma_start3A_263 = arith.constant 2 : i32
    %dma_start3A_264 = arith.constant 0 : i32
    %dma_start3A_265 = arith.constant 0 : i32
    %dma_start3A_266 = tpu.memref_slice %arg9[%dma_start3A_263, %dma_start3A_264, %dma_start3A_265] : memref<4x64x256xf32, #tpu.memory_space<vmem>> -> memref<1x64x256xf32, #tpu.memory_space<vmem>>
    %dma_start3A_267 = tpu.memref_squeeze %dma_start3A_266 : memref<1x64x256xf32, #tpu.memory_space<vmem>> -> memref<64x256xf32, #tpu.memory_space<vmem>>
    %dma_start3A_268 = arith.constant 384 : i32
    %dma_start3A_269 = tpu.memref_slice %arg8[%dma_start3A_268] : memref<1024xi32, #tpu.memory_space<vmem>> -> memref<64xi32, #tpu.memory_space<vmem>>
    %dma_start3A_270 = arith.constant 0 : i32
    %dma_start3A_271 = arith.constant 0 : i32
    %dma_start3A_272 = tpu.memref_slice %arg3[%dma_start3A_270, %dma_start3A_271] : memref<16384x256xf32, #tpu.memory_space<hbm>> -> memref<16384x256xf32, #tpu.memory_space<hbm>>
    tpu.enqueue_indirect_dma source(%dma_start3A_272 : memref<16384x256xf32, #tpu.memory_space<hbm>>) target(%dma_start3A_267 : memref<64x256xf32, #tpu.memory_space<vmem>>) offsets(%dma_start3A_269 : memref<64xi32, #tpu.memory_space<vmem>>) semaphore(%arg10 : memref<!tpu.dma_semaphore, #tpu.memory_space<semaphore_mem>>)
    %dma_wait3A_273 = arith.constant 0 : i32
    %dma_wait3A_274 = arith.constant 0 : i32
    %dma_wait3A_275 = arith.constant 0 : i32
    %dma_wait3A_276 = tpu.memref_slice %arg9[%dma_wait3A_273, %dma_wait3A_274, %dma_wait3A_275] : memref<4x64x256xf32, #tpu.memory_space<vmem>> -> memref<1x64x256xf32, #tpu.memory_space<vmem>>
    %dma_wait3A_277 = tpu.memref_squeeze %dma_wait3A_276 : memref<1x64x256xf32, #tpu.memory_space<vmem>> -> memref<64x256xf32, #tpu.memory_space<vmem>>
    %dma_wait3A_278 = arith.constant 256 : i32
    %dma_wait3A_279 = tpu.memref_slice %arg8[%dma_wait3A_278] : memref<1024xi32, #tpu.memory_space<vmem>> -> memref<64xi32, #tpu.memory_space<vmem>>
    %dma_wait3A_280 = arith.constant 0 : i32
    %dma_wait3A_281 = arith.constant 0 : i32
    %dma_wait3A_282 = tpu.memref_slice %arg3[%dma_wait3A_280, %dma_wait3A_281] : memref<16384x256xf32, #tpu.memory_space<hbm>> -> memref<16384x256xf32, #tpu.memory_space<hbm>>
    tpu.wait_indirect_dma semaphore(%arg10 : memref<!tpu.dma_semaphore, #tpu.memory_space<semaphore_mem>>) src(%dma_wait3A_282 : memref<16384x256xf32, #tpu.memory_space<hbm>>) dst(%dma_wait3A_277 : memref<64x256xf32, #tpu.memory_space<vmem>>)
    %mul3A_283 = arith.constant 4096 : i32
    %mul3A_284 = arith.muli %select_n3A, %mul3A_283 : i32
    %add3A_285 = arith.addi %mul3A_284, %mul3A_44 : i32
    %add3A_286 = arith.constant 256 : i32
    %add3A_287 = arith.addi %add3A_285, %add3A_286 : i32
    %dma_start3A_288 = arith.constant 0 : i32
    %dma_start3A_289 = arith.constant 0 : i32
    %dma_start3A_290 = arith.constant 0 : i32
    %dma_start3A_291 = tpu.memref_slice %arg9[%dma_start3A_288, %dma_start3A_289, %dma_start3A_290] : memref<4x64x256xf32, #tpu.memory_space<vmem>> -> memref<1x64x256xf32, #tpu.memory_space<vmem>>
    %dma_start3A_292 = tpu.memref_squeeze %dma_start3A_291 : memref<1x64x256xf32, #tpu.memory_space<vmem>> -> memref<64x256xf32, #tpu.memory_space<vmem>>
    %dma_start3A_293 = arith.constant 0 : i32
    %dma_start3A_294 = tpu.memref_slice %arg4[%add3A_287, %dma_start3A_293] : memref<32768x256xf32, #tpu.memory_space<hbm>> -> memref<64x256xf32, #tpu.memory_space<hbm>>
    %dma_start3A_295 = arith.constant 0 : i32
    %dma_start3A_296 = tpu.memref_slice %arg4[%add3A_287, %dma_start3A_295] : memref<32768x256xf32, #tpu.memory_space<hbm>> -> memref<64x256xf32, #tpu.memory_space<hbm>>
    %dma_start3A_297 = arith.constant 0 : i32
    %dma_start3A_298 = arith.constant 0 : i32
    %dma_start3A_299 = tpu.memref_slice %arg9[%dma_start3A_288, %dma_start3A_297, %dma_start3A_298] : memref<4x64x256xf32, #tpu.memory_space<vmem>> -> memref<1x64x256xf32, #tpu.memory_space<vmem>>
    %dma_start3A_300 = tpu.memref_squeeze %dma_start3A_299 : memref<1x64x256xf32, #tpu.memory_space<vmem>> -> memref<64x256xf32, #tpu.memory_space<vmem>>
    tpu.enqueue_dma source(%dma_start3A_300 : memref<64x256xf32, #tpu.memory_space<vmem>>) target(%dma_start3A_296 : memref<64x256xf32, #tpu.memory_space<hbm>>) target_semaphore(%arg11 : memref<!tpu.dma_semaphore, #tpu.memory_space<semaphore_mem>>)
    %dma_wait3A_301 = arith.constant 3 : i32
    %dma_wait3A_302 = arith.constant 0 : i32
    %dma_wait3A_303 = arith.constant 0 : i32
    %dma_wait3A_304 = tpu.memref_slice %arg9[%dma_wait3A_301, %dma_wait3A_302, %dma_wait3A_303] : memref<4x64x256xf32, #tpu.memory_space<vmem>> -> memref<1x64x256xf32, #tpu.memory_space<vmem>>
    %dma_wait3A_305 = tpu.memref_squeeze %dma_wait3A_304 : memref<1x64x256xf32, #tpu.memory_space<vmem>> -> memref<64x256xf32, #tpu.memory_space<vmem>>
    %dma_wait3A_306 = arith.constant 0 : i32
    %dma_wait3A_307 = tpu.memref_slice %arg4[%add3A_236, %dma_wait3A_306] : memref<32768x256xf32, #tpu.memory_space<hbm>> -> memref<64x256xf32, #tpu.memory_space<hbm>>
    %dma_wait3A_308 = arith.constant 0 : i32
    %dma_wait3A_309 = tpu.memref_slice %arg4[%add3A_236, %dma_wait3A_308] : memref<32768x256xf32, #tpu.memory_space<hbm>> -> memref<64x256xf32, #tpu.memory_space<hbm>>
    %dma_wait3A_310 = arith.constant 0 : i32
    %dma_wait3A_311 = arith.constant 0 : i32
    %dma_wait3A_312 = tpu.memref_slice %arg9[%dma_wait3A_301, %dma_wait3A_310, %dma_wait3A_311] : memref<4x64x256xf32, #tpu.memory_space<vmem>> -> memref<1x64x256xf32, #tpu.memory_space<vmem>>
    %dma_wait3A_313 = tpu.memref_squeeze %dma_wait3A_312 : memref<1x64x256xf32, #tpu.memory_space<vmem>> -> memref<64x256xf32, #tpu.memory_space<vmem>>
    tpu.wait_dma2 semaphore(%arg11 : memref<!tpu.dma_semaphore, #tpu.memory_space<semaphore_mem>>) src(%dma_wait3A_313 : memref<64x256xf32, #tpu.memory_space<vmem>>) dst(%dma_wait3A_309 : memref<64x256xf32, #tpu.memory_space<hbm>>)
    %dma_start3A_314 = arith.constant 3 : i32
    %dma_start3A_315 = arith.constant 0 : i32
    %dma_start3A_316 = arith.constant 0 : i32
    %dma_start3A_317 = tpu.memref_slice %arg9[%dma_start3A_314, %dma_start3A_315, %dma_start3A_316] : memref<4x64x256xf32, #tpu.memory_space<vmem>> -> memref<1x64x256xf32, #tpu.memory_space<vmem>>
    %dma_start3A_318 = tpu.memref_squeeze %dma_start3A_317 : memref<1x64x256xf32, #tpu.memory_space<vmem>> -> memref<64x256xf32, #tpu.memory_space<vmem>>
    %dma_start3A_319 = arith.constant 448 : i32
    %dma_start3A_320 = tpu.memref_slice %arg8[%dma_start3A_319] : memref<1024xi32, #tpu.memory_space<vmem>> -> memref<64xi32, #tpu.memory_space<vmem>>
    %dma_start3A_321 = arith.constant 0 : i32
    %dma_start3A_322 = arith.constant 0 : i32
    %dma_start3A_323 = tpu.memref_slice %arg3[%dma_start3A_321, %dma_start3A_322] : memref<16384x256xf32, #tpu.memory_space<hbm>> -> memref<16384x256xf32, #tpu.memory_space<hbm>>
    tpu.enqueue_indirect_dma source(%dma_start3A_323 : memref<16384x256xf32, #tpu.memory_space<hbm>>) target(%dma_start3A_318 : memref<64x256xf32, #tpu.memory_space<vmem>>) offsets(%dma_start3A_320 : memref<64xi32, #tpu.memory_space<vmem>>) semaphore(%arg10 : memref<!tpu.dma_semaphore, #tpu.memory_space<semaphore_mem>>)
    %dma_wait3A_324 = arith.constant 1 : i32
    %dma_wait3A_325 = arith.constant 0 : i32
    %dma_wait3A_326 = arith.constant 0 : i32
    %dma_wait3A_327 = tpu.memref_slice %arg9[%dma_wait3A_324, %dma_wait3A_325, %dma_wait3A_326] : memref<4x64x256xf32, #tpu.memory_space<vmem>> -> memref<1x64x256xf32, #tpu.memory_space<vmem>>
    %dma_wait3A_328 = tpu.memref_squeeze %dma_wait3A_327 : memref<1x64x256xf32, #tpu.memory_space<vmem>> -> memref<64x256xf32, #tpu.memory_space<vmem>>
    %dma_wait3A_329 = arith.constant 320 : i32
    %dma_wait3A_330 = tpu.memref_slice %arg8[%dma_wait3A_329] : memref<1024xi32, #tpu.memory_space<vmem>> -> memref<64xi32, #tpu.memory_space<vmem>>
    %dma_wait3A_331 = arith.constant 0 : i32
    %dma_wait3A_332 = arith.constant 0 : i32
    %dma_wait3A_333 = tpu.memref_slice %arg3[%dma_wait3A_331, %dma_wait3A_332] : memref<16384x256xf32, #tpu.memory_space<hbm>> -> memref<16384x256xf32, #tpu.memory_space<hbm>>
    tpu.wait_indirect_dma semaphore(%arg10 : memref<!tpu.dma_semaphore, #tpu.memory_space<semaphore_mem>>) src(%dma_wait3A_333 : memref<16384x256xf32, #tpu.memory_space<hbm>>) dst(%dma_wait3A_328 : memref<64x256xf32, #tpu.memory_space<vmem>>)
    %mul3A_334 = arith.constant 4096 : i32
    %mul3A_335 = arith.muli %select_n3A, %mul3A_334 : i32
    %add3A_336 = arith.addi %mul3A_335, %mul3A_44 : i32
    %add3A_337 = arith.constant 320 : i32
    %add3A_338 = arith.addi %add3A_336, %add3A_337 : i32
    %dma_start3A_339 = arith.constant 1 : i32
    %dma_start3A_340 = arith.constant 0 : i32
    %dma_start3A_341 = arith.constant 0 : i32
    %dma_start3A_342 = tpu.memref_slice %arg9[%dma_start3A_339, %dma_start3A_340, %dma_start3A_341] : memref<4x64x256xf32, #tpu.memory_space<vmem>> -> memref<1x64x256xf32, #tpu.memory_space<vmem>>
    %dma_start3A_343 = tpu.memref_squeeze %dma_start3A_342 : memref<1x64x256xf32, #tpu.memory_space<vmem>> -> memref<64x256xf32, #tpu.memory_space<vmem>>
    %dma_start3A_344 = arith.constant 0 : i32
    %dma_start3A_345 = tpu.memref_slice %arg4[%add3A_338, %dma_start3A_344] : memref<32768x256xf32, #tpu.memory_space<hbm>> -> memref<64x256xf32, #tpu.memory_space<hbm>>
    %dma_start3A_346 = arith.constant 0 : i32
    %dma_start3A_347 = tpu.memref_slice %arg4[%add3A_338, %dma_start3A_346] : memref<32768x256xf32, #tpu.memory_space<hbm>> -> memref<64x256xf32, #tpu.memory_space<hbm>>
    %dma_start3A_348 = arith.constant 0 : i32
    %dma_start3A_349 = arith.constant 0 : i32
    %dma_start3A_350 = tpu.memref_slice %arg9[%dma_start3A_339, %dma_start3A_348, %dma_start3A_349] : memref<4x64x256xf32, #tpu.memory_space<vmem>> -> memref<1x64x256xf32, #tpu.memory_space<vmem>>
    %dma_start3A_351 = tpu.memref_squeeze %dma_start3A_350 : memref<1x64x256xf32, #tpu.memory_space<vmem>> -> memref<64x256xf32, #tpu.memory_space<vmem>>
    tpu.enqueue_dma source(%dma_start3A_351 : memref<64x256xf32, #tpu.memory_space<vmem>>) target(%dma_start3A_347 : memref<64x256xf32, #tpu.memory_space<hbm>>) target_semaphore(%arg11 : memref<!tpu.dma_semaphore, #tpu.memory_space<semaphore_mem>>)
    %dma_wait3A_352 = arith.constant 0 : i32
    %dma_wait3A_353 = arith.constant 0 : i32
    %dma_wait3A_354 = arith.constant 0 : i32
    %dma_wait3A_355 = tpu.memref_slice %arg9[%dma_wait3A_352, %dma_wait3A_353, %dma_wait3A_354] : memref<4x64x256xf32, #tpu.memory_space<vmem>> -> memref<1x64x256xf32, #tpu.memory_space<vmem>>
    %dma_wait3A_356 = tpu.memref_squeeze %dma_wait3A_355 : memref<1x64x256xf32, #tpu.memory_space<vmem>> -> memref<64x256xf32, #tpu.memory_space<vmem>>
    %dma_wait3A_357 = arith.constant 0 : i32
    %dma_wait3A_358 = tpu.memref_slice %arg4[%add3A_287, %dma_wait3A_357] : memref<32768x256xf32, #tpu.memory_space<hbm>> -> memref<64x256xf32, #tpu.memory_space<hbm>>
    %dma_wait3A_359 = arith.constant 0 : i32
    %dma_wait3A_360 = tpu.memref_slice %arg4[%add3A_287, %dma_wait3A_359] : memref<32768x256xf32, #tpu.memory_space<hbm>> -> memref<64x256xf32, #tpu.memory_space<hbm>>
    %dma_wait3A_361 = arith.constant 0 : i32
    %dma_wait3A_362 = arith.constant 0 : i32
    %dma_wait3A_363 = tpu.memref_slice %arg9[%dma_wait3A_352, %dma_wait3A_361, %dma_wait3A_362] : memref<4x64x256xf32, #tpu.memory_space<vmem>> -> memref<1x64x256xf32, #tpu.memory_space<vmem>>
    %dma_wait3A_364 = tpu.memref_squeeze %dma_wait3A_363 : memref<1x64x256xf32, #tpu.memory_space<vmem>> -> memref<64x256xf32, #tpu.memory_space<vmem>>
    tpu.wait_dma2 semaphore(%arg11 : memref<!tpu.dma_semaphore, #tpu.memory_space<semaphore_mem>>) src(%dma_wait3A_364 : memref<64x256xf32, #tpu.memory_space<vmem>>) dst(%dma_wait3A_360 : memref<64x256xf32, #tpu.memory_space<hbm>>)
    %dma_start3A_365 = arith.constant 0 : i32
    %dma_start3A_366 = arith.constant 0 : i32
    %dma_start3A_367 = arith.constant 0 : i32
    %dma_start3A_368 = tpu.memref_slice %arg9[%dma_start3A_365, %dma_start3A_366, %dma_start3A_367] : memref<4x64x256xf32, #tpu.memory_space<vmem>> -> memref<1x64x256xf32, #tpu.memory_space<vmem>>
    %dma_start3A_369 = tpu.memref_squeeze %dma_start3A_368 : memref<1x64x256xf32, #tpu.memory_space<vmem>> -> memref<64x256xf32, #tpu.memory_space<vmem>>
    %dma_start3A_370 = arith.constant 512 : i32
    %dma_start3A_371 = tpu.memref_slice %arg8[%dma_start3A_370] : memref<1024xi32, #tpu.memory_space<vmem>> -> memref<64xi32, #tpu.memory_space<vmem>>
    %dma_start3A_372 = arith.constant 0 : i32
    %dma_start3A_373 = arith.constant 0 : i32
    %dma_start3A_374 = tpu.memref_slice %arg3[%dma_start3A_372, %dma_start3A_373] : memref<16384x256xf32, #tpu.memory_space<hbm>> -> memref<16384x256xf32, #tpu.memory_space<hbm>>
    tpu.enqueue_indirect_dma source(%dma_start3A_374 : memref<16384x256xf32, #tpu.memory_space<hbm>>) target(%dma_start3A_369 : memref<64x256xf32, #tpu.memory_space<vmem>>) offsets(%dma_start3A_371 : memref<64xi32, #tpu.memory_space<vmem>>) semaphore(%arg10 : memref<!tpu.dma_semaphore, #tpu.memory_space<semaphore_mem>>)
    %dma_wait3A_375 = arith.constant 2 : i32
    %dma_wait3A_376 = arith.constant 0 : i32
    %dma_wait3A_377 = arith.constant 0 : i32
    %dma_wait3A_378 = tpu.memref_slice %arg9[%dma_wait3A_375, %dma_wait3A_376, %dma_wait3A_377] : memref<4x64x256xf32, #tpu.memory_space<vmem>> -> memref<1x64x256xf32, #tpu.memory_space<vmem>>
    %dma_wait3A_379 = tpu.memref_squeeze %dma_wait3A_378 : memref<1x64x256xf32, #tpu.memory_space<vmem>> -> memref<64x256xf32, #tpu.memory_space<vmem>>
    %dma_wait3A_380 = arith.constant 384 : i32
    %dma_wait3A_381 = tpu.memref_slice %arg8[%dma_wait3A_380] : memref<1024xi32, #tpu.memory_space<vmem>> -> memref<64xi32, #tpu.memory_space<vmem>>
    %dma_wait3A_382 = arith.constant 0 : i32
    %dma_wait3A_383 = arith.constant 0 : i32
    %dma_wait3A_384 = tpu.memref_slice %arg3[%dma_wait3A_382, %dma_wait3A_383] : memref<16384x256xf32, #tpu.memory_space<hbm>> -> memref<16384x256xf32, #tpu.memory_space<hbm>>
    tpu.wait_indirect_dma semaphore(%arg10 : memref<!tpu.dma_semaphore, #tpu.memory_space<semaphore_mem>>) src(%dma_wait3A_384 : memref<16384x256xf32, #tpu.memory_space<hbm>>) dst(%dma_wait3A_379 : memref<64x256xf32, #tpu.memory_space<vmem>>)
    %mul3A_385 = arith.constant 4096 : i32
    %mul3A_386 = arith.muli %select_n3A, %mul3A_385 : i32
    %add3A_387 = arith.addi %mul3A_386, %mul3A_44 : i32
    %add3A_388 = arith.constant 384 : i32
    %add3A_389 = arith.addi %add3A_387, %add3A_388 : i32
    %dma_start3A_390 = arith.constant 2 : i32
    %dma_start3A_391 = arith.constant 0 : i32
    %dma_start3A_392 = arith.constant 0 : i32
    %dma_start3A_393 = tpu.memref_slice %arg9[%dma_start3A_390, %dma_start3A_391, %dma_start3A_392] : memref<4x64x256xf32, #tpu.memory_space<vmem>> -> memref<1x64x256xf32, #tpu.memory_space<vmem>>
    %dma_start3A_394 = tpu.memref_squeeze %dma_start3A_393 : memref<1x64x256xf32, #tpu.memory_space<vmem>> -> memref<64x256xf32, #tpu.memory_space<vmem>>
    %dma_start3A_395 = arith.constant 0 : i32
    %dma_start3A_396 = tpu.memref_slice %arg4[%add3A_389, %dma_start3A_395] : memref<32768x256xf32, #tpu.memory_space<hbm>> -> memref<64x256xf32, #tpu.memory_space<hbm>>
    %dma_start3A_397 = arith.constant 0 : i32
    %dma_start3A_398 = tpu.memref_slice %arg4[%add3A_389, %dma_start3A_397] : memref<32768x256xf32, #tpu.memory_space<hbm>> -> memref<64x256xf32, #tpu.memory_space<hbm>>
    %dma_start3A_399 = arith.constant 0 : i32
    %dma_start3A_400 = arith.constant 0 : i32
    %dma_start3A_401 = tpu.memref_slice %arg9[%dma_start3A_390, %dma_start3A_399, %dma_start3A_400] : memref<4x64x256xf32, #tpu.memory_space<vmem>> -> memref<1x64x256xf32, #tpu.memory_space<vmem>>
    %dma_start3A_402 = tpu.memref_squeeze %dma_start3A_401 : memref<1x64x256xf32, #tpu.memory_space<vmem>> -> memref<64x256xf32, #tpu.memory_space<vmem>>
    tpu.enqueue_dma source(%dma_start3A_402 : memref<64x256xf32, #tpu.memory_space<vmem>>) target(%dma_start3A_398 : memref<64x256xf32, #tpu.memory_space<hbm>>) target_semaphore(%arg11 : memref<!tpu.dma_semaphore, #tpu.memory_space<semaphore_mem>>)
    %dma_wait3A_403 = arith.constant 1 : i32
    %dma_wait3A_404 = arith.constant 0 : i32
    %dma_wait3A_405 = arith.constant 0 : i32
    %dma_wait3A_406 = tpu.memref_slice %arg9[%dma_wait3A_403, %dma_wait3A_404, %dma_wait3A_405] : memref<4x64x256xf32, #tpu.memory_space<vmem>> -> memref<1x64x256xf32, #tpu.memory_space<vmem>>
    %dma_wait3A_407 = tpu.memref_squeeze %dma_wait3A_406 : memref<1x64x256xf32, #tpu.memory_space<vmem>> -> memref<64x256xf32, #tpu.memory_space<vmem>>
    %dma_wait3A_408 = arith.constant 0 : i32
    %dma_wait3A_409 = tpu.memref_slice %arg4[%add3A_338, %dma_wait3A_408] : memref<32768x256xf32, #tpu.memory_space<hbm>> -> memref<64x256xf32, #tpu.memory_space<hbm>>
    %dma_wait3A_410 = arith.constant 0 : i32
    %dma_wait3A_411 = tpu.memref_slice %arg4[%add3A_338, %dma_wait3A_410] : memref<32768x256xf32, #tpu.memory_space<hbm>> -> memref<64x256xf32, #tpu.memory_space<hbm>>
    %dma_wait3A_412 = arith.constant 0 : i32
    %dma_wait3A_413 = arith.constant 0 : i32
    %dma_wait3A_414 = tpu.memref_slice %arg9[%dma_wait3A_403, %dma_wait3A_412, %dma_wait3A_413] : memref<4x64x256xf32, #tpu.memory_space<vmem>> -> memref<1x64x256xf32, #tpu.memory_space<vmem>>
    %dma_wait3A_415 = tpu.memref_squeeze %dma_wait3A_414 : memref<1x64x256xf32, #tpu.memory_space<vmem>> -> memref<64x256xf32, #tpu.memory_space<vmem>>
    tpu.wait_dma2 semaphore(%arg11 : memref<!tpu.dma_semaphore, #tpu.memory_space<semaphore_mem>>) src(%dma_wait3A_415 : memref<64x256xf32, #tpu.memory_space<vmem>>) dst(%dma_wait3A_411 : memref<64x256xf32, #tpu.memory_space<hbm>>)
    %dma_start3A_416 = arith.constant 1 : i32
    %dma_start3A_417 = arith.constant 0 : i32
    %dma_start3A_418 = arith.constant 0 : i32
    %dma_start3A_419 = tpu.memref_slice %arg9[%dma_start3A_416, %dma_start3A_417, %dma_start3A_418] : memref<4x64x256xf32, #tpu.memory_space<vmem>> -> memref<1x64x256xf32, #tpu.memory_space<vmem>>
    %dma_start3A_420 = tpu.memref_squeeze %dma_start3A_419 : memref<1x64x256xf32, #tpu.memory_space<vmem>> -> memref<64x256xf32, #tpu.memory_space<vmem>>
    %dma_start3A_421 = arith.constant 576 : i32
    %dma_start3A_422 = tpu.memref_slice %arg8[%dma_start3A_421] : memref<1024xi32, #tpu.memory_space<vmem>> -> memref<64xi32, #tpu.memory_space<vmem>>
    %dma_start3A_423 = arith.constant 0 : i32
    %dma_start3A_424 = arith.constant 0 : i32
    %dma_start3A_425 = tpu.memref_slice %arg3[%dma_start3A_423, %dma_start3A_424] : memref<16384x256xf32, #tpu.memory_space<hbm>> -> memref<16384x256xf32, #tpu.memory_space<hbm>>
    tpu.enqueue_indirect_dma source(%dma_start3A_425 : memref<16384x256xf32, #tpu.memory_space<hbm>>) target(%dma_start3A_420 : memref<64x256xf32, #tpu.memory_space<vmem>>) offsets(%dma_start3A_422 : memref<64xi32, #tpu.memory_space<vmem>>) semaphore(%arg10 : memref<!tpu.dma_semaphore, #tpu.memory_space<semaphore_mem>>)
    %dma_wait3A_426 = arith.constant 3 : i32
    %dma_wait3A_427 = arith.constant 0 : i32
    %dma_wait3A_428 = arith.constant 0 : i32
    %dma_wait3A_429 = tpu.memref_slice %arg9[%dma_wait3A_426, %dma_wait3A_427, %dma_wait3A_428] : memref<4x64x256xf32, #tpu.memory_space<vmem>> -> memref<1x64x256xf32, #tpu.memory_space<vmem>>
    %dma_wait3A_430 = tpu.memref_squeeze %dma_wait3A_429 : memref<1x64x256xf32, #tpu.memory_space<vmem>> -> memref<64x256xf32, #tpu.memory_space<vmem>>
    %dma_wait3A_431 = arith.constant 448 : i32
    %dma_wait3A_432 = tpu.memref_slice %arg8[%dma_wait3A_431] : memref<1024xi32, #tpu.memory_space<vmem>> -> memref<64xi32, #tpu.memory_space<vmem>>
    %dma_wait3A_433 = arith.constant 0 : i32
    %dma_wait3A_434 = arith.constant 0 : i32
    %dma_wait3A_435 = tpu.memref_slice %arg3[%dma_wait3A_433, %dma_wait3A_434] : memref<16384x256xf32, #tpu.memory_space<hbm>> -> memref<16384x256xf32, #tpu.memory_space<hbm>>
    tpu.wait_indirect_dma semaphore(%arg10 : memref<!tpu.dma_semaphore, #tpu.memory_space<semaphore_mem>>) src(%dma_wait3A_435 : memref<16384x256xf32, #tpu.memory_space<hbm>>) dst(%dma_wait3A_430 : memref<64x256xf32, #tpu.memory_space<vmem>>)
    %mul3A_436 = arith.constant 4096 : i32
    %mul3A_437 = arith.muli %select_n3A, %mul3A_436 : i32
    %add3A_438 = arith.addi %mul3A_437, %mul3A_44 : i32
    %add3A_439 = arith.constant 448 : i32
    %add3A_440 = arith.addi %add3A_438, %add3A_439 : i32
    %dma_start3A_441 = arith.constant 3 : i32
    %dma_start3A_442 = arith.constant 0 : i32
    %dma_start3A_443 = arith.constant 0 : i32
    %dma_start3A_444 = tpu.memref_slice %arg9[%dma_start3A_441, %dma_start3A_442, %dma_start3A_443] : memref<4x64x256xf32, #tpu.memory_space<vmem>> -> memref<1x64x256xf32, #tpu.memory_space<vmem>>
    %dma_start3A_445 = tpu.memref_squeeze %dma_start3A_444 : memref<1x64x256xf32, #tpu.memory_space<vmem>> -> memref<64x256xf32, #tpu.memory_space<vmem>>
    %dma_start3A_446 = arith.constant 0 : i32
    %dma_start3A_447 = tpu.memref_slice %arg4[%add3A_440, %dma_start3A_446] : memref<32768x256xf32, #tpu.memory_space<hbm>> -> memref<64x256xf32, #tpu.memory_space<hbm>>
    %dma_start3A_448 = arith.constant 0 : i32
    %dma_start3A_449 = tpu.memref_slice %arg4[%add3A_440, %dma_start3A_448] : memref<32768x256xf32, #tpu.memory_space<hbm>> -> memref<64x256xf32, #tpu.memory_space<hbm>>
    %dma_start3A_450 = arith.constant 0 : i32
    %dma_start3A_451 = arith.constant 0 : i32
    %dma_start3A_452 = tpu.memref_slice %arg9[%dma_start3A_441, %dma_start3A_450, %dma_start3A_451] : memref<4x64x256xf32, #tpu.memory_space<vmem>> -> memref<1x64x256xf32, #tpu.memory_space<vmem>>
    %dma_start3A_453 = tpu.memref_squeeze %dma_start3A_452 : memref<1x64x256xf32, #tpu.memory_space<vmem>> -> memref<64x256xf32, #tpu.memory_space<vmem>>
    tpu.enqueue_dma source(%dma_start3A_453 : memref<64x256xf32, #tpu.memory_space<vmem>>) target(%dma_start3A_449 : memref<64x256xf32, #tpu.memory_space<hbm>>) target_semaphore(%arg11 : memref<!tpu.dma_semaphore, #tpu.memory_space<semaphore_mem>>)
    %dma_wait3A_454 = arith.constant 2 : i32
    %dma_wait3A_455 = arith.constant 0 : i32
    %dma_wait3A_456 = arith.constant 0 : i32
    %dma_wait3A_457 = tpu.memref_slice %arg9[%dma_wait3A_454, %dma_wait3A_455, %dma_wait3A_456] : memref<4x64x256xf32, #tpu.memory_space<vmem>> -> memref<1x64x256xf32, #tpu.memory_space<vmem>>
    %dma_wait3A_458 = tpu.memref_squeeze %dma_wait3A_457 : memref<1x64x256xf32, #tpu.memory_space<vmem>> -> memref<64x256xf32, #tpu.memory_space<vmem>>
    %dma_wait3A_459 = arith.constant 0 : i32
    %dma_wait3A_460 = tpu.memref_slice %arg4[%add3A_389, %dma_wait3A_459] : memref<32768x256xf32, #tpu.memory_space<hbm>> -> memref<64x256xf32, #tpu.memory_space<hbm>>
    %dma_wait3A_461 = arith.constant 0 : i32
    %dma_wait3A_462 = tpu.memref_slice %arg4[%add3A_389, %dma_wait3A_461] : memref<32768x256xf32, #tpu.memory_space<hbm>> -> memref<64x256xf32, #tpu.memory_space<hbm>>
    %dma_wait3A_463 = arith.constant 0 : i32
    %dma_wait3A_464 = arith.constant 0 : i32
    %dma_wait3A_465 = tpu.memref_slice %arg9[%dma_wait3A_454, %dma_wait3A_463, %dma_wait3A_464] : memref<4x64x256xf32, #tpu.memory_space<vmem>> -> memref<1x64x256xf32, #tpu.memory_space<vmem>>
    %dma_wait3A_466 = tpu.memref_squeeze %dma_wait3A_465 : memref<1x64x256xf32, #tpu.memory_space<vmem>> -> memref<64x256xf32, #tpu.memory_space<vmem>>
    tpu.wait_dma2 semaphore(%arg11 : memref<!tpu.dma_semaphore, #tpu.memory_space<semaphore_mem>>) src(%dma_wait3A_466 : memref<64x256xf32, #tpu.memory_space<vmem>>) dst(%dma_wait3A_462 : memref<64x256xf32, #tpu.memory_space<hbm>>)
    %dma_start3A_467 = arith.constant 2 : i32
    %dma_start3A_468 = arith.constant 0 : i32
    %dma_start3A_469 = arith.constant 0 : i32
    %dma_start3A_470 = tpu.memref_slice %arg9[%dma_start3A_467, %dma_start3A_468, %dma_start3A_469] : memref<4x64x256xf32, #tpu.memory_space<vmem>> -> memref<1x64x256xf32, #tpu.memory_space<vmem>>
    %dma_start3A_471 = tpu.memref_squeeze %dma_start3A_470 : memref<1x64x256xf32, #tpu.memory_space<vmem>> -> memref<64x256xf32, #tpu.memory_space<vmem>>
    %dma_start3A_472 = arith.constant 640 : i32
    %dma_start3A_473 = tpu.memref_slice %arg8[%dma_start3A_472] : memref<1024xi32, #tpu.memory_space<vmem>> -> memref<64xi32, #tpu.memory_space<vmem>>
    %dma_start3A_474 = arith.constant 0 : i32
    %dma_start3A_475 = arith.constant 0 : i32
    %dma_start3A_476 = tpu.memref_slice %arg3[%dma_start3A_474, %dma_start3A_475] : memref<16384x256xf32, #tpu.memory_space<hbm>> -> memref<16384x256xf32, #tpu.memory_space<hbm>>
    tpu.enqueue_indirect_dma source(%dma_start3A_476 : memref<16384x256xf32, #tpu.memory_space<hbm>>) target(%dma_start3A_471 : memref<64x256xf32, #tpu.memory_space<vmem>>) offsets(%dma_start3A_473 : memref<64xi32, #tpu.memory_space<vmem>>) semaphore(%arg10 : memref<!tpu.dma_semaphore, #tpu.memory_space<semaphore_mem>>)
    %dma_wait3A_477 = arith.constant 0 : i32
    %dma_wait3A_478 = arith.constant 0 : i32
    %dma_wait3A_479 = arith.constant 0 : i32
    %dma_wait3A_480 = tpu.memref_slice %arg9[%dma_wait3A_477, %dma_wait3A_478, %dma_wait3A_479] : memref<4x64x256xf32, #tpu.memory_space<vmem>> -> memref<1x64x256xf32, #tpu.memory_space<vmem>>
    %dma_wait3A_481 = tpu.memref_squeeze %dma_wait3A_480 : memref<1x64x256xf32, #tpu.memory_space<vmem>> -> memref<64x256xf32, #tpu.memory_space<vmem>>
    %dma_wait3A_482 = arith.constant 512 : i32
    %dma_wait3A_483 = tpu.memref_slice %arg8[%dma_wait3A_482] : memref<1024xi32, #tpu.memory_space<vmem>> -> memref<64xi32, #tpu.memory_space<vmem>>
    %dma_wait3A_484 = arith.constant 0 : i32
    %dma_wait3A_485 = arith.constant 0 : i32
    %dma_wait3A_486 = tpu.memref_slice %arg3[%dma_wait3A_484, %dma_wait3A_485] : memref<16384x256xf32, #tpu.memory_space<hbm>> -> memref<16384x256xf32, #tpu.memory_space<hbm>>
    tpu.wait_indirect_dma semaphore(%arg10 : memref<!tpu.dma_semaphore, #tpu.memory_space<semaphore_mem>>) src(%dma_wait3A_486 : memref<16384x256xf32, #tpu.memory_space<hbm>>) dst(%dma_wait3A_481 : memref<64x256xf32, #tpu.memory_space<vmem>>)
    %mul3A_487 = arith.constant 4096 : i32
    %mul3A_488 = arith.muli %select_n3A, %mul3A_487 : i32
    %add3A_489 = arith.addi %mul3A_488, %mul3A_44 : i32
    %add3A_490 = arith.constant 512 : i32
    %add3A_491 = arith.addi %add3A_489, %add3A_490 : i32
    %dma_start3A_492 = arith.constant 0 : i32
    %dma_start3A_493 = arith.constant 0 : i32
    %dma_start3A_494 = arith.constant 0 : i32
    %dma_start3A_495 = tpu.memref_slice %arg9[%dma_start3A_492, %dma_start3A_493, %dma_start3A_494] : memref<4x64x256xf32, #tpu.memory_space<vmem>> -> memref<1x64x256xf32, #tpu.memory_space<vmem>>
    %dma_start3A_496 = tpu.memref_squeeze %dma_start3A_495 : memref<1x64x256xf32, #tpu.memory_space<vmem>> -> memref<64x256xf32, #tpu.memory_space<vmem>>
    %dma_start3A_497 = arith.constant 0 : i32
    %dma_start3A_498 = tpu.memref_slice %arg4[%add3A_491, %dma_start3A_497] : memref<32768x256xf32, #tpu.memory_space<hbm>> -> memref<64x256xf32, #tpu.memory_space<hbm>>
    %dma_start3A_499 = arith.constant 0 : i32
    %dma_start3A_500 = tpu.memref_slice %arg4[%add3A_491, %dma_start3A_499] : memref<32768x256xf32, #tpu.memory_space<hbm>> -> memref<64x256xf32, #tpu.memory_space<hbm>>
    %dma_start3A_501 = arith.constant 0 : i32
    %dma_start3A_502 = arith.constant 0 : i32
    %dma_start3A_503 = tpu.memref_slice %arg9[%dma_start3A_492, %dma_start3A_501, %dma_start3A_502] : memref<4x64x256xf32, #tpu.memory_space<vmem>> -> memref<1x64x256xf32, #tpu.memory_space<vmem>>
    %dma_start3A_504 = tpu.memref_squeeze %dma_start3A_503 : memref<1x64x256xf32, #tpu.memory_space<vmem>> -> memref<64x256xf32, #tpu.memory_space<vmem>>
    tpu.enqueue_dma source(%dma_start3A_504 : memref<64x256xf32, #tpu.memory_space<vmem>>) target(%dma_start3A_500 : memref<64x256xf32, #tpu.memory_space<hbm>>) target_semaphore(%arg11 : memref<!tpu.dma_semaphore, #tpu.memory_space<semaphore_mem>>)
    %dma_wait3A_505 = arith.constant 3 : i32
    %dma_wait3A_506 = arith.constant 0 : i32
    %dma_wait3A_507 = arith.constant 0 : i32
    %dma_wait3A_508 = tpu.memref_slice %arg9[%dma_wait3A_505, %dma_wait3A_506, %dma_wait3A_507] : memref<4x64x256xf32, #tpu.memory_space<vmem>> -> memref<1x64x256xf32, #tpu.memory_space<vmem>>
    %dma_wait3A_509 = tpu.memref_squeeze %dma_wait3A_508 : memref<1x64x256xf32, #tpu.memory_space<vmem>> -> memref<64x256xf32, #tpu.memory_space<vmem>>
    %dma_wait3A_510 = arith.constant 0 : i32
    %dma_wait3A_511 = tpu.memref_slice %arg4[%add3A_440, %dma_wait3A_510] : memref<32768x256xf32, #tpu.memory_space<hbm>> -> memref<64x256xf32, #tpu.memory_space<hbm>>
    %dma_wait3A_512 = arith.constant 0 : i32
    %dma_wait3A_513 = tpu.memref_slice %arg4[%add3A_440, %dma_wait3A_512] : memref<32768x256xf32, #tpu.memory_space<hbm>> -> memref<64x256xf32, #tpu.memory_space<hbm>>
    %dma_wait3A_514 = arith.constant 0 : i32
    %dma_wait3A_515 = arith.constant 0 : i32
    %dma_wait3A_516 = tpu.memref_slice %arg9[%dma_wait3A_505, %dma_wait3A_514, %dma_wait3A_515] : memref<4x64x256xf32, #tpu.memory_space<vmem>> -> memref<1x64x256xf32, #tpu.memory_space<vmem>>
    %dma_wait3A_517 = tpu.memref_squeeze %dma_wait3A_516 : memref<1x64x256xf32, #tpu.memory_space<vmem>> -> memref<64x256xf32, #tpu.memory_space<vmem>>
    tpu.wait_dma2 semaphore(%arg11 : memref<!tpu.dma_semaphore, #tpu.memory_space<semaphore_mem>>) src(%dma_wait3A_517 : memref<64x256xf32, #tpu.memory_space<vmem>>) dst(%dma_wait3A_513 : memref<64x256xf32, #tpu.memory_space<hbm>>)
    %dma_start3A_518 = arith.constant 3 : i32
    %dma_start3A_519 = arith.constant 0 : i32
    %dma_start3A_520 = arith.constant 0 : i32
    %dma_start3A_521 = tpu.memref_slice %arg9[%dma_start3A_518, %dma_start3A_519, %dma_start3A_520] : memref<4x64x256xf32, #tpu.memory_space<vmem>> -> memref<1x64x256xf32, #tpu.memory_space<vmem>>
    %dma_start3A_522 = tpu.memref_squeeze %dma_start3A_521 : memref<1x64x256xf32, #tpu.memory_space<vmem>> -> memref<64x256xf32, #tpu.memory_space<vmem>>
    %dma_start3A_523 = arith.constant 704 : i32
    %dma_start3A_524 = tpu.memref_slice %arg8[%dma_start3A_523] : memref<1024xi32, #tpu.memory_space<vmem>> -> memref<64xi32, #tpu.memory_space<vmem>>
    %dma_start3A_525 = arith.constant 0 : i32
    %dma_start3A_526 = arith.constant 0 : i32
    %dma_start3A_527 = tpu.memref_slice %arg3[%dma_start3A_525, %dma_start3A_526] : memref<16384x256xf32, #tpu.memory_space<hbm>> -> memref<16384x256xf32, #tpu.memory_space<hbm>>
    tpu.enqueue_indirect_dma source(%dma_start3A_527 : memref<16384x256xf32, #tpu.memory_space<hbm>>) target(%dma_start3A_522 : memref<64x256xf32, #tpu.memory_space<vmem>>) offsets(%dma_start3A_524 : memref<64xi32, #tpu.memory_space<vmem>>) semaphore(%arg10 : memref<!tpu.dma_semaphore, #tpu.memory_space<semaphore_mem>>)
    %dma_wait3A_528 = arith.constant 1 : i32
    %dma_wait3A_529 = arith.constant 0 : i32
    %dma_wait3A_530 = arith.constant 0 : i32
    %dma_wait3A_531 = tpu.memref_slice %arg9[%dma_wait3A_528, %dma_wait3A_529, %dma_wait3A_530] : memref<4x64x256xf32, #tpu.memory_space<vmem>> -> memref<1x64x256xf32, #tpu.memory_space<vmem>>
    %dma_wait3A_532 = tpu.memref_squeeze %dma_wait3A_531 : memref<1x64x256xf32, #tpu.memory_space<vmem>> -> memref<64x256xf32, #tpu.memory_space<vmem>>
    %dma_wait3A_533 = arith.constant 576 : i32
    %dma_wait3A_534 = tpu.memref_slice %arg8[%dma_wait3A_533] : memref<1024xi32, #tpu.memory_space<vmem>> -> memref<64xi32, #tpu.memory_space<vmem>>
    %dma_wait3A_535 = arith.constant 0 : i32
    %dma_wait3A_536 = arith.constant 0 : i32
    %dma_wait3A_537 = tpu.memref_slice %arg3[%dma_wait3A_535, %dma_wait3A_536] : memref<16384x256xf32, #tpu.memory_space<hbm>> -> memref<16384x256xf32, #tpu.memory_space<hbm>>
    tpu.wait_indirect_dma semaphore(%arg10 : memref<!tpu.dma_semaphore, #tpu.memory_space<semaphore_mem>>) src(%dma_wait3A_537 : memref<16384x256xf32, #tpu.memory_space<hbm>>) dst(%dma_wait3A_532 : memref<64x256xf32, #tpu.memory_space<vmem>>)
    %mul3A_538 = arith.constant 4096 : i32
    %mul3A_539 = arith.muli %select_n3A, %mul3A_538 : i32
    %add3A_540 = arith.addi %mul3A_539, %mul3A_44 : i32
    %add3A_541 = arith.constant 576 : i32
    %add3A_542 = arith.addi %add3A_540, %add3A_541 : i32
    %dma_start3A_543 = arith.constant 1 : i32
    %dma_start3A_544 = arith.constant 0 : i32
    %dma_start3A_545 = arith.constant 0 : i32
    %dma_start3A_546 = tpu.memref_slice %arg9[%dma_start3A_543, %dma_start3A_544, %dma_start3A_545] : memref<4x64x256xf32, #tpu.memory_space<vmem>> -> memref<1x64x256xf32, #tpu.memory_space<vmem>>
    %dma_start3A_547 = tpu.memref_squeeze %dma_start3A_546 : memref<1x64x256xf32, #tpu.memory_space<vmem>> -> memref<64x256xf32, #tpu.memory_space<vmem>>
    %dma_start3A_548 = arith.constant 0 : i32
    %dma_start3A_549 = tpu.memref_slice %arg4[%add3A_542, %dma_start3A_548] : memref<32768x256xf32, #tpu.memory_space<hbm>> -> memref<64x256xf32, #tpu.memory_space<hbm>>
    %dma_start3A_550 = arith.constant 0 : i32
    %dma_start3A_551 = tpu.memref_slice %arg4[%add3A_542, %dma_start3A_550] : memref<32768x256xf32, #tpu.memory_space<hbm>> -> memref<64x256xf32, #tpu.memory_space<hbm>>
    %dma_start3A_552 = arith.constant 0 : i32
    %dma_start3A_553 = arith.constant 0 : i32
    %dma_start3A_554 = tpu.memref_slice %arg9[%dma_start3A_543, %dma_start3A_552, %dma_start3A_553] : memref<4x64x256xf32, #tpu.memory_space<vmem>> -> memref<1x64x256xf32, #tpu.memory_space<vmem>>
    %dma_start3A_555 = tpu.memref_squeeze %dma_start3A_554 : memref<1x64x256xf32, #tpu.memory_space<vmem>> -> memref<64x256xf32, #tpu.memory_space<vmem>>
    tpu.enqueue_dma source(%dma_start3A_555 : memref<64x256xf32, #tpu.memory_space<vmem>>) target(%dma_start3A_551 : memref<64x256xf32, #tpu.memory_space<hbm>>) target_semaphore(%arg11 : memref<!tpu.dma_semaphore, #tpu.memory_space<semaphore_mem>>)
    %dma_wait3A_556 = arith.constant 0 : i32
    %dma_wait3A_557 = arith.constant 0 : i32
    %dma_wait3A_558 = arith.constant 0 : i32
    %dma_wait3A_559 = tpu.memref_slice %arg9[%dma_wait3A_556, %dma_wait3A_557, %dma_wait3A_558] : memref<4x64x256xf32, #tpu.memory_space<vmem>> -> memref<1x64x256xf32, #tpu.memory_space<vmem>>
    %dma_wait3A_560 = tpu.memref_squeeze %dma_wait3A_559 : memref<1x64x256xf32, #tpu.memory_space<vmem>> -> memref<64x256xf32, #tpu.memory_space<vmem>>
    %dma_wait3A_561 = arith.constant 0 : i32
    %dma_wait3A_562 = tpu.memref_slice %arg4[%add3A_491, %dma_wait3A_561] : memref<32768x256xf32, #tpu.memory_space<hbm>> -> memref<64x256xf32, #tpu.memory_space<hbm>>
    %dma_wait3A_563 = arith.constant 0 : i32
    %dma_wait3A_564 = tpu.memref_slice %arg4[%add3A_491, %dma_wait3A_563] : memref<32768x256xf32, #tpu.memory_space<hbm>> -> memref<64x256xf32, #tpu.memory_space<hbm>>
    %dma_wait3A_565 = arith.constant 0 : i32
    %dma_wait3A_566 = arith.constant 0 : i32
    %dma_wait3A_567 = tpu.memref_slice %arg9[%dma_wait3A_556, %dma_wait3A_565, %dma_wait3A_566] : memref<4x64x256xf32, #tpu.memory_space<vmem>> -> memref<1x64x256xf32, #tpu.memory_space<vmem>>
    %dma_wait3A_568 = tpu.memref_squeeze %dma_wait3A_567 : memref<1x64x256xf32, #tpu.memory_space<vmem>> -> memref<64x256xf32, #tpu.memory_space<vmem>>
    tpu.wait_dma2 semaphore(%arg11 : memref<!tpu.dma_semaphore, #tpu.memory_space<semaphore_mem>>) src(%dma_wait3A_568 : memref<64x256xf32, #tpu.memory_space<vmem>>) dst(%dma_wait3A_564 : memref<64x256xf32, #tpu.memory_space<hbm>>)
    %dma_start3A_569 = arith.constant 0 : i32
    %dma_start3A_570 = arith.constant 0 : i32
    %dma_start3A_571 = arith.constant 0 : i32
    %dma_start3A_572 = tpu.memref_slice %arg9[%dma_start3A_569, %dma_start3A_570, %dma_start3A_571] : memref<4x64x256xf32, #tpu.memory_space<vmem>> -> memref<1x64x256xf32, #tpu.memory_space<vmem>>
    %dma_start3A_573 = tpu.memref_squeeze %dma_start3A_572 : memref<1x64x256xf32, #tpu.memory_space<vmem>> -> memref<64x256xf32, #tpu.memory_space<vmem>>
    %dma_start3A_574 = arith.constant 768 : i32
    %dma_start3A_575 = tpu.memref_slice %arg8[%dma_start3A_574] : memref<1024xi32, #tpu.memory_space<vmem>> -> memref<64xi32, #tpu.memory_space<vmem>>
    %dma_start3A_576 = arith.constant 0 : i32
    %dma_start3A_577 = arith.constant 0 : i32
    %dma_start3A_578 = tpu.memref_slice %arg3[%dma_start3A_576, %dma_start3A_577] : memref<16384x256xf32, #tpu.memory_space<hbm>> -> memref<16384x256xf32, #tpu.memory_space<hbm>>
    tpu.enqueue_indirect_dma source(%dma_start3A_578 : memref<16384x256xf32, #tpu.memory_space<hbm>>) target(%dma_start3A_573 : memref<64x256xf32, #tpu.memory_space<vmem>>) offsets(%dma_start3A_575 : memref<64xi32, #tpu.memory_space<vmem>>) semaphore(%arg10 : memref<!tpu.dma_semaphore, #tpu.memory_space<semaphore_mem>>)
    %dma_wait3A_579 = arith.constant 2 : i32
    %dma_wait3A_580 = arith.constant 0 : i32
    %dma_wait3A_581 = arith.constant 0 : i32
    %dma_wait3A_582 = tpu.memref_slice %arg9[%dma_wait3A_579, %dma_wait3A_580, %dma_wait3A_581] : memref<4x64x256xf32, #tpu.memory_space<vmem>> -> memref<1x64x256xf32, #tpu.memory_space<vmem>>
    %dma_wait3A_583 = tpu.memref_squeeze %dma_wait3A_582 : memref<1x64x256xf32, #tpu.memory_space<vmem>> -> memref<64x256xf32, #tpu.memory_space<vmem>>
    %dma_wait3A_584 = arith.constant 640 : i32
    %dma_wait3A_585 = tpu.memref_slice %arg8[%dma_wait3A_584] : memref<1024xi32, #tpu.memory_space<vmem>> -> memref<64xi32, #tpu.memory_space<vmem>>
    %dma_wait3A_586 = arith.constant 0 : i32
    %dma_wait3A_587 = arith.constant 0 : i32
    %dma_wait3A_588 = tpu.memref_slice %arg3[%dma_wait3A_586, %dma_wait3A_587] : memref<16384x256xf32, #tpu.memory_space<hbm>> -> memref<16384x256xf32, #tpu.memory_space<hbm>>
    tpu.wait_indirect_dma semaphore(%arg10 : memref<!tpu.dma_semaphore, #tpu.memory_space<semaphore_mem>>) src(%dma_wait3A_588 : memref<16384x256xf32, #tpu.memory_space<hbm>>) dst(%dma_wait3A_583 : memref<64x256xf32, #tpu.memory_space<vmem>>)
    %mul3A_589 = arith.constant 4096 : i32
    %mul3A_590 = arith.muli %select_n3A, %mul3A_589 : i32
    %add3A_591 = arith.addi %mul3A_590, %mul3A_44 : i32
    %add3A_592 = arith.constant 640 : i32
    %add3A_593 = arith.addi %add3A_591, %add3A_592 : i32
    %dma_start3A_594 = arith.constant 2 : i32
    %dma_start3A_595 = arith.constant 0 : i32
    %dma_start3A_596 = arith.constant 0 : i32
    %dma_start3A_597 = tpu.memref_slice %arg9[%dma_start3A_594, %dma_start3A_595, %dma_start3A_596] : memref<4x64x256xf32, #tpu.memory_space<vmem>> -> memref<1x64x256xf32, #tpu.memory_space<vmem>>
    %dma_start3A_598 = tpu.memref_squeeze %dma_start3A_597 : memref<1x64x256xf32, #tpu.memory_space<vmem>> -> memref<64x256xf32, #tpu.memory_space<vmem>>
    %dma_start3A_599 = arith.constant 0 : i32
    %dma_start3A_600 = tpu.memref_slice %arg4[%add3A_593, %dma_start3A_599] : memref<32768x256xf32, #tpu.memory_space<hbm>> -> memref<64x256xf32, #tpu.memory_space<hbm>>
    %dma_start3A_601 = arith.constant 0 : i32
    %dma_start3A_602 = tpu.memref_slice %arg4[%add3A_593, %dma_start3A_601] : memref<32768x256xf32, #tpu.memory_space<hbm>> -> memref<64x256xf32, #tpu.memory_space<hbm>>
    %dma_start3A_603 = arith.constant 0 : i32
    %dma_start3A_604 = arith.constant 0 : i32
    %dma_start3A_605 = tpu.memref_slice %arg9[%dma_start3A_594, %dma_start3A_603, %dma_start3A_604] : memref<4x64x256xf32, #tpu.memory_space<vmem>> -> memref<1x64x256xf32, #tpu.memory_space<vmem>>
    %dma_start3A_606 = tpu.memref_squeeze %dma_start3A_605 : memref<1x64x256xf32, #tpu.memory_space<vmem>> -> memref<64x256xf32, #tpu.memory_space<vmem>>
    tpu.enqueue_dma source(%dma_start3A_606 : memref<64x256xf32, #tpu.memory_space<vmem>>) target(%dma_start3A_602 : memref<64x256xf32, #tpu.memory_space<hbm>>) target_semaphore(%arg11 : memref<!tpu.dma_semaphore, #tpu.memory_space<semaphore_mem>>)
    %dma_wait3A_607 = arith.constant 1 : i32
    %dma_wait3A_608 = arith.constant 0 : i32
    %dma_wait3A_609 = arith.constant 0 : i32
    %dma_wait3A_610 = tpu.memref_slice %arg9[%dma_wait3A_607, %dma_wait3A_608, %dma_wait3A_609] : memref<4x64x256xf32, #tpu.memory_space<vmem>> -> memref<1x64x256xf32, #tpu.memory_space<vmem>>
    %dma_wait3A_611 = tpu.memref_squeeze %dma_wait3A_610 : memref<1x64x256xf32, #tpu.memory_space<vmem>> -> memref<64x256xf32, #tpu.memory_space<vmem>>
    %dma_wait3A_612 = arith.constant 0 : i32
    %dma_wait3A_613 = tpu.memref_slice %arg4[%add3A_542, %dma_wait3A_612] : memref<32768x256xf32, #tpu.memory_space<hbm>> -> memref<64x256xf32, #tpu.memory_space<hbm>>
    %dma_wait3A_614 = arith.constant 0 : i32
    %dma_wait3A_615 = tpu.memref_slice %arg4[%add3A_542, %dma_wait3A_614] : memref<32768x256xf32, #tpu.memory_space<hbm>> -> memref<64x256xf32, #tpu.memory_space<hbm>>
    %dma_wait3A_616 = arith.constant 0 : i32
    %dma_wait3A_617 = arith.constant 0 : i32
    %dma_wait3A_618 = tpu.memref_slice %arg9[%dma_wait3A_607, %dma_wait3A_616, %dma_wait3A_617] : memref<4x64x256xf32, #tpu.memory_space<vmem>> -> memref<1x64x256xf32, #tpu.memory_space<vmem>>
    %dma_wait3A_619 = tpu.memref_squeeze %dma_wait3A_618 : memref<1x64x256xf32, #tpu.memory_space<vmem>> -> memref<64x256xf32, #tpu.memory_space<vmem>>
    tpu.wait_dma2 semaphore(%arg11 : memref<!tpu.dma_semaphore, #tpu.memory_space<semaphore_mem>>) src(%dma_wait3A_619 : memref<64x256xf32, #tpu.memory_space<vmem>>) dst(%dma_wait3A_615 : memref<64x256xf32, #tpu.memory_space<hbm>>)
    %dma_start3A_620 = arith.constant 1 : i32
    %dma_start3A_621 = arith.constant 0 : i32
    %dma_start3A_622 = arith.constant 0 : i32
    %dma_start3A_623 = tpu.memref_slice %arg9[%dma_start3A_620, %dma_start3A_621, %dma_start3A_622] : memref<4x64x256xf32, #tpu.memory_space<vmem>> -> memref<1x64x256xf32, #tpu.memory_space<vmem>>
    %dma_start3A_624 = tpu.memref_squeeze %dma_start3A_623 : memref<1x64x256xf32, #tpu.memory_space<vmem>> -> memref<64x256xf32, #tpu.memory_space<vmem>>
    %dma_start3A_625 = arith.constant 832 : i32
    %dma_start3A_626 = tpu.memref_slice %arg8[%dma_start3A_625] : memref<1024xi32, #tpu.memory_space<vmem>> -> memref<64xi32, #tpu.memory_space<vmem>>
    %dma_start3A_627 = arith.constant 0 : i32
    %dma_start3A_628 = arith.constant 0 : i32
    %dma_start3A_629 = tpu.memref_slice %arg3[%dma_start3A_627, %dma_start3A_628] : memref<16384x256xf32, #tpu.memory_space<hbm>> -> memref<16384x256xf32, #tpu.memory_space<hbm>>
    tpu.enqueue_indirect_dma source(%dma_start3A_629 : memref<16384x256xf32, #tpu.memory_space<hbm>>) target(%dma_start3A_624 : memref<64x256xf32, #tpu.memory_space<vmem>>) offsets(%dma_start3A_626 : memref<64xi32, #tpu.memory_space<vmem>>) semaphore(%arg10 : memref<!tpu.dma_semaphore, #tpu.memory_space<semaphore_mem>>)
    %dma_wait3A_630 = arith.constant 3 : i32
    %dma_wait3A_631 = arith.constant 0 : i32
    %dma_wait3A_632 = arith.constant 0 : i32
    %dma_wait3A_633 = tpu.memref_slice %arg9[%dma_wait3A_630, %dma_wait3A_631, %dma_wait3A_632] : memref<4x64x256xf32, #tpu.memory_space<vmem>> -> memref<1x64x256xf32, #tpu.memory_space<vmem>>
    %dma_wait3A_634 = tpu.memref_squeeze %dma_wait3A_633 : memref<1x64x256xf32, #tpu.memory_space<vmem>> -> memref<64x256xf32, #tpu.memory_space<vmem>>
    %dma_wait3A_635 = arith.constant 704 : i32
    %dma_wait3A_636 = tpu.memref_slice %arg8[%dma_wait3A_635] : memref<1024xi32, #tpu.memory_space<vmem>> -> memref<64xi32, #tpu.memory_space<vmem>>
    %dma_wait3A_637 = arith.constant 0 : i32
    %dma_wait3A_638 = arith.constant 0 : i32
    %dma_wait3A_639 = tpu.memref_slice %arg3[%dma_wait3A_637, %dma_wait3A_638] : memref<16384x256xf32, #tpu.memory_space<hbm>> -> memref<16384x256xf32, #tpu.memory_space<hbm>>
    tpu.wait_indirect_dma semaphore(%arg10 : memref<!tpu.dma_semaphore, #tpu.memory_space<semaphore_mem>>) src(%dma_wait3A_639 : memref<16384x256xf32, #tpu.memory_space<hbm>>) dst(%dma_wait3A_634 : memref<64x256xf32, #tpu.memory_space<vmem>>)
    %mul3A_640 = arith.constant 4096 : i32
    %mul3A_641 = arith.muli %select_n3A, %mul3A_640 : i32
    %add3A_642 = arith.addi %mul3A_641, %mul3A_44 : i32
    %add3A_643 = arith.constant 704 : i32
    %add3A_644 = arith.addi %add3A_642, %add3A_643 : i32
    %dma_start3A_645 = arith.constant 3 : i32
    %dma_start3A_646 = arith.constant 0 : i32
    %dma_start3A_647 = arith.constant 0 : i32
    %dma_start3A_648 = tpu.memref_slice %arg9[%dma_start3A_645, %dma_start3A_646, %dma_start3A_647] : memref<4x64x256xf32, #tpu.memory_space<vmem>> -> memref<1x64x256xf32, #tpu.memory_space<vmem>>
    %dma_start3A_649 = tpu.memref_squeeze %dma_start3A_648 : memref<1x64x256xf32, #tpu.memory_space<vmem>> -> memref<64x256xf32, #tpu.memory_space<vmem>>
    %dma_start3A_650 = arith.constant 0 : i32
    %dma_start3A_651 = tpu.memref_slice %arg4[%add3A_644, %dma_start3A_650] : memref<32768x256xf32, #tpu.memory_space<hbm>> -> memref<64x256xf32, #tpu.memory_space<hbm>>
    %dma_start3A_652 = arith.constant 0 : i32
    %dma_start3A_653 = tpu.memref_slice %arg4[%add3A_644, %dma_start3A_652] : memref<32768x256xf32, #tpu.memory_space<hbm>> -> memref<64x256xf32, #tpu.memory_space<hbm>>
    %dma_start3A_654 = arith.constant 0 : i32
    %dma_start3A_655 = arith.constant 0 : i32
    %dma_start3A_656 = tpu.memref_slice %arg9[%dma_start3A_645, %dma_start3A_654, %dma_start3A_655] : memref<4x64x256xf32, #tpu.memory_space<vmem>> -> memref<1x64x256xf32, #tpu.memory_space<vmem>>
    %dma_start3A_657 = tpu.memref_squeeze %dma_start3A_656 : memref<1x64x256xf32, #tpu.memory_space<vmem>> -> memref<64x256xf32, #tpu.memory_space<vmem>>
    tpu.enqueue_dma source(%dma_start3A_657 : memref<64x256xf32, #tpu.memory_space<vmem>>) target(%dma_start3A_653 : memref<64x256xf32, #tpu.memory_space<hbm>>) target_semaphore(%arg11 : memref<!tpu.dma_semaphore, #tpu.memory_space<semaphore_mem>>)
    %dma_wait3A_658 = arith.constant 2 : i32
    %dma_wait3A_659 = arith.constant 0 : i32
    %dma_wait3A_660 = arith.constant 0 : i32
    %dma_wait3A_661 = tpu.memref_slice %arg9[%dma_wait3A_658, %dma_wait3A_659, %dma_wait3A_660] : memref<4x64x256xf32, #tpu.memory_space<vmem>> -> memref<1x64x256xf32, #tpu.memory_space<vmem>>
    %dma_wait3A_662 = tpu.memref_squeeze %dma_wait3A_661 : memref<1x64x256xf32, #tpu.memory_space<vmem>> -> memref<64x256xf32, #tpu.memory_space<vmem>>
    %dma_wait3A_663 = arith.constant 0 : i32
    %dma_wait3A_664 = tpu.memref_slice %arg4[%add3A_593, %dma_wait3A_663] : memref<32768x256xf32, #tpu.memory_space<hbm>> -> memref<64x256xf32, #tpu.memory_space<hbm>>
    %dma_wait3A_665 = arith.constant 0 : i32
    %dma_wait3A_666 = tpu.memref_slice %arg4[%add3A_593, %dma_wait3A_665] : memref<32768x256xf32, #tpu.memory_space<hbm>> -> memref<64x256xf32, #tpu.memory_space<hbm>>
    %dma_wait3A_667 = arith.constant 0 : i32
    %dma_wait3A_668 = arith.constant 0 : i32
    %dma_wait3A_669 = tpu.memref_slice %arg9[%dma_wait3A_658, %dma_wait3A_667, %dma_wait3A_668] : memref<4x64x256xf32, #tpu.memory_space<vmem>> -> memref<1x64x256xf32, #tpu.memory_space<vmem>>
    %dma_wait3A_670 = tpu.memref_squeeze %dma_wait3A_669 : memref<1x64x256xf32, #tpu.memory_space<vmem>> -> memref<64x256xf32, #tpu.memory_space<vmem>>
    tpu.wait_dma2 semaphore(%arg11 : memref<!tpu.dma_semaphore, #tpu.memory_space<semaphore_mem>>) src(%dma_wait3A_670 : memref<64x256xf32, #tpu.memory_space<vmem>>) dst(%dma_wait3A_666 : memref<64x256xf32, #tpu.memory_space<hbm>>)
    %dma_start3A_671 = arith.constant 2 : i32
    %dma_start3A_672 = arith.constant 0 : i32
    %dma_start3A_673 = arith.constant 0 : i32
    %dma_start3A_674 = tpu.memref_slice %arg9[%dma_start3A_671, %dma_start3A_672, %dma_start3A_673] : memref<4x64x256xf32, #tpu.memory_space<vmem>> -> memref<1x64x256xf32, #tpu.memory_space<vmem>>
    %dma_start3A_675 = tpu.memref_squeeze %dma_start3A_674 : memref<1x64x256xf32, #tpu.memory_space<vmem>> -> memref<64x256xf32, #tpu.memory_space<vmem>>
    %dma_start3A_676 = arith.constant 896 : i32
    %dma_start3A_677 = tpu.memref_slice %arg8[%dma_start3A_676] : memref<1024xi32, #tpu.memory_space<vmem>> -> memref<64xi32, #tpu.memory_space<vmem>>
    %dma_start3A_678 = arith.constant 0 : i32
    %dma_start3A_679 = arith.constant 0 : i32
    %dma_start3A_680 = tpu.memref_slice %arg3[%dma_start3A_678, %dma_start3A_679] : memref<16384x256xf32, #tpu.memory_space<hbm>> -> memref<16384x256xf32, #tpu.memory_space<hbm>>
    tpu.enqueue_indirect_dma source(%dma_start3A_680 : memref<16384x256xf32, #tpu.memory_space<hbm>>) target(%dma_start3A_675 : memref<64x256xf32, #tpu.memory_space<vmem>>) offsets(%dma_start3A_677 : memref<64xi32, #tpu.memory_space<vmem>>) semaphore(%arg10 : memref<!tpu.dma_semaphore, #tpu.memory_space<semaphore_mem>>)
    %dma_wait3A_681 = arith.constant 0 : i32
    %dma_wait3A_682 = arith.constant 0 : i32
    %dma_wait3A_683 = arith.constant 0 : i32
    %dma_wait3A_684 = tpu.memref_slice %arg9[%dma_wait3A_681, %dma_wait3A_682, %dma_wait3A_683] : memref<4x64x256xf32, #tpu.memory_space<vmem>> -> memref<1x64x256xf32, #tpu.memory_space<vmem>>
    %dma_wait3A_685 = tpu.memref_squeeze %dma_wait3A_684 : memref<1x64x256xf32, #tpu.memory_space<vmem>> -> memref<64x256xf32, #tpu.memory_space<vmem>>
    %dma_wait3A_686 = arith.constant 768 : i32
    %dma_wait3A_687 = tpu.memref_slice %arg8[%dma_wait3A_686] : memref<1024xi32, #tpu.memory_space<vmem>> -> memref<64xi32, #tpu.memory_space<vmem>>
    %dma_wait3A_688 = arith.constant 0 : i32
    %dma_wait3A_689 = arith.constant 0 : i32
    %dma_wait3A_690 = tpu.memref_slice %arg3[%dma_wait3A_688, %dma_wait3A_689] : memref<16384x256xf32, #tpu.memory_space<hbm>> -> memref<16384x256xf32, #tpu.memory_space<hbm>>
    tpu.wait_indirect_dma semaphore(%arg10 : memref<!tpu.dma_semaphore, #tpu.memory_space<semaphore_mem>>) src(%dma_wait3A_690 : memref<16384x256xf32, #tpu.memory_space<hbm>>) dst(%dma_wait3A_685 : memref<64x256xf32, #tpu.memory_space<vmem>>)
    %mul3A_691 = arith.constant 4096 : i32
    %mul3A_692 = arith.muli %select_n3A, %mul3A_691 : i32
    %add3A_693 = arith.addi %mul3A_692, %mul3A_44 : i32
    %add3A_694 = arith.constant 768 : i32
    %add3A_695 = arith.addi %add3A_693, %add3A_694 : i32
    %dma_start3A_696 = arith.constant 0 : i32
    %dma_start3A_697 = arith.constant 0 : i32
    %dma_start3A_698 = arith.constant 0 : i32
    %dma_start3A_699 = tpu.memref_slice %arg9[%dma_start3A_696, %dma_start3A_697, %dma_start3A_698] : memref<4x64x256xf32, #tpu.memory_space<vmem>> -> memref<1x64x256xf32, #tpu.memory_space<vmem>>
    %dma_start3A_700 = tpu.memref_squeeze %dma_start3A_699 : memref<1x64x256xf32, #tpu.memory_space<vmem>> -> memref<64x256xf32, #tpu.memory_space<vmem>>
    %dma_start3A_701 = arith.constant 0 : i32
    %dma_start3A_702 = tpu.memref_slice %arg4[%add3A_695, %dma_start3A_701] : memref<32768x256xf32, #tpu.memory_space<hbm>> -> memref<64x256xf32, #tpu.memory_space<hbm>>
    %dma_start3A_703 = arith.constant 0 : i32
    %dma_start3A_704 = tpu.memref_slice %arg4[%add3A_695, %dma_start3A_703] : memref<32768x256xf32, #tpu.memory_space<hbm>> -> memref<64x256xf32, #tpu.memory_space<hbm>>
    %dma_start3A_705 = arith.constant 0 : i32
    %dma_start3A_706 = arith.constant 0 : i32
    %dma_start3A_707 = tpu.memref_slice %arg9[%dma_start3A_696, %dma_start3A_705, %dma_start3A_706] : memref<4x64x256xf32, #tpu.memory_space<vmem>> -> memref<1x64x256xf32, #tpu.memory_space<vmem>>
    %dma_start3A_708 = tpu.memref_squeeze %dma_start3A_707 : memref<1x64x256xf32, #tpu.memory_space<vmem>> -> memref<64x256xf32, #tpu.memory_space<vmem>>
    tpu.enqueue_dma source(%dma_start3A_708 : memref<64x256xf32, #tpu.memory_space<vmem>>) target(%dma_start3A_704 : memref<64x256xf32, #tpu.memory_space<hbm>>) target_semaphore(%arg11 : memref<!tpu.dma_semaphore, #tpu.memory_space<semaphore_mem>>)
    %dma_wait3A_709 = arith.constant 3 : i32
    %dma_wait3A_710 = arith.constant 0 : i32
    %dma_wait3A_711 = arith.constant 0 : i32
    %dma_wait3A_712 = tpu.memref_slice %arg9[%dma_wait3A_709, %dma_wait3A_710, %dma_wait3A_711] : memref<4x64x256xf32, #tpu.memory_space<vmem>> -> memref<1x64x256xf32, #tpu.memory_space<vmem>>
    %dma_wait3A_713 = tpu.memref_squeeze %dma_wait3A_712 : memref<1x64x256xf32, #tpu.memory_space<vmem>> -> memref<64x256xf32, #tpu.memory_space<vmem>>
    %dma_wait3A_714 = arith.constant 0 : i32
    %dma_wait3A_715 = tpu.memref_slice %arg4[%add3A_644, %dma_wait3A_714] : memref<32768x256xf32, #tpu.memory_space<hbm>> -> memref<64x256xf32, #tpu.memory_space<hbm>>
    %dma_wait3A_716 = arith.constant 0 : i32
    %dma_wait3A_717 = tpu.memref_slice %arg4[%add3A_644, %dma_wait3A_716] : memref<32768x256xf32, #tpu.memory_space<hbm>> -> memref<64x256xf32, #tpu.memory_space<hbm>>
    %dma_wait3A_718 = arith.constant 0 : i32
    %dma_wait3A_719 = arith.constant 0 : i32
    %dma_wait3A_720 = tpu.memref_slice %arg9[%dma_wait3A_709, %dma_wait3A_718, %dma_wait3A_719] : memref<4x64x256xf32, #tpu.memory_space<vmem>> -> memref<1x64x256xf32, #tpu.memory_space<vmem>>
    %dma_wait3A_721 = tpu.memref_squeeze %dma_wait3A_720 : memref<1x64x256xf32, #tpu.memory_space<vmem>> -> memref<64x256xf32, #tpu.memory_space<vmem>>
    tpu.wait_dma2 semaphore(%arg11 : memref<!tpu.dma_semaphore, #tpu.memory_space<semaphore_mem>>) src(%dma_wait3A_721 : memref<64x256xf32, #tpu.memory_space<vmem>>) dst(%dma_wait3A_717 : memref<64x256xf32, #tpu.memory_space<hbm>>)
    %dma_start3A_722 = arith.constant 3 : i32
    %dma_start3A_723 = arith.constant 0 : i32
    %dma_start3A_724 = arith.constant 0 : i32
    %dma_start3A_725 = tpu.memref_slice %arg9[%dma_start3A_722, %dma_start3A_723, %dma_start3A_724] : memref<4x64x256xf32, #tpu.memory_space<vmem>> -> memref<1x64x256xf32, #tpu.memory_space<vmem>>
    %dma_start3A_726 = tpu.memref_squeeze %dma_start3A_725 : memref<1x64x256xf32, #tpu.memory_space<vmem>> -> memref<64x256xf32, #tpu.memory_space<vmem>>
    %dma_start3A_727 = arith.constant 960 : i32
    %dma_start3A_728 = tpu.memref_slice %arg8[%dma_start3A_727] : memref<1024xi32, #tpu.memory_space<vmem>> -> memref<64xi32, #tpu.memory_space<vmem>>
    %dma_start3A_729 = arith.constant 0 : i32
    %dma_start3A_730 = arith.constant 0 : i32
    %dma_start3A_731 = tpu.memref_slice %arg3[%dma_start3A_729, %dma_start3A_730] : memref<16384x256xf32, #tpu.memory_space<hbm>> -> memref<16384x256xf32, #tpu.memory_space<hbm>>
    tpu.enqueue_indirect_dma source(%dma_start3A_731 : memref<16384x256xf32, #tpu.memory_space<hbm>>) target(%dma_start3A_726 : memref<64x256xf32, #tpu.memory_space<vmem>>) offsets(%dma_start3A_728 : memref<64xi32, #tpu.memory_space<vmem>>) semaphore(%arg10 : memref<!tpu.dma_semaphore, #tpu.memory_space<semaphore_mem>>)
    %dma_wait3A_732 = arith.constant 1 : i32
    %dma_wait3A_733 = arith.constant 0 : i32
    %dma_wait3A_734 = arith.constant 0 : i32
    %dma_wait3A_735 = tpu.memref_slice %arg9[%dma_wait3A_732, %dma_wait3A_733, %dma_wait3A_734] : memref<4x64x256xf32, #tpu.memory_space<vmem>> -> memref<1x64x256xf32, #tpu.memory_space<vmem>>
    %dma_wait3A_736 = tpu.memref_squeeze %dma_wait3A_735 : memref<1x64x256xf32, #tpu.memory_space<vmem>> -> memref<64x256xf32, #tpu.memory_space<vmem>>
    %dma_wait3A_737 = arith.constant 832 : i32
    %dma_wait3A_738 = tpu.memref_slice %arg8[%dma_wait3A_737] : memref<1024xi32, #tpu.memory_space<vmem>> -> memref<64xi32, #tpu.memory_space<vmem>>
    %dma_wait3A_739 = arith.constant 0 : i32
    %dma_wait3A_740 = arith.constant 0 : i32
    %dma_wait3A_741 = tpu.memref_slice %arg3[%dma_wait3A_739, %dma_wait3A_740] : memref<16384x256xf32, #tpu.memory_space<hbm>> -> memref<16384x256xf32, #tpu.memory_space<hbm>>
    tpu.wait_indirect_dma semaphore(%arg10 : memref<!tpu.dma_semaphore, #tpu.memory_space<semaphore_mem>>) src(%dma_wait3A_741 : memref<16384x256xf32, #tpu.memory_space<hbm>>) dst(%dma_wait3A_736 : memref<64x256xf32, #tpu.memory_space<vmem>>)
    %mul3A_742 = arith.constant 4096 : i32
    %mul3A_743 = arith.muli %select_n3A, %mul3A_742 : i32
    %add3A_744 = arith.addi %mul3A_743, %mul3A_44 : i32
    %add3A_745 = arith.constant 832 : i32
    %add3A_746 = arith.addi %add3A_744, %add3A_745 : i32
    %dma_start3A_747 = arith.constant 1 : i32
    %dma_start3A_748 = arith.constant 0 : i32
    %dma_start3A_749 = arith.constant 0 : i32
    %dma_start3A_750 = tpu.memref_slice %arg9[%dma_start3A_747, %dma_start3A_748, %dma_start3A_749] : memref<4x64x256xf32, #tpu.memory_space<vmem>> -> memref<1x64x256xf32, #tpu.memory_space<vmem>>
    %dma_start3A_751 = tpu.memref_squeeze %dma_start3A_750 : memref<1x64x256xf32, #tpu.memory_space<vmem>> -> memref<64x256xf32, #tpu.memory_space<vmem>>
    %dma_start3A_752 = arith.constant 0 : i32
    %dma_start3A_753 = tpu.memref_slice %arg4[%add3A_746, %dma_start3A_752] : memref<32768x256xf32, #tpu.memory_space<hbm>> -> memref<64x256xf32, #tpu.memory_space<hbm>>
    %dma_start3A_754 = arith.constant 0 : i32
    %dma_start3A_755 = tpu.memref_slice %arg4[%add3A_746, %dma_start3A_754] : memref<32768x256xf32, #tpu.memory_space<hbm>> -> memref<64x256xf32, #tpu.memory_space<hbm>>
    %dma_start3A_756 = arith.constant 0 : i32
    %dma_start3A_757 = arith.constant 0 : i32
    %dma_start3A_758 = tpu.memref_slice %arg9[%dma_start3A_747, %dma_start3A_756, %dma_start3A_757] : memref<4x64x256xf32, #tpu.memory_space<vmem>> -> memref<1x64x256xf32, #tpu.memory_space<vmem>>
    %dma_start3A_759 = tpu.memref_squeeze %dma_start3A_758 : memref<1x64x256xf32, #tpu.memory_space<vmem>> -> memref<64x256xf32, #tpu.memory_space<vmem>>
    tpu.enqueue_dma source(%dma_start3A_759 : memref<64x256xf32, #tpu.memory_space<vmem>>) target(%dma_start3A_755 : memref<64x256xf32, #tpu.memory_space<hbm>>) target_semaphore(%arg11 : memref<!tpu.dma_semaphore, #tpu.memory_space<semaphore_mem>>)
    %dma_wait3A_760 = arith.constant 2 : i32
    %dma_wait3A_761 = arith.constant 0 : i32
    %dma_wait3A_762 = arith.constant 0 : i32
    %dma_wait3A_763 = tpu.memref_slice %arg9[%dma_wait3A_760, %dma_wait3A_761, %dma_wait3A_762] : memref<4x64x256xf32, #tpu.memory_space<vmem>> -> memref<1x64x256xf32, #tpu.memory_space<vmem>>
    %dma_wait3A_764 = tpu.memref_squeeze %dma_wait3A_763 : memref<1x64x256xf32, #tpu.memory_space<vmem>> -> memref<64x256xf32, #tpu.memory_space<vmem>>
    %dma_wait3A_765 = arith.constant 896 : i32
    %dma_wait3A_766 = tpu.memref_slice %arg8[%dma_wait3A_765] : memref<1024xi32, #tpu.memory_space<vmem>> -> memref<64xi32, #tpu.memory_space<vmem>>
    %dma_wait3A_767 = arith.constant 0 : i32
    %dma_wait3A_768 = arith.constant 0 : i32
    %dma_wait3A_769 = tpu.memref_slice %arg3[%dma_wait3A_767, %dma_wait3A_768] : memref<16384x256xf32, #tpu.memory_space<hbm>> -> memref<16384x256xf32, #tpu.memory_space<hbm>>
    tpu.wait_indirect_dma semaphore(%arg10 : memref<!tpu.dma_semaphore, #tpu.memory_space<semaphore_mem>>) src(%dma_wait3A_769 : memref<16384x256xf32, #tpu.memory_space<hbm>>) dst(%dma_wait3A_764 : memref<64x256xf32, #tpu.memory_space<vmem>>)
    %mul3A_770 = arith.constant 4096 : i32
    %mul3A_771 = arith.muli %select_n3A, %mul3A_770 : i32
    %add3A_772 = arith.addi %mul3A_771, %mul3A_44 : i32
    %add3A_773 = arith.constant 896 : i32
    %add3A_774 = arith.addi %add3A_772, %add3A_773 : i32
    %dma_start3A_775 = arith.constant 2 : i32
    %dma_start3A_776 = arith.constant 0 : i32
    %dma_start3A_777 = arith.constant 0 : i32
    %dma_start3A_778 = tpu.memref_slice %arg9[%dma_start3A_775, %dma_start3A_776, %dma_start3A_777] : memref<4x64x256xf32, #tpu.memory_space<vmem>> -> memref<1x64x256xf32, #tpu.memory_space<vmem>>
    %dma_start3A_779 = tpu.memref_squeeze %dma_start3A_778 : memref<1x64x256xf32, #tpu.memory_space<vmem>> -> memref<64x256xf32, #tpu.memory_space<vmem>>
    %dma_start3A_780 = arith.constant 0 : i32
    %dma_start3A_781 = tpu.memref_slice %arg4[%add3A_774, %dma_start3A_780] : memref<32768x256xf32, #tpu.memory_space<hbm>> -> memref<64x256xf32, #tpu.memory_space<hbm>>
    %dma_start3A_782 = arith.constant 0 : i32
    %dma_start3A_783 = tpu.memref_slice %arg4[%add3A_774, %dma_start3A_782] : memref<32768x256xf32, #tpu.memory_space<hbm>> -> memref<64x256xf32, #tpu.memory_space<hbm>>
    %dma_start3A_784 = arith.constant 0 : i32
    %dma_start3A_785 = arith.constant 0 : i32
    %dma_start3A_786 = tpu.memref_slice %arg9[%dma_start3A_775, %dma_start3A_784, %dma_start3A_785] : memref<4x64x256xf32, #tpu.memory_space<vmem>> -> memref<1x64x256xf32, #tpu.memory_space<vmem>>
    %dma_start3A_787 = tpu.memref_squeeze %dma_start3A_786 : memref<1x64x256xf32, #tpu.memory_space<vmem>> -> memref<64x256xf32, #tpu.memory_space<vmem>>
    tpu.enqueue_dma source(%dma_start3A_787 : memref<64x256xf32, #tpu.memory_space<vmem>>) target(%dma_start3A_783 : memref<64x256xf32, #tpu.memory_space<hbm>>) target_semaphore(%arg11 : memref<!tpu.dma_semaphore, #tpu.memory_space<semaphore_mem>>)
    %dma_wait3A_788 = arith.constant 3 : i32
    %dma_wait3A_789 = arith.constant 0 : i32
    %dma_wait3A_790 = arith.constant 0 : i32
    %dma_wait3A_791 = tpu.memref_slice %arg9[%dma_wait3A_788, %dma_wait3A_789, %dma_wait3A_790] : memref<4x64x256xf32, #tpu.memory_space<vmem>> -> memref<1x64x256xf32, #tpu.memory_space<vmem>>
    %dma_wait3A_792 = tpu.memref_squeeze %dma_wait3A_791 : memref<1x64x256xf32, #tpu.memory_space<vmem>> -> memref<64x256xf32, #tpu.memory_space<vmem>>
    %dma_wait3A_793 = arith.constant 960 : i32
    %dma_wait3A_794 = tpu.memref_slice %arg8[%dma_wait3A_793] : memref<1024xi32, #tpu.memory_space<vmem>> -> memref<64xi32, #tpu.memory_space<vmem>>
    %dma_wait3A_795 = arith.constant 0 : i32
    %dma_wait3A_796 = arith.constant 0 : i32
    %dma_wait3A_797 = tpu.memref_slice %arg3[%dma_wait3A_795, %dma_wait3A_796] : memref<16384x256xf32, #tpu.memory_space<hbm>> -> memref<16384x256xf32, #tpu.memory_space<hbm>>
    tpu.wait_indirect_dma semaphore(%arg10 : memref<!tpu.dma_semaphore, #tpu.memory_space<semaphore_mem>>) src(%dma_wait3A_797 : memref<16384x256xf32, #tpu.memory_space<hbm>>) dst(%dma_wait3A_792 : memref<64x256xf32, #tpu.memory_space<vmem>>)
    %mul3A_798 = arith.constant 4096 : i32
    %mul3A_799 = arith.muli %select_n3A, %mul3A_798 : i32
    %add3A_800 = arith.addi %mul3A_799, %mul3A_44 : i32
    %add3A_801 = arith.constant 960 : i32
    %add3A_802 = arith.addi %add3A_800, %add3A_801 : i32
    %dma_start3A_803 = arith.constant 3 : i32
    %dma_start3A_804 = arith.constant 0 : i32
    %dma_start3A_805 = arith.constant 0 : i32
    %dma_start3A_806 = tpu.memref_slice %arg9[%dma_start3A_803, %dma_start3A_804, %dma_start3A_805] : memref<4x64x256xf32, #tpu.memory_space<vmem>> -> memref<1x64x256xf32, #tpu.memory_space<vmem>>
    %dma_start3A_807 = tpu.memref_squeeze %dma_start3A_806 : memref<1x64x256xf32, #tpu.memory_space<vmem>> -> memref<64x256xf32, #tpu.memory_space<vmem>>
    %dma_start3A_808 = arith.constant 0 : i32
    %dma_start3A_809 = tpu.memref_slice %arg4[%add3A_802, %dma_start3A_808] : memref<32768x256xf32, #tpu.memory_space<hbm>> -> memref<64x256xf32, #tpu.memory_space<hbm>>
    %dma_start3A_810 = arith.constant 0 : i32
    %dma_start3A_811 = tpu.memref_slice %arg4[%add3A_802, %dma_start3A_810] : memref<32768x256xf32, #tpu.memory_space<hbm>> -> memref<64x256xf32, #tpu.memory_space<hbm>>
    %dma_start3A_812 = arith.constant 0 : i32
    %dma_start3A_813 = arith.constant 0 : i32
    %dma_start3A_814 = tpu.memref_slice %arg9[%dma_start3A_803, %dma_start3A_812, %dma_start3A_813] : memref<4x64x256xf32, #tpu.memory_space<vmem>> -> memref<1x64x256xf32, #tpu.memory_space<vmem>>
    %dma_start3A_815 = tpu.memref_squeeze %dma_start3A_814 : memref<1x64x256xf32, #tpu.memory_space<vmem>> -> memref<64x256xf32, #tpu.memory_space<vmem>>
    tpu.enqueue_dma source(%dma_start3A_815 : memref<64x256xf32, #tpu.memory_space<vmem>>) target(%dma_start3A_811 : memref<64x256xf32, #tpu.memory_space<hbm>>) target_semaphore(%arg11 : memref<!tpu.dma_semaphore, #tpu.memory_space<semaphore_mem>>)
    %dma_wait3A_816 = arith.constant 0 : i32
    %dma_wait3A_817 = arith.constant 0 : i32
    %dma_wait3A_818 = arith.constant 0 : i32
    %dma_wait3A_819 = tpu.memref_slice %arg9[%dma_wait3A_816, %dma_wait3A_817, %dma_wait3A_818] : memref<4x64x256xf32, #tpu.memory_space<vmem>> -> memref<1x64x256xf32, #tpu.memory_space<vmem>>
    %dma_wait3A_820 = tpu.memref_squeeze %dma_wait3A_819 : memref<1x64x256xf32, #tpu.memory_space<vmem>> -> memref<64x256xf32, #tpu.memory_space<vmem>>
    %dma_wait3A_821 = arith.constant 0 : i32
    %dma_wait3A_822 = tpu.memref_slice %arg4[%add3A_695, %dma_wait3A_821] : memref<32768x256xf32, #tpu.memory_space<hbm>> -> memref<64x256xf32, #tpu.memory_space<hbm>>
    %dma_wait3A_823 = arith.constant 0 : i32
    %dma_wait3A_824 = tpu.memref_slice %arg4[%add3A_695, %dma_wait3A_823] : memref<32768x256xf32, #tpu.memory_space<hbm>> -> memref<64x256xf32, #tpu.memory_space<hbm>>
    %dma_wait3A_825 = arith.constant 0 : i32
    %dma_wait3A_826 = arith.constant 0 : i32
    %dma_wait3A_827 = tpu.memref_slice %arg9[%dma_wait3A_816, %dma_wait3A_825, %dma_wait3A_826] : memref<4x64x256xf32, #tpu.memory_space<vmem>> -> memref<1x64x256xf32, #tpu.memory_space<vmem>>
    %dma_wait3A_828 = tpu.memref_squeeze %dma_wait3A_827 : memref<1x64x256xf32, #tpu.memory_space<vmem>> -> memref<64x256xf32, #tpu.memory_space<vmem>>
    tpu.wait_dma2 semaphore(%arg11 : memref<!tpu.dma_semaphore, #tpu.memory_space<semaphore_mem>>) src(%dma_wait3A_828 : memref<64x256xf32, #tpu.memory_space<vmem>>) dst(%dma_wait3A_824 : memref<64x256xf32, #tpu.memory_space<hbm>>)
    %dma_wait3A_829 = arith.constant 1 : i32
    %dma_wait3A_830 = arith.constant 0 : i32
    %dma_wait3A_831 = arith.constant 0 : i32
    %dma_wait3A_832 = tpu.memref_slice %arg9[%dma_wait3A_829, %dma_wait3A_830, %dma_wait3A_831] : memref<4x64x256xf32, #tpu.memory_space<vmem>> -> memref<1x64x256xf32, #tpu.memory_space<vmem>>
    %dma_wait3A_833 = tpu.memref_squeeze %dma_wait3A_832 : memref<1x64x256xf32, #tpu.memory_space<vmem>> -> memref<64x256xf32, #tpu.memory_space<vmem>>
    %dma_wait3A_834 = arith.constant 0 : i32
    %dma_wait3A_835 = tpu.memref_slice %arg4[%add3A_746, %dma_wait3A_834] : memref<32768x256xf32, #tpu.memory_space<hbm>> -> memref<64x256xf32, #tpu.memory_space<hbm>>
    %dma_wait3A_836 = arith.constant 0 : i32
    %dma_wait3A_837 = tpu.memref_slice %arg4[%add3A_746, %dma_wait3A_836] : memref<32768x256xf32, #tpu.memory_space<hbm>> -> memref<64x256xf32, #tpu.memory_space<hbm>>
    %dma_wait3A_838 = arith.constant 0 : i32
    %dma_wait3A_839 = arith.constant 0 : i32
    %dma_wait3A_840 = tpu.memref_slice %arg9[%dma_wait3A_829, %dma_wait3A_838, %dma_wait3A_839] : memref<4x64x256xf32, #tpu.memory_space<vmem>> -> memref<1x64x256xf32, #tpu.memory_space<vmem>>
    %dma_wait3A_841 = tpu.memref_squeeze %dma_wait3A_840 : memref<1x64x256xf32, #tpu.memory_space<vmem>> -> memref<64x256xf32, #tpu.memory_space<vmem>>
    tpu.wait_dma2 semaphore(%arg11 : memref<!tpu.dma_semaphore, #tpu.memory_space<semaphore_mem>>) src(%dma_wait3A_841 : memref<64x256xf32, #tpu.memory_space<vmem>>) dst(%dma_wait3A_837 : memref<64x256xf32, #tpu.memory_space<hbm>>)
    %dma_wait3A_842 = arith.constant 2 : i32
    %dma_wait3A_843 = arith.constant 0 : i32
    %dma_wait3A_844 = arith.constant 0 : i32
    %dma_wait3A_845 = tpu.memref_slice %arg9[%dma_wait3A_842, %dma_wait3A_843, %dma_wait3A_844] : memref<4x64x256xf32, #tpu.memory_space<vmem>> -> memref<1x64x256xf32, #tpu.memory_space<vmem>>
    %dma_wait3A_846 = tpu.memref_squeeze %dma_wait3A_845 : memref<1x64x256xf32, #tpu.memory_space<vmem>> -> memref<64x256xf32, #tpu.memory_space<vmem>>
    %dma_wait3A_847 = arith.constant 0 : i32
    %dma_wait3A_848 = tpu.memref_slice %arg4[%add3A_774, %dma_wait3A_847] : memref<32768x256xf32, #tpu.memory_space<hbm>> -> memref<64x256xf32, #tpu.memory_space<hbm>>
    %dma_wait3A_849 = arith.constant 0 : i32
    %dma_wait3A_850 = tpu.memref_slice %arg4[%add3A_774, %dma_wait3A_849] : memref<32768x256xf32, #tpu.memory_space<hbm>> -> memref<64x256xf32, #tpu.memory_space<hbm>>
    %dma_wait3A_851 = arith.constant 0 : i32
    %dma_wait3A_852 = arith.constant 0 : i32
    %dma_wait3A_853 = tpu.memref_slice %arg9[%dma_wait3A_842, %dma_wait3A_851, %dma_wait3A_852] : memref<4x64x256xf32, #tpu.memory_space<vmem>> -> memref<1x64x256xf32, #tpu.memory_space<vmem>>
    %dma_wait3A_854 = tpu.memref_squeeze %dma_wait3A_853 : memref<1x64x256xf32, #tpu.memory_space<vmem>> -> memref<64x256xf32, #tpu.memory_space<vmem>>
    tpu.wait_dma2 semaphore(%arg11 : memref<!tpu.dma_semaphore, #tpu.memory_space<semaphore_mem>>) src(%dma_wait3A_854 : memref<64x256xf32, #tpu.memory_space<vmem>>) dst(%dma_wait3A_850 : memref<64x256xf32, #tpu.memory_space<hbm>>)
    %dma_wait3A_855 = arith.constant 3 : i32
    %dma_wait3A_856 = arith.constant 0 : i32
    %dma_wait3A_857 = arith.constant 0 : i32
    %dma_wait3A_858 = tpu.memref_slice %arg9[%dma_wait3A_855, %dma_wait3A_856, %dma_wait3A_857] : memref<4x64x256xf32, #tpu.memory_space<vmem>> -> memref<1x64x256xf32, #tpu.memory_space<vmem>>
    %dma_wait3A_859 = tpu.memref_squeeze %dma_wait3A_858 : memref<1x64x256xf32, #tpu.memory_space<vmem>> -> memref<64x256xf32, #tpu.memory_space<vmem>>
    %dma_wait3A_860 = arith.constant 0 : i32
    %dma_wait3A_861 = tpu.memref_slice %arg4[%add3A_802, %dma_wait3A_860] : memref<32768x256xf32, #tpu.memory_space<hbm>> -> memref<64x256xf32, #tpu.memory_space<hbm>>
    %dma_wait3A_862 = arith.constant 0 : i32
    %dma_wait3A_863 = tpu.memref_slice %arg4[%add3A_802, %dma_wait3A_862] : memref<32768x256xf32, #tpu.memory_space<hbm>> -> memref<64x256xf32, #tpu.memory_space<hbm>>
    %dma_wait3A_864 = arith.constant 0 : i32
    %dma_wait3A_865 = arith.constant 0 : i32
    %dma_wait3A_866 = tpu.memref_slice %arg9[%dma_wait3A_855, %dma_wait3A_864, %dma_wait3A_865] : memref<4x64x256xf32, #tpu.memory_space<vmem>> -> memref<1x64x256xf32, #tpu.memory_space<vmem>>
    %dma_wait3A_867 = tpu.memref_squeeze %dma_wait3A_866 : memref<1x64x256xf32, #tpu.memory_space<vmem>> -> memref<64x256xf32, #tpu.memory_space<vmem>>
    tpu.wait_dma2 semaphore(%arg11 : memref<!tpu.dma_semaphore, #tpu.memory_space<semaphore_mem>>) src(%dma_wait3A_867 : memref<64x256xf32, #tpu.memory_space<vmem>>) dst(%dma_wait3A_863 : memref<64x256xf32, #tpu.memory_space<hbm>>)
    "tpu.trace_stop"() : () -> ()
    return
  }
}

module attributes {stable_mosaic.version = 14 : i64} {
  func.func @_transpose_body(%arg0: i32, %arg1: i32, %arg2: memref<1x1x512x256xf32, #tpu.memory_space<vmem>>, %arg3: memref<1x1x1x512xi32, #tpu.memory_space<vmem>>, %arg4: memref<1x256x512xf32, #tpu.memory_space<vmem>>) attributes {dimension_semantics = [#tpu.dimension_semantics<arbitrary>, #tpu.dimension_semantics<arbitrary>], iteration_bounds = array<i64: 8, 8>, scalar_prefetch = 0 : i64, scratch_operands = 0 : i64, tpu.core_type = #tpu.core_type<tc>, window_params = [{transform_indices = @transform_0, window_bounds = array<i64: 1, 1, 512, 256>}, {transform_indices = @transform_1, window_bounds = array<i64: 1, 1, 1, 512>}, {transform_indices = @transform_2, window_bounds = array<i64: 1, 256, 512>}]} {
    %get3A = arith.constant 0 : index
    %get3A_0 = arith.constant 0 : index
    %get3A_1 = arith.constant 0 : index
    %get3A_2 = arith.constant 0 : index
    %get3A_3 = vector.load %arg2[%get3A, %get3A_0, %get3A_1, %get3A_2] : memref<1x1x512x256xf32, #tpu.memory_space<vmem>>, vector<1x1x512x256xf32>
    %get3A_4 = vector.shape_cast %get3A_3 : vector<1x1x512x256xf32> to vector<512x256xf32>
    %get3A_5 = arith.constant 0 : index
    %get3A_6 = arith.constant 0 : index
    %get3A_7 = arith.constant 0 : index
    %get3A_8 = arith.constant 0 : index
    %get3A_9 = vector.load %arg3[%get3A_5, %get3A_6, %get3A_7, %get3A_8] : memref<1x1x1x512xi32, #tpu.memory_space<vmem>>, vector<1x1x1x512xi32>
    %get3A_10 = vector.shape_cast %get3A_9 : vector<1x1x1x512xi32> to vector<1x512xi32>
    %gt3A = arith.constant 0 : i32
    %gt3A_11 = vector.broadcast %gt3A : i32 to vector<1x512xi32>
    %gt3A_12 = arith.cmpi sgt, %get3A_10, %gt3A_11 : vector<1x512xi32>
    %convert_element_type3A = arith.extui %gt3A_12 : vector<1x512xi1> to vector<1x512xi32>
    %convert_element_type3A_13 = arith.sitofp %convert_element_type3A : vector<1x512xi32> to vector<1x512xf32>
    %transpose3A = tpu.transpose %get3A_4, [1, 0] : vector<512x256xf32> -> vector<256x512xf32>
    %mul3A = vector.broadcast %convert_element_type3A_13 : vector<1x512xf32> to vector<256x512xf32>
    %mul3A_14 = arith.mulf %transpose3A, %mul3A : vector<256x512xf32>
    %swap3A = arith.constant 0 : index
    %swap3A_15 = arith.constant 0 : index
    %swap3A_16 = arith.constant 0 : index
    %swap3A_17 = vector.load %arg4[%swap3A, %swap3A_15, %swap3A_16] : memref<1x256x512xf32, #tpu.memory_space<vmem>>, vector<1x256x512xf32>
    %swap3A_18 = vector.shape_cast %swap3A_17 : vector<1x256x512xf32> to vector<256x512xf32>
    %swap3A_19 = vector.shape_cast %mul3A_14 : vector<256x512xf32> to vector<1x256x512xf32>
    tpu.vector_store %arg4[%swap3A, %swap3A_15, %swap3A_16], %swap3A_19 {strides = array<i32>} : memref<1x256x512xf32, #tpu.memory_space<vmem>>, vector<1x256x512xf32>,
    return
  }
  func.func @transform_0(%arg0: i32, %arg1: i32) -> (i32, i32, i32, i32) {
    %c0_i32 = arith.constant 0 : i32
    %c0_i32_0 = arith.constant 0 : i32
    %c0_i32_1 = arith.constant 0 : i32
    return %arg0, %arg1, %c0_i32, %c0_i32_0 : i32, i32, i32, i32
  }
  func.func @transform_1(%arg0: i32, %arg1: i32) -> (i32, i32, i32, i32) {
    %c0_i32 = arith.constant 0 : i32
    %c0_i32_0 = arith.constant 0 : i32
    %c0_i32_1 = arith.constant 0 : i32
    return %arg0, %arg1, %c0_i32, %c0_i32_0 : i32, i32, i32, i32
  }
  func.func @transform_2(%arg0: i32, %arg1: i32) -> (i32, i32, i32) {
    %c0_i32 = arith.constant 0 : i32
    %c0_i32_0 = arith.constant 0 : i32
    return %arg0, %c0_i32, %arg1 : i32, i32, i32
  }
}

</mosaic_0001>

<sc_bundles>
// kernel: kernel.4.cloned.1.call-start
scs
__scs_entry_jumppad:
0x0: {  	(pc) =	sbr.rel $0x88, $3  }
0x1: {  	(tag) =	ssettag $0x0;
	lr =	simm.s32 $0x1  }
0x2: {  	[smem:$0x3F9F] =	sst lr;
	_ =	strace $0xD0000000  }
0x3: {  	_ = 	snop  }
0x4: {  	_ = 	snop  }
0x5: {  	_ = 	snop  }
0x6: {  	_ = 	snop  }
0x7: {  	_ = 	snop  }
__scs_overlays_trampoline_lowered:
0x8: {  	[smem:$0x3FAE] =	sst s0  }
0x9: {  	[smem:$0x3FAF] =	sst s1  }
0xa: {  	[smem:$0x3FB0] =	sst s2  }
0xb: {  	[smem:$0x3FB1] =	sst s3  }
0xc: {  	[smem:$0x3FB2] =	sst s4  }
0xd: {  	[smem:$0x3FB3] =	sst s5  }
0xe: {  	[smem:$0x3FB4] =	sst s6  }
0xf: {  	[smem:$0x3FB5] =	sst s7  }
0x10: {  	[smem:$0x3FB6] =	sst s8  }
0x11: {  	[smem:$0x3FB7] =	sst s9;
	s0 =	simm.s32 @!p0 $0x0  }
0x12: {  	s1 =	sld [smem:$0x3F9D];
	s0 =	simm.s32 @p0 $0x1  }
0x13: {  	[smem:$0x3FB8] =	sst s0;
	s0 =	simm.s32 @!p1 $0x0  }
0x14: {  	s2 =	sld [smem:$0x3F9C];
	s0 =	simm.s32 @p1 $0x1  }
0x15: {  	[smem:$0x3FB9] =	sst s0;
	s0 =	simm.s32 @!p2 $0x0  }
0x16: {  	s3 =	sld [smem:$0x3FDB];
	s0 =	simm.s32 @p2 $0x1  }
0x17: {  	s4 =	simm.s32 $0x1BF5;
	[smem:$0x3FBB] =	sst s0  }
0x18: {  	s0 =	sld [smem:$0x3F9E];
	_ =	swait.ge [sflag:s4], $0x0  }
0x19: {  	s7 =	sld [smem:$0x3F9F]  }
0x1a: {  	s8 =	sadd.s32 $0xFFFFE003, lr  }
0x1b: {  	s9 =	sadd.s32 $0xFFFFFEF7, lr;
	s5 =	simm.s32 $0xFFFFFFFF;
	p2 =	slt.u32 s8, $0xFFFFF086  }
0x1c: {  	p1 =	slt.u32 s9, $0xF7A;
	s5 =	simm.s32 @!p2 $0x0  }
0x1d: {  	s5 =	simm.s32 @p1 $0x1;
	p0 =	seq.s32 s7, s2  }
0x1e: {  	s7 =	smul.u32 @!p0 $0xF7A, s2;
	p2 =	seq.s32 @!p0 s5, $0x0  }
0x1f: {  	s9 =	smul.u32 $0xF7A, s1;
	s8 =	simm.s32 @!p0 $0x1BF5;
	p2 =	por !p2, p0  }
0x20: {  	[sflag:s8] =	ssyncset.s32 @!p0 $0xFFFFF086;
	s6 =	sadd.s32 @!p0 s3, s7;
	s7 =	simm.s32 @!p0 $0x108  }
0x21: {  	s3 =	sadd.s32 s3, s9;
	s6 =	sadd.s32 @!p0 $0x88, s6;
	s7 =	simm.s32 @p2 $0x1082  }
0x22: {  	[simem:s7], [sflag:s8] =	dma.local @!p0 [hbm:s6], $0xF7A  }
0x23: {  	s9 =	sor.u32 $0xD0000000, s2;
	s6 =	simm.s32 $0x108;
	_ =	swait.ge @!p0 [sflag:s8], $0x0  }
0x24: {  	s3 =	sadd.s32 $0x88, s3;
	s6 =	simm.s32 @!p1 $0x1082;
	[sflag:s4] =	ssyncset.s32 $0xFFFFF086  }
0x25: {  	[simem:s6], [sflag:s4] =	dma.local [hbm:s3], $0xF7A  }
0x26: {  	[smem:$0x3F9F] =	sst s1;
	(tag) =	ssettag s2;
	_ =	strace s9  }
0x27: {  	s1 =	sld [smem:$0x3FAF]  }
0x28: {  	s2 =	sld [smem:$0x3FB0]  }
0x29: {  	s4 =	sld [smem:$0x3FB2]  }
0x2a: {  	p0 =	seq.s32 s5, $0x0;
	s5 =	sld [smem:$0x3FB3]  }
0x2b: {  	s6 =	sld [smem:$0x3FB4]  }
0x2c: {  	s7 =	sld [smem:$0x3FB5]  }
0x2d: {  	s3 =	simm.s32 $0x108;
	s8 =	sld [smem:$0x3FB6]  }
0x2e: {  	s3 =	simm.s32 @!p0 $0x1082;
	s9 =	sld [smem:$0x3FB7]  }
0x2f: {  	lr =	sadd.s32 s0, s3;
	s0 =	sld [smem:$0x3FAE]  }
0x30: {  	s3 =	sld [smem:$0x3FB1]  }
0x31: {  	[smem:$0x3FBA] =	sst s10  }
0x32: {  	s10 =	sld [smem:$0x3FB8];
	_ =	sdelay $0x3  }
0x33: {  	p0 =	seq.s32 s10, $0x1;
	s10 =	sld [smem:$0x3FBA];
	_ =	sdelay $0x3  }
0x34: {  	[smem:$0x3FBA] =	sst s10  }
0x35: {  	s10 =	sld [smem:$0x3FB9];
	_ =	sdelay $0x3  }
0x36: {  	p1 =	seq.s32 s10, $0x1;
	s10 =	sld [smem:$0x3FBA];
	_ =	sdelay $0x3  }
0x37: {  	[smem:$0x3FBA] =	sst s10  }
0x38: {  	s10 =	sld [smem:$0x3FBB]  }
0x39: {  	_ = 	snop;
	(pc) =	sbr.ind lr, $3  }
0x3a: {  	_ = 	snop  }
0x3b: {  	_ = 	snop  }
0x3c: {  	p2 =	seq.s32 s10, $0x1;
	s10 =	sld [smem:$0x3FBA]  }
0x3d: {  	_ =	shalt  }
0x3e: {  	_ =	shalt  }
0x3f: {  	_ =	shalt  }
0x40: {  	_ =	shalt  }
0x41: {  	_ =	shalt  }
0x42: {  	_ =	shalt  }
0x43: {  	_ =	shalt  }
0x44: {  	_ =	shalt  }
0x45: {  	_ =	shalt  }
0x46: {  	_ =	shalt  }
0x47: {  	_ =	shalt  }
0x48: {  	_ =	shalt  }
0x49: {  	_ =	shalt  }
0x4a: {  	_ =	shalt  }
0x4b: {  	_ =	shalt  }
0x4c: {  	_ =	shalt  }
0x4d: {  	_ =	shalt  }
0x4e: {  	_ =	shalt  }
0x4f: {  	_ =	shalt  }
0x50: {  	_ =	shalt  }
0x51: {  	_ =	shalt  }
0x52: {  	_ =	shalt  }
0x53: {  	_ =	shalt  }
0x54: {  	_ =	shalt  }
0x55: {  	_ =	shalt  }
0x56: {  	_ =	shalt  }
0x57: {  	_ =	shalt  }
0x58: {  	_ =	shalt  }
0x59: {  	_ =	shalt  }
0x5a: {  	_ =	shalt  }
0x5b: {  	_ =	shalt  }
0x5c: {  	_ =	shalt  }
0x5d: {  	_ =	shalt  }
0x5e: {  	_ =	shalt  }
0x5f: {  	_ =	shalt  }
0x60: {  	_ =	shalt  }
0x61: {  	_ =	shalt  }
0x62: {  	_ =	shalt  }
0x63: {  	_ =	shalt  }
0x64: {  	_ =	shalt  }
0x65: {  	_ =	shalt  }
0x66: {  	_ =	shalt  }
0x67: {  	_ =	shalt  }
0x68: {  	_ =	shalt  }
0x69: {  	_ =	shalt  }
0x6a: {  	_ =	shalt  }
0x6b: {  	_ =	shalt  }
0x6c: {  	_ =	shalt  }
0x6d: {  	_ =	shalt  }
0x6e: {  	_ =	shalt  }
0x6f: {  	_ =	shalt  }
0x70: {  	_ =	shalt  }
0x71: {  	_ =	shalt  }
0x72: {  	_ =	shalt  }
0x73: {  	_ =	shalt  }
0x74: {  	_ =	shalt  }
0x75: {  	_ =	shalt  }
0x76: {  	_ =	shalt  }
0x77: {  	_ =	shalt  }
0x78: {  	_ =	shalt  }
0x79: {  	_ =	shalt  }
0x7a: {  	_ =	shalt  }
0x7b: {  	_ =	shalt  }
0x7c: {  	_ =	shalt  }
0x7d: {  	_ =	shalt  }
0x7e: {  	_ =	shalt  }
0x7f: {  	_ =	shalt  }
0x80: {  	_ =	shalt  }
0x81: {  	_ =	shalt  }
0x82: {  	_ =	shalt  }
0x83: {  	_ =	shalt  }
0x84: {  	_ =	shalt  }
0x85: {  	_ =	shalt  }
0x86: {  	_ =	shalt  }
0x87: {  	_ =	shalt  }
.Lfunc_end0:
.L_simem_size_0:
called_computation_lowered:
.L_overlay_start_0:
0x88: {  	s2 =	sld [smem:$0x3FD9]  }
0x89: {  	s3 =	sld [smem:$0x3FFE];
	_ =	sdelay $0x1  }
0x8a: {  	s1 =	srdreg.scid  }
0x8b: {  	s0 =	sand.u32 $0x1, s1  }
0x8c: {  	s17 =	sshll.u32 s0, $0xA;
	s2 =	sadd.s32 s3, s2  }
0x8d: {  	s2 =	sadd.s32 s2, s17  }
0x8e: {  	[smem:$0x3FC6] =	sst s2  }
0x8f: {  	_ = 	snop  }
0x90: {  	s2 =	sld [smem:$0x3FC9]  }
0x91: {  	s18 =	sld [smem:$0x3FD0];
	(tm) =	ssettm $0x1  }
0x92: {  	s4 =	sld [smem:$0x3FFB];
	_ =	sdelay $0x3  }
0x93: {  	_ =	strace s4  }
0x94: {  	s4 =	sld [smem:$0x3FFC];
	_ =	sdelay $0x3  }
0x95: {  	_ =	strace s4  }
0x96: {  	s4 =	sld [smem:$0x3FFD];
	_ =	sdelay $0x3  }
0x97: {  	_ =	strace s4  }
0x98: {  	_ =	strace $0x8FFFFFFF  }
0x99: {  	s19 =	sld [smem:$0x3FDB];
	_ =	sdelay $0x1  }
0x9a: {  	s5 =	simm.s32 $_scs_section_size  }
0x9b: {  	s6 =	simm.s32 $_size__tile_overlayer_lowered;
	s7 =	simm.s32 $_tile_overlayer_lowered  }
0x9c: {  	s22 =	simm.s32 $0x1BFF;
	s21 =	sshll.u32 s7, $0x1;
	s4 =	sadd.s32 s5, s19  }
0x9d: {  	s8 =	simm.s32 $0x0;
	s20 =	sshll.u32 s6, $0x1;
	s6 =	sadd.s32 s21, s4  }
0x9e: {  	[timem:s8], [sflag:s22] =	dma.local [hbm:s6], s20  }
0x9f: {  	_ =	swait.ge [sflag:s22], s20  }
0xa0: {  	s5 =	ssub.s32 $0x0, s20;
	[sflag:s22] =	ssyncset.done $0x0  }
0xa1: {  	[sflag:s22] =	ssyncadd.s32 s5;
	_ =	sdelay $0x1  }
0xa2: {  	s23 =	simm.s32 $0x1B8B  }
0xa3: {  	_ =	swait.ge [sflag:s23], $0x1  }
0xa4: {  	[sflag:s23] =	ssyncset.done $0x0  }
0xa5: {  	s25 =	simm.s32 $0x1B8E;
	s24 =	sld [smem:$0x3FFE];
	[sflag:s23] =	ssyncadd.s32 $0xFFFFFFFF  }
0xa6: {  	s26 =	simm.s32 $execute0_lowered;
	[smem:$0x3FD2] =	sst s25  }
0xa7: {  	s6 =	sshll.u32 s26, $0x1;
	_ =	strace $0x80000046;
	[dreg:$0x1] =	wrdreg $0xFFFFFFFF  }
0xa8: {  	s28 =	simm.s32 $_size_execute0_lowered;
	s4 =	sadd.s32 s4, s6;
	[dreg:$0x0] =	wrdreg $0x0  }
0xa9: {  	s6 =	sshll.u32 s28, $0x1;
	[dreg:$0x2] =	wrdreg s4  }
0xaa: {  	[dreg:$0x3] =	wrdreg s6  }
0xab: {  	[dreg:$0x4] =	wrdreg $0xC0  }
0xac: {  	_ =	task [dreg:s8], $0x5FFFF  }
0xad: {  	[dreg:$0x1] =	wrdreg $0xFFFFFFFF  }
0xae: {  	[dreg:$0x0] =	wrdreg $0x60  }
0xaf: {  	[dreg:$0x2] =	wrdreg s24  }
0xb0: {  	[dreg:$0x3] =	wrdreg s2  }
0xb1: {  	[dreg:$0x4] =	wrdreg s18  }
0xb2: {  	[dreg:$0x5] =	wrdreg $0x9  }
0xb3: {  	_ =	task.clear_ibuf [dreg:s8], $0x6FFFF;
	_ =	strace $0x90000046  }
0xb4: {  	s29 =	simm.s32 $0x9;
	_ =	strace $0x8000004E  }
0xb5: {  	_ =	swait.ge [sflag:s29], $0x1  }
0xb6: {  	[sflag:s29] =	ssyncadd.s32 $0xFFFFFFFF  }
0xb7: {  	_ =	strace $0x9000004E  }
0xb8: {  	_ =	sfence  }
0xb9: {  	s30 =	sld [smem:$0x0];
	_ =	sdelay $0x2  }
0xba: {  	s31 =	sshll.u32 s1, $0xD;
	s1 =	sshrl.u32 s1, $0x2  }
0xbb: {  	s3 =	sand.u32 $0x4000, s31;
	s1 =	sadd.s32 s1, s30  }
0xbc: {  	s0 =	sor.u32 s3, s0;
	s1 =	sshll.u32 s1, $0x11  }
0xbd: {  	s0 =	sor.u32 s1, s0  }
0xbe: {  	s0 =	sadd.s32 $0x8F2B, s0  }
0xbf: {  	[sflag:s0] =	ssyncadd.remote.s32 $0x1  }
0xc0: {  	_ =	sfence.sel $0xFFFF  }
0xc1: {  	[dreg:$0x0] =	wrdreg $0xFFFFFFFF;
	(pc) =	sbr.abs _section_cstart, $3  }
0xc2: {  	[dreg:$0x1] =	wrdreg $0xFFFFFFFF  }
0xc3: {  	_ =	task.clear_ibuf [dreg:s8], $0x2FFFF;
	_ =	strace $0x9FFFFFFF  }
0xc4: {  	(tm) =	ssettm $0x7FFFFFFF  }
0xc5: {  	_ =	shalt  }
tec
execute0_lowered:
.L_overlay_start_1:
0x0: {  	(tag) =	ssettag $0x1  }
0x1: {  	s0 =	srdreg.scid  }
0x2: {  	s0 =	sand.u32 $0x1, s0  }
0x3: {  	s2 =	stileid.u32;
	s6 =	rddreg [dreg:$0x0];
	s1 =	sshll.u32 s0, $0x4  }
0x4: {  	s7 =	rddreg [dreg:$0x2];
	s5 =	sand.u32 $0x3, s2;
	s1 =	sor.u32 s2, s1  }
0x5: {  	s3 =	simm.s32 $0x0;
	p0 =	sne.s32 s5, $0x0;
	p1 =	seq.s32 s1, $0x0  }
0x6: {  	s4 =	simm.s32 $0x1;
	[smem:$0x7FF] =	sst s3;
	p1 =	por !p0, !p1  }
0x7: {  	s5 =	sshll.u32 s5, $0xA;
	s0 =	ssub.s32 $0x2, s0;
	p1 =	por !p1, !p1  }
0x8: {  	s12 =	sshrl.u32 s0, $0x1;
	s1 =	sshrl.u32 s1, $0x2;
	s4 =	simm.s32 @!p1 $0x0  }
0x9: {  	s2 =	rddreg [dreg:$0x1];
	s0 =	ssub.s32 s0, s12;
	s1 =	ssub.s32 s1, s4  }
0xa: {  	s0 =	smax.u32 s0, $0x1;
	s8 =	sshll.u32 s1, $0xC;
	s10 =	smul.u32 $0x1010, s1  }
0xb: {  	_ =	strace $0x80000047;
	[dreg:$0x16] =	wrdreg s0;
	s9 =	sand.u32 $0x1FFFF000, s8  }
0xc: {  	s8 =	sor.u32 s5, s8;
	s9 =	sadd.s32 s9, s6;
	s10 =	sshrl.u32 s10, $0x3  }
0xd: {  	s8 =	sshll.u32 s8, $0x5;
	s10 =	sadd.s32 s10, s6;
	s13 =	sadd.s32 $0xA00, s9  }
0xe: {  	s14 =	sand.u32 $0x1FFF8000, s8;
	[dreg:$0x4] =	wrdreg s13;
	s16 =	sadd.s32 $0x8A00, s10  }
0xf: {  	s15 =	sadd.s32 s14, s7;
	s7 =	sadd.s32 s7, s8;
	[dreg:$0x5] =	wrdreg s16  }
0x10: {  	[dreg:$0x6] =	wrdreg s7;
	s17 =	sadd.s32 $0x800, s15  }
0x11: {  	s18 =	sadd.s32 $0x1000, s15;
	[dreg:$0x7] =	wrdreg s17  }
0x12: {  	s19 =	sadd.s32 $0x1800, s15;
	[dreg:$0x8] =	wrdreg s18  }
0x13: {  	s20 =	sadd.s32 $0x2000, s15;
	[dreg:$0x9] =	wrdreg s19  }
0x14: {  	s21 =	sadd.s32 $0x2800, s15;
	[dreg:$0xa] =	wrdreg s20  }
0x15: {  	s22 =	sadd.s32 $0x3000, s15;
	[dreg:$0xb] =	wrdreg s21  }
0x16: {  	s23 =	sadd.s32 $0x3800, s15;
	[dreg:$0xc] =	wrdreg s22  }
0x17: {  	s24 =	sadd.s32 $0x4000, s15;
	[dreg:$0xd] =	wrdreg s23  }
0x18: {  	s25 =	sadd.s32 $0x4800, s15;
	[dreg:$0xe] =	wrdreg s24  }
0x19: {  	s26 =	sadd.s32 $0x5000, s15;
	[dreg:$0xf] =	wrdreg s25  }
0x1a: {  	s28 =	sadd.s32 $0x5800, s15;
	[dreg:$0x10] =	wrdreg s26  }
0x1b: {  	s4 =	simm.s32 $0x1;
	s29 =	sadd.s32 $0x6000, s15;
	[dreg:$0x11] =	wrdreg s28  }
0x1c: {  	s1 =	sshll.u32 s1, $0xB;
	s30 =	sadd.s32 $0x6800, s15;
	[dreg:$0x12] =	wrdreg s29  }
0x1d: {  	s6 =	sor.u32 $0x8000, s5;
	s31 =	sadd.s32 $0x7000, s15;
	[dreg:$0x13] =	wrdreg s30  }
0x1e: {  	v1 =	vimm.s32 $0x0;
	v5 =	vlaneseq.u32;
	vm0 =	vmmov $0xffff;
	s9 =	simm.s32 $0x0;
	s5 =	sadd.s32 $0x7800, s15;
	[dreg:$0x14] =	wrdreg s31  }
0x1f: {  	v2 =	vadd.s32 $0x1, v5;
	v3 =	vand.u32 $0x7, v5;
	v4 =	vshrl.u32 v5, $0x3;
	s7 =	simm.s32 $0x2;
	[dreg:$0x15] =	wrdreg s5;
	s26 =	simm.s32 $0x8000  }
0x20: {  	v5 =	vor.u32 $0x8, v5;
	v4 =	vmul.u32 $0x8, v4;
	v0 =	vmov s1;
	s20 =	simm.s32 $0x9480;
	s21 =	simm.s32 $0xD480;
	s24 =	simm.s32 $0x11480  }
.LBB2_1:
0x21: {  	_ =	strace $0x80000048  }
0x22: {  	s31 =	simm.s32 $0x3;
	s10 =	rddreg [dreg:$0x4]  }
0x23: {  	[tilespmem:s3], [sflag:$0x3] =	stream.linear.gather [hbm4b:s10+s3], $0x8000, $0x200038;
	[tilespmem:$0x19480] =	vst v63  }
0x24: {  	_ =	swait.ge [sflag:s31], $0x8000  }
0x25: {  	[sflag:s31] =	ssyncset.done $0x0  }
0x26: {  	[sflag:s31] =	ssyncadd.s32 $0xFFFF8000  }
0x27: {  	_ =	strace $0x90000048  }
0x28: {  	s11 =	simm.s32 $0x0;
	s10 =	simm.s32 $0x40;
	_ =	strace $0x80000049  }
.LBB2_2:
0x29: {  	p1 =	sne.s32 s10, $0x4000;
	[tilespmem:s11+$0x8000] =	vst v1;
	s11 =	smov.u32 s10;
	s10 =	sadd.s32 $0x40, s10  }
.Ltmp0:
0x2a: {  	(pc) =	sbr.rel @p1 .LBB2_2-.Ltmp0, $2  }
0x2b: {  	_ =	sdelay $0x2  }
0x2c: {  	s11 =	sshra.s32 s11, $0x2  }
0x2d: {  	[tilespmem:s11+$0x8000] =	vst v1  }
0x2e: {  	s10 =	simm.s32 $0x0;
	_ =	strace $0x90000049  }
0x2f: {  	s11 =	simm.s32 $0x0;
	s12 =	simm.s32 $0x0;
	_ =	strace $0x8000004A  }
.LBB2_4:
0x30: {  	s13 =	sand.u32 $0x70, s12;
	s14 =	sand.u32 $0x3C00, s11  }
0x31: {  	s13 =	sor.u32 s13, s14  }
0x32: {  	v6 =	vld [tilespmem:s13+$0x0];
	_ =	sdelay $0x6  }
0x33: {  	v7 =	vadd.s32 s12, v2  }
0x34: {  	[tilespmem:v6+s26+$0x0] =	vst.idx.msk $0xffff, v7  }
0x35: {  	v6 =	vld [tilespmem:s13+$0x80];
	_ =	sdelay $0x7  }
0x36: {  	[tilespmem:v6+s26+$0x0] =	vst.idx.msk $0xffff, v7  }
0x37: {  	v6 =	vld [tilespmem:s13+$0x100];
	_ =	sdelay $0x7  }
0x38: {  	[tilespmem:v6+s26+$0x0] =	vst.idx.msk $0xffff, v7  }
0x39: {  	v6 =	vld [tilespmem:s13+$0x180];
	_ =	sdelay $0x7  }
0x3a: {  	[tilespmem:v6+s26+$0x0] =	vst.idx.msk $0xffff, v7  }
0x3b: {  	v6 =	vld [tilespmem:s13+$0x200];
	_ =	sdelay $0x7  }
0x3c: {  	[tilespmem:v6+s26+$0x0] =	vst.idx.msk $0xffff, v7  }
0x3d: {  	v6 =	vld [tilespmem:s13+$0x280];
	_ =	sdelay $0x7  }
0x3e: {  	[tilespmem:v6+s26+$0x0] =	vst.idx.msk $0xffff, v7  }
0x3f: {  	v6 =	vld [tilespmem:s13+$0x300];
	_ =	sdelay $0x4  }
0x40: {  	s31 =	sand.u32 $0x7, s10  }
0x41: {  	s14 =	sshll.u32 s31, $0x4  }
0x42: {  	s14 =	sadd.s32 s14, s11  }
0x43: {  	s14 =	sor.u32 $0x380, s14;
	[tilespmem:v6+s26+$0x0] =	vst.idx.msk $0xffff, v7  }
0x44: {  	v6 =	vld [tilespmem:s14+$0x0];
	_ =	sdelay $0x7  }
0x45: {  	[tilespmem:v6+s26+$0x0] =	vst.idx.msk $0xffff, v7  }
0x46: {  	v6 =	vld [tilespmem:s13+$0x4000];
	_ =	sdelay $0x7  }
0x47: {  	[tilespmem:v6+s26+$0x0] =	vst.idx.msk $0xffff, v7  }
0x48: {  	v6 =	vld [tilespmem:s13+$0x4080];
	_ =	sdelay $0x7  }
0x49: {  	[tilespmem:v6+s26+$0x0] =	vst.idx.msk $0xffff, v7  }
0x4a: {  	v6 =	vld [tilespmem:s13+$0x4100];
	_ =	sdelay $0x7  }
0x4b: {  	[tilespmem:v6+s26+$0x0] =	vst.idx.msk $0xffff, v7  }
0x4c: {  	v6 =	vld [tilespmem:s13+$0x4180];
	_ =	sdelay $0x7  }
0x4d: {  	[tilespmem:v6+s26+$0x0] =	vst.idx.msk $0xffff, v7  }
0x4e: {  	v6 =	vld [tilespmem:s13+$0x4200];
	_ =	sdelay $0x7  }
0x4f: {  	[tilespmem:v6+s26+$0x0] =	vst.idx.msk $0xffff, v7  }
0x50: {  	v6 =	vld [tilespmem:s13+$0x4280];
	_ =	sdelay $0x7  }
0x51: {  	[tilespmem:v6+s26+$0x0] =	vst.idx.msk $0xffff, v7  }
0x52: {  	v6 =	vld [tilespmem:s13+$0x4300];
	_ =	sdelay $0x7  }
0x53: {  	[tilespmem:v6+s26+$0x0] =	vst.idx.msk $0xffff, v7  }
0x54: {  	v6 =	vld [tilespmem:s13+$0x4380];
	_ =	sdelay $0x2  }
0x55: {  	p1 =	sne.s32 s12, $0x7F0  }
.Ltmp1:
0x56: {  	_ = 	snop;
	(pc) =	sbr.rel @p1 .LBB2_4-.Ltmp1, $2  }
0x57: {  	_ =	sdelay $0x2  }
0x58: {  	s10 =	sadd.s32 $0x1, s10;
	s12 =	sadd.s32 $0x10, s12;
	s11 =	sadd.s32 $0x80, s11;
	[tilespmem:v6+s26+$0x0] =	vst.idx.msk $0xffff, v7  }
0x59: {  	s10 =	simm.s32 $0x0  }
0x5a: {  	s11 =	sand.u32 $0x380, s10  }
0x5b: {  	_ =	strace $0x9000004A;
	s10 =	sand.u32 $0x70, s10;
	s11 =	sadd.s32 s11, s6  }
0x5c: {  	_ =	strace $0x8000004B;
	s10 =	sadd.s32 s10, s11  }
0x5d: {  	v6 =	vld [tilespmem:s10+$0x0];
	_ =	sdelay $0x4  }
0x5e: {  	v6 =	vadd.s32 $0xFFFFFFFF, v6  }
0x5f: {  	s12 =	simm.s32 $0x10;
	vm1 =	vgt.s32 v6, $0x0  }
0x60: {  	s13 =	sand.u32 $0x380, s12;
	s11 =	simm.s32 $0x20;
	s10 =	simm.s32 $0x9080;
	v6 =	vnsel vm1, $0x0, v6  }
.LBB2_6:
0x61: {  	p1 =	sne.s32 s11, $0x3F0;
	s12 =	sand.u32 $0x70, s12;
	s13 =	sadd.s32 s13, s6;
	v6 =	vadd.s32 v0, v6  }
0x62: {  	s13 =	sadd.s32 s12, s13;
	[tilespmem:s10+$0x0] =	vst v6;
	s12 =	smov.u32 s11  }
0x63: {  	v6 =	vld [tilespmem:s13+$0x0];
	_ =	sdelay $0x2  }
.Ltmp2:
0x64: {  	(pc) =	sbr.rel @p1 .LBB2_6-.Ltmp2, $4  }
0x65: {  	_ = 	snop  }
0x66: {  	v6 =	vadd.s32 $0xFFFFFFFF, v6  }
0x67: {  	vm1 =	vgt.s32 v6, $0x0  }
0x68: {  	s11 =	sadd.s32 $0x10, s11;
	s10 =	sadd.s32 $0x10, s10;
	s13 =	sand.u32 $0x380, s12;
	v6 =	vnsel vm1, $0x0, v6  }
0x69: {  	s11 =	sand.u32 $0x70, s12;
	s17 =	sadd.s32 s13, s6;
	v6 =	vadd.s32 v0, v6  }
0x6a: {  	s11 =	sadd.s32 s11, s17;
	[tilespmem:s10+$0x0] =	vst v6  }
0x6b: {  	v6 =	vld [tilespmem:s11+$0x0];
	_ =	sdelay $0x4  }
0x6c: {  	v6 =	vadd.s32 $0xFFFFFFFF, v6  }
0x6d: {  	vm1 =	vgt.s32 v6, $0x0  }
0x6e: {  	v6 =	vnsel vm1, $0x0, v6  }
0x6f: {  	s18 =	sadd.s32 $0x10, s10;
	v6 =	vadd.s32 v0, v6  }
0x70: {  	[tilespmem:s18+$0x0] =	vst v6  }
0x71: {  	_ =	strace $0x9000004B  }
0x72: {  	_ =	strace $0x8000004C  }
0x73: {  	s10 =	simm.s32 @!p0 $0x0;
	s11 =	simm.s32 @!p0 $0x8000;
	s12 =	rddreg [dreg:$0x5]  }
0x74: {  	[hbm4b:s12+s10] =	stream.linear.scatter @!p0 [tilespmem:s11], [sflag:$0x3], $0x1010, $0x200038;
	[tilespmem:$0x19480] =	vst v63  }
0x75: {  	s10 =	simm.s32 @!p0 $0x3  }
0x76: {  	_ =	swait.ge @!p0 [sflag:s10], $0x1010  }
0x77: {  	[sflag:s10] =	ssyncset.done @!p0 $0x0  }
0x78: {  	[sflag:s10] =	ssyncadd.s32 @!p0 $0xFFFFEFF0  }
0x79: {  	_ =	strace $0x9000004C  }
0x7a: {  	_ =	strace $0x8000004D  }
0x7b: {  	v6 =	vld [tilespmem:$0x9080];
	_ =	sdelay $0x4  }
0x7c: {  	v7 =	vshll.u32 v6, $0x1  }
0x7d: {  	v6 =	vand.u32 $0x7, v6;
	v7 =	vand.u32 $0xFFFFFFF0, v7  }
0x7e: {  	v6 =	vor.u32 v6, v7  }
0x7f: {  	v7 =	vperm.xlane v6, v3;
	_ =	sdelay $0x1  }
0x80: {  	v6 =	vperm.xlane v6, v5;
	v7 =	vadd.s32 v4, v7;
	_ =	sdelay $0x1  }
0x81: {  	v6 =	vadd.s32 v4, v6;
	_ =	sdelay $0x2  }
0x82: {  	[tilespmem:s20], [sflag:$0x1] =	stream.indirect_vreg.gather [hbm4b:s2+s3], $0x80, v7, vm0, $0x2000b8;
	[tilespmem:$0x19480] =	vst v63  }
0x83: {  	s0 =	simm.s32 $0x9C80  }
0x84: {  	[tilespmem:s0], [sflag:$0x1] =	stream.indirect_vreg.gather [hbm4b:s2+s3], $0x80, v6, vm0, $0x2000b8;
	[tilespmem:$0x19480] =	vst v63  }
0x85: {  	v6 =	vld [tilespmem:$0x9090];
	_ =	sdelay $0x4  }
0x86: {  	v7 =	vshll.u32 v6, $0x1  }
0x87: {  	v6 =	vand.u32 $0x7, v6;
	v7 =	vand.u32 $0xFFFFFFF0, v7  }
0x88: {  	v6 =	vor.u32 v6, v7  }
0x89: {  	v7 =	vperm.xlane v6, v3;
	_ =	sdelay $0x1  }
0x8a: {  	v6 =	vperm.xlane v6, v5;
	v7 =	vadd.s32 v4, v7;
	_ =	sdelay $0x1  }
0x8b: {  	v6 =	vadd.s32 v4, v6;
	_ =	sdelay $0x1  }
0x8c: {  	s19 =	simm.s32 $0xA480  }
0x8d: {  	[tilespmem:s19], [sflag:$0x1] =	stream.indirect_vreg.gather [hbm4b:s2+s3], $0x80, v7, vm0, $0x2000b8;
	[tilespmem:$0x19480] =	vst v63  }
0x8e: {  	s22 =	simm.s32 $0xAC80  }
0x8f: {  	[tilespmem:s22], [sflag:$0x1] =	stream.indirect_vreg.gather [hbm4b:s2+s3], $0x80, v6, vm0, $0x2000b8;
	[tilespmem:$0x19480] =	vst v63  }
0x90: {  	v6 =	vld [tilespmem:$0x90A0];
	_ =	sdelay $0x4  }
0x91: {  	v7 =	vshll.u32 v6, $0x1  }
0x92: {  	v6 =	vand.u32 $0x7, v6;
	v7 =	vand.u32 $0xFFFFFFF0, v7  }
0x93: {  	v6 =	vor.u32 v6, v7  }
0x94: {  	v7 =	vperm.xlane v6, v3;
	_ =	sdelay $0x1  }
0x95: {  	v6 =	vperm.xlane v6, v5;
	v7 =	vadd.s32 v4, v7;
	_ =	sdelay $0x1  }
0x96: {  	v6 =	vadd.s32 v4, v6;
	_ =	sdelay $0x1  }
0x97: {  	s23 =	simm.s32 $0xB480  }
0x98: {  	[tilespmem:s23], [sflag:$0x1] =	stream.indirect_vreg.gather [hbm4b:s2+s3], $0x80, v7, vm0, $0x2000b8;
	[tilespmem:$0x19480] =	vst v63  }
0x99: {  	s25 =	simm.s32 $0xBC80  }
0x9a: {  	[tilespmem:s25], [sflag:$0x1] =	stream.indirect_vreg.gather [hbm4b:s2+s3], $0x80, v6, vm0, $0x2000b8;
	[tilespmem:$0x19480] =	vst v63  }
0x9b: {  	v6 =	vld [tilespmem:$0x90B0];
	_ =	sdelay $0x4  }
0x9c: {  	v7 =	vshll.u32 v6, $0x1  }
0x9d: {  	v6 =	vand.u32 $0x7, v6;
	v7 =	vand.u32 $0xFFFFFFF0, v7  }
0x9e: {  	v6 =	vor.u32 v6, v7  }
0x9f: {  	v7 =	vperm.xlane v6, v3;
	_ =	sdelay $0x1  }
0xa0: {  	v6 =	vperm.xlane v6, v5;
	v7 =	vadd.s32 v4, v7;
	_ =	sdelay $0x1  }
0xa1: {  	v6 =	vadd.s32 v4, v6;
	_ =	sdelay $0x1  }
0xa2: {  	s28 =	simm.s32 $0xC480  }
0xa3: {  	[tilespmem:s28], [sflag:$0x1] =	stream.indirect_vreg.gather [hbm4b:s2+s3], $0x80, v7, vm0, $0x2000b8;
	[tilespmem:$0x19480] =	vst v63  }
0xa4: {  	s29 =	simm.s32 $0xCC80  }
0xa5: {  	[tilespmem:s29], [sflag:$0x1] =	stream.indirect_vreg.gather [hbm4b:s2+s3], $0x80, v6, vm0, $0x2000b8;
	[tilespmem:$0x19480] =	vst v63  }
0xa6: {  	v6 =	vld [tilespmem:$0x90C0];
	_ =	sdelay $0x4  }
0xa7: {  	v7 =	vshll.u32 v6, $0x1  }
0xa8: {  	v6 =	vand.u32 $0x7, v6;
	v7 =	vand.u32 $0xFFFFFFF0, v7  }
0xa9: {  	v6 =	vor.u32 v6, v7  }
0xaa: {  	v7 =	vperm.xlane v6, v3;
	_ =	sdelay $0x1  }
0xab: {  	v6 =	vperm.xlane v6, v5;
	v7 =	vadd.s32 v4, v7;
	_ =	sdelay $0x1  }
0xac: {  	v6 =	vadd.s32 v4, v6;
	_ =	sdelay $0x2  }
0xad: {  	[tilespmem:s21], [sflag:$0x1] =	stream.indirect_vreg.gather [hbm4b:s2+s3], $0x80, v7, vm0, $0x2000b8;
	[tilespmem:$0x19480] =	vst v63  }
0xae: {  	s30 =	simm.s32 $0xDC80  }
0xaf: {  	[tilespmem:s30], [sflag:$0x1] =	stream.indirect_vreg.gather [hbm4b:s2+s3], $0x80, v6, vm0, $0x2000b8;
	[tilespmem:$0x19480] =	vst v63  }
0xb0: {  	v6 =	vld [tilespmem:$0x90D0];
	_ =	sdelay $0x4  }
0xb1: {  	v7 =	vshll.u32 v6, $0x1  }
0xb2: {  	v6 =	vand.u32 $0x7, v6;
	v7 =	vand.u32 $0xFFFFFFF0, v7  }
0xb3: {  	v6 =	vor.u32 v6, v7  }
0xb4: {  	v7 =	vperm.xlane v6, v3;
	_ =	sdelay $0x1  }
0xb5: {  	v6 =	vperm.xlane v6, v5;
	v7 =	vadd.s32 v4, v7;
	_ =	sdelay $0x1  }
0xb6: {  	v6 =	vadd.s32 v4, v6;
	_ =	sdelay $0x1  }
0xb7: {  	s31 =	simm.s32 $0xE480  }
0xb8: {  	[tilespmem:s31], [sflag:$0x1] =	stream.indirect_vreg.gather [hbm4b:s2+s3], $0x80, v7, vm0, $0x2000b8;
	[tilespmem:$0x19480] =	vst v63  }
0xb9: {  	s1 =	simm.s32 $0xEC80  }
0xba: {  	[tilespmem:s1], [sflag:$0x1] =	stream.indirect_vreg.gather [hbm4b:s2+s3], $0x80, v6, vm0, $0x2000b8;
	[tilespmem:$0x19480] =	vst v63  }
0xbb: {  	v6 =	vld [tilespmem:$0x90E0];
	_ =	sdelay $0x4  }
0xbc: {  	v7 =	vshll.u32 v6, $0x1  }
0xbd: {  	v6 =	vand.u32 $0x7, v6;
	v7 =	vand.u32 $0xFFFFFFF0, v7  }
0xbe: {  	v6 =	vor.u32 v6, v7  }
0xbf: {  	v7 =	vperm.xlane v6, v3;
	_ =	sdelay $0x1  }
0xc0: {  	v6 =	vperm.xlane v6, v5;
	v7 =	vadd.s32 v4, v7;
	_ =	sdelay $0x1  }
0xc1: {  	v6 =	vadd.s32 v4, v6;
	_ =	sdelay $0x1  }
0xc2: {  	s5 =	simm.s32 $0xF480  }
0xc3: {  	[tilespmem:s5], [sflag:$0x1] =	stream.indirect_vreg.gather [hbm4b:s2+s3], $0x80, v7, vm0, $0x2000b8;
	[tilespmem:$0x19480] =	vst v63  }
0xc4: {  	s8 =	simm.s32 $0xFC80  }
0xc5: {  	[tilespmem:s8], [sflag:$0x1] =	stream.indirect_vreg.gather [hbm4b:s2+s3], $0x80, v6, vm0, $0x2000b8;
	[tilespmem:$0x19480] =	vst v63  }
0xc6: {  	v6 =	vld [tilespmem:$0x90F0];
	_ =	sdelay $0x4  }
0xc7: {  	v7 =	vshll.u32 v6, $0x1  }
0xc8: {  	v6 =	vand.u32 $0x7, v6;
	v7 =	vand.u32 $0xFFFFFFF0, v7  }
0xc9: {  	v6 =	vor.u32 v6, v7  }
0xca: {  	v7 =	vperm.xlane v6, v3;
	_ =	sdelay $0x1  }
0xcb: {  	v6 =	vperm.xlane v6, v5;
	v7 =	vadd.s32 v4, v7;
	_ =	sdelay $0x1  }
0xcc: {  	v6 =	vadd.s32 v4, v6;
	_ =	sdelay $0x1  }
0xcd: {  	s10 =	simm.s32 $0x10480  }
0xce: {  	[tilespmem:s10], [sflag:$0x1] =	stream.indirect_vreg.gather [hbm4b:s2+s3], $0x80, v7, vm0, $0x2000b8;
	[tilespmem:$0x19480] =	vst v63  }
0xcf: {  	s15 =	simm.s32 $0x10C80  }
0xd0: {  	[tilespmem:s15], [sflag:$0x1] =	stream.indirect_vreg.gather [hbm4b:s2+s3], $0x80, v6, vm0, $0x2000b8;
	[tilespmem:$0x19480] =	vst v63  }
0xd1: {  	v6 =	vld [tilespmem:$0x9100];
	_ =	sdelay $0x4  }
0xd2: {  	v7 =	vshll.u32 v6, $0x1  }
0xd3: {  	v6 =	vand.u32 $0x7, v6;
	v7 =	vand.u32 $0xFFFFFFF0, v7  }
0xd4: {  	v6 =	vor.u32 v6, v7  }
0xd5: {  	v7 =	vperm.xlane v6, v3;
	_ =	sdelay $0x1  }
0xd6: {  	v6 =	vperm.xlane v6, v5;
	v7 =	vadd.s32 v4, v7;
	_ =	sdelay $0x1  }
0xd7: {  	v6 =	vadd.s32 v4, v6;
	_ =	sdelay $0x2  }
0xd8: {  	[tilespmem:s24], [sflag:$0x1] =	stream.indirect_vreg.gather [hbm4b:s2+s3], $0x80, v7, vm0, $0x2000b8;
	[tilespmem:$0x19480] =	vst v63  }
0xd9: {  	s17 =	simm.s32 $0x11C80  }
0xda: {  	[tilespmem:s17], [sflag:$0x1] =	stream.indirect_vreg.gather [hbm4b:s2+s3], $0x80, v6, vm0, $0x2000b8;
	[tilespmem:$0x19480] =	vst v63  }
0xdb: {  	v6 =	vld [tilespmem:$0x9110];
	_ =	sdelay $0x4  }
0xdc: {  	v7 =	vshll.u32 v6, $0x1  }
0xdd: {  	v6 =	vand.u32 $0x7, v6;
	v7 =	vand.u32 $0xFFFFFFF0, v7  }
0xde: {  	v6 =	vor.u32 v6, v7  }
0xdf: {  	v7 =	vperm.xlane v6, v3;
	_ =	sdelay $0x1  }
0xe0: {  	v6 =	vperm.xlane v6, v5;
	v7 =	vadd.s32 v4, v7;
	_ =	sdelay $0x1  }
0xe1: {  	v6 =	vadd.s32 v4, v6;
	_ =	sdelay $0x1  }
0xe2: {  	s18 =	simm.s32 $0x12480  }
0xe3: {  	[tilespmem:s18], [sflag:$0x1] =	stream.indirect_vreg.gather [hbm4b:s2+s3], $0x80, v7, vm0, $0x2000b8;
	[tilespmem:$0x19480] =	vst v63  }
0xe4: {  	s19 =	simm.s32 $0x12C80  }
0xe5: {  	[tilespmem:s19], [sflag:$0x1] =	stream.indirect_vreg.gather [hbm4b:s2+s3], $0x80, v6, vm0, $0x2000b8;
	[tilespmem:$0x19480] =	vst v63  }
0xe6: {  	v6 =	vld [tilespmem:$0x9120];
	_ =	sdelay $0x4  }
0xe7: {  	v7 =	vshll.u32 v6, $0x1  }
0xe8: {  	v6 =	vand.u32 $0x7, v6;
	v7 =	vand.u32 $0xFFFFFFF0, v7  }
0xe9: {  	v6 =	vor.u32 v6, v7  }
0xea: {  	v7 =	vperm.xlane v6, v3;
	_ =	sdelay $0x1  }
0xeb: {  	v6 =	vperm.xlane v6, v5;
	v7 =	vadd.s32 v4, v7;
	_ =	sdelay $0x1  }
0xec: {  	v6 =	vadd.s32 v4, v6;
	_ =	sdelay $0x1  }
0xed: {  	s22 =	simm.s32 $0x13480  }
0xee: {  	[tilespmem:s22], [sflag:$0x1] =	stream.indirect_vreg.gather [hbm4b:s2+s3], $0x80, v7, vm0, $0x2000b8;
	[tilespmem:$0x19480] =	vst v63  }
0xef: {  	s23 =	simm.s32 $0x13C80  }
0xf0: {  	[tilespmem:s23], [sflag:$0x1] =	stream.indirect_vreg.gather [hbm4b:s2+s3], $0x80, v6, vm0, $0x2000b8;
	[tilespmem:$0x19480] =	vst v63  }
0xf1: {  	v6 =	vld [tilespmem:$0x9130];
	_ =	sdelay $0x4  }
0xf2: {  	v7 =	vshll.u32 v6, $0x1  }
0xf3: {  	v6 =	vand.u32 $0x7, v6;
	v7 =	vand.u32 $0xFFFFFFF0, v7  }
0xf4: {  	v6 =	vor.u32 v6, v7  }
0xf5: {  	v7 =	vperm.xlane v6, v3;
	_ =	sdelay $0x1  }
0xf6: {  	v6 =	vperm.xlane v6, v5;
	v7 =	vadd.s32 v4, v7;
	_ =	sdelay $0x1  }
0xf7: {  	v6 =	vadd.s32 v4, v6;
	_ =	sdelay $0x1  }
0xf8: {  	s25 =	simm.s32 $0x14480  }
0xf9: {  	[tilespmem:s25], [sflag:$0x1] =	stream.indirect_vreg.gather [hbm4b:s2+s3], $0x80, v7, vm0, $0x2000b8;
	[tilespmem:$0x19480] =	vst v63  }
0xfa: {  	s28 =	simm.s32 $0x14C80  }
0xfb: {  	[tilespmem:s28], [sflag:$0x1] =	stream.indirect_vreg.gather [hbm4b:s2+s3], $0x80, v6, vm0, $0x2000b8;
	[tilespmem:$0x19480] =	vst v63  }
0xfc: {  	_ =	swait.ge [sflag:s4], $0x4000  }
0xfd: {  	[sflag:s4] =	ssyncset.done $0x0  }
0xfe: {  	s29 =	rddreg [dreg:$0x6];
	[sflag:s4] =	ssyncadd.s32 $0xFFFFC000  }
0xff: {  	[hbm4b:s29+s3] =	stream.linear.scatter [tilespmem:s20], [sflag:$0x2], $0x4000, $0x200038;
	[tilespmem:$0x19480] =	vst v63  }
0x100: {  	v6 =	vld [tilespmem:$0x9140];
	_ =	sdelay $0x4  }
0x101: {  	v7 =	vshll.u32 v6, $0x1  }
0x102: {  	v6 =	vand.u32 $0x7, v6;
	v7 =	vand.u32 $0xFFFFFFF0, v7  }
0x103: {  	v6 =	vor.u32 v6, v7  }
0x104: {  	v7 =	vperm.xlane v6, v3;
	_ =	sdelay $0x1  }
0x105: {  	v6 =	vperm.xlane v6, v5;
	v7 =	vadd.s32 v4, v7;
	_ =	sdelay $0x1  }
0x106: {  	v6 =	vadd.s32 v4, v6;
	_ =	sdelay $0x1  }
0x107: {  	s0 =	simm.s32 $0x15480  }
0x108: {  	[tilespmem:s0], [sflag:$0x1] =	stream.indirect_vreg.gather [hbm4b:s2+s3], $0x80, v7, vm0, $0x2000b8;
	[tilespmem:$0x19480] =	vst v63  }
0x109: {  	s30 =	simm.s32 $0x15C80  }
0x10a: {  	[tilespmem:s30], [sflag:$0x1] =	stream.indirect_vreg.gather [hbm4b:s2+s3], $0x80, v6, vm0, $0x2000b8;
	[tilespmem:$0x19480] =	vst v63  }
0x10b: {  	v6 =	vld [tilespmem:$0x9150];
	_ =	sdelay $0x4  }
0x10c: {  	v7 =	vshll.u32 v6, $0x1  }
0x10d: {  	v6 =	vand.u32 $0x7, v6;
	v7 =	vand.u32 $0xFFFFFFF0, v7  }
0x10e: {  	v6 =	vor.u32 v6, v7  }
0x10f: {  	v7 =	vperm.xlane v6, v3;
	_ =	sdelay $0x1  }
0x110: {  	v6 =	vperm.xlane v6, v5;
	v7 =	vadd.s32 v4, v7;
	_ =	sdelay $0x1  }
0x111: {  	v6 =	vadd.s32 v4, v6;
	_ =	sdelay $0x1  }
0x112: {  	s31 =	simm.s32 $0x16480  }
0x113: {  	[tilespmem:s31], [sflag:$0x1] =	stream.indirect_vreg.gather [hbm4b:s2+s3], $0x80, v7, vm0, $0x2000b8;
	[tilespmem:$0x19480] =	vst v63  }
0x114: {  	s15 =	simm.s32 $0x16C80  }
0x115: {  	[tilespmem:s15], [sflag:$0x1] =	stream.indirect_vreg.gather [hbm4b:s2+s3], $0x80, v6, vm0, $0x2000b8;
	[tilespmem:$0x19480] =	vst v63  }
0x116: {  	v6 =	vld [tilespmem:$0x9160];
	_ =	sdelay $0x4  }
0x117: {  	v7 =	vshll.u32 v6, $0x1  }
0x118: {  	v6 =	vand.u32 $0x7, v6;
	v7 =	vand.u32 $0xFFFFFFF0, v7  }
0x119: {  	v6 =	vor.u32 v6, v7  }
0x11a: {  	v7 =	vperm.xlane v6, v3;
	_ =	sdelay $0x1  }
0x11b: {  	v6 =	vperm.xlane v6, v5;
	v7 =	vadd.s32 v4, v7;
	_ =	sdelay $0x1  }
0x11c: {  	v6 =	vadd.s32 v4, v6;
	_ =	sdelay $0x1  }
0x11d: {  	s17 =	simm.s32 $0x17480  }
0x11e: {  	[tilespmem:s17], [sflag:$0x1] =	stream.indirect_vreg.gather [hbm4b:s2+s3], $0x80, v7, vm0, $0x2000b8;
	[tilespmem:$0x19480] =	vst v63  }
0x11f: {  	s18 =	simm.s32 $0x17C80  }
0x120: {  	[tilespmem:s18], [sflag:$0x1] =	stream.indirect_vreg.gather [hbm4b:s2+s3], $0x80, v6, vm0, $0x2000b8;
	[tilespmem:$0x19480] =	vst v63  }
0x121: {  	v6 =	vld [tilespmem:$0x9170];
	_ =	sdelay $0x4  }
0x122: {  	v7 =	vshll.u32 v6, $0x1  }
0x123: {  	v6 =	vand.u32 $0x7, v6;
	v7 =	vand.u32 $0xFFFFFFF0, v7  }
0x124: {  	v6 =	vor.u32 v6, v7  }
0x125: {  	v7 =	vperm.xlane v6, v3;
	_ =	sdelay $0x1  }
0x126: {  	v6 =	vperm.xlane v6, v5;
	v7 =	vadd.s32 v4, v7;
	_ =	sdelay $0x1  }
0x127: {  	v6 =	vadd.s32 v4, v6;
	_ =	sdelay $0x1  }
0x128: {  	s19 =	simm.s32 $0x18480  }
0x129: {  	[tilespmem:s19], [sflag:$0x1] =	stream.indirect_vreg.gather [hbm4b:s2+s3], $0x80, v7, vm0, $0x2000b8;
	[tilespmem:$0x19480] =	vst v63  }
0x12a: {  	s23 =	simm.s32 $0x18C80  }
0x12b: {  	[tilespmem:s23], [sflag:$0x1] =	stream.indirect_vreg.gather [hbm4b:s2+s3], $0x80, v6, vm0, $0x2000b8;
	[tilespmem:$0x19480] =	vst v63  }
0x12c: {  	_ =	swait.ge [sflag:s4], $0x4000  }
0x12d: {  	[sflag:s4] =	ssyncset.done $0x0  }
0x12e: {  	s29 =	rddreg [dreg:$0x7];
	[sflag:s4] =	ssyncadd.s32 $0xFFFFC000  }
0x12f: {  	[hbm4b:s29+s3] =	stream.linear.scatter [tilespmem:s21], [sflag:$0x2], $0x4000, $0x200038;
	[tilespmem:$0x19480] =	vst v63  }
0x130: {  	_ =	swait.ge [sflag:s7], $0x4000  }
0x131: {  	[sflag:s7] =	ssyncset.done $0x0  }
0x132: {  	[sflag:s7] =	ssyncadd.s32 $0xFFFFC000  }
0x133: {  	v6 =	vld [tilespmem:$0x9180];
	_ =	sdelay $0x4  }
0x134: {  	v7 =	vshll.u32 v6, $0x1  }
0x135: {  	v6 =	vand.u32 $0x7, v6;
	v7 =	vand.u32 $0xFFFFFFF0, v7  }
0x136: {  	v6 =	vor.u32 v6, v7  }
0x137: {  	v7 =	vperm.xlane v6, v3;
	_ =	sdelay $0x1  }
0x138: {  	v6 =	vperm.xlane v6, v5;
	v7 =	vadd.s32 v4, v7;
	_ =	sdelay $0x1  }
0x139: {  	v6 =	vadd.s32 v4, v6;
	_ =	sdelay $0x2  }
0x13a: {  	[tilespmem:s20], [sflag:$0x1] =	stream.indirect_vreg.gather [hbm4b:s2+s3], $0x80, v7, vm0, $0x2000b8;
	[tilespmem:$0x19480] =	vst v63  }
0x13b: {  	s15 =	simm.s32 $0x9C80  }
0x13c: {  	[tilespmem:s15], [sflag:$0x1] =	stream.indirect_vreg.gather [hbm4b:s2+s3], $0x80, v6, vm0, $0x2000b8;
	[tilespmem:$0x19480] =	vst v63  }
0x13d: {  	v6 =	vld [tilespmem:$0x9190];
	_ =	sdelay $0x4  }
0x13e: {  	v7 =	vshll.u32 v6, $0x1  }
0x13f: {  	v6 =	vand.u32 $0x7, v6;
	v7 =	vand.u32 $0xFFFFFFF0, v7  }
0x140: {  	v6 =	vor.u32 v6, v7  }
0x141: {  	v7 =	vperm.xlane v6, v3;
	_ =	sdelay $0x1  }
0x142: {  	v6 =	vperm.xlane v6, v5;
	v7 =	vadd.s32 v4, v7;
	_ =	sdelay $0x1  }
0x143: {  	v6 =	vadd.s32 v4, v6;
	_ =	sdelay $0x1  }
0x144: {  	s14 =	simm.s32 $0xA480  }
0x145: {  	[tilespmem:s14], [sflag:$0x1] =	stream.indirect_vreg.gather [hbm4b:s2+s3], $0x80, v7, vm0, $0x2000b8;
	[tilespmem:$0x19480] =	vst v63  }
0x146: {  	s16 =	simm.s32 $0xAC80  }
0x147: {  	[tilespmem:s16], [sflag:$0x1] =	stream.indirect_vreg.gather [hbm4b:s2+s3], $0x80, v6, vm0, $0x2000b8;
	[tilespmem:$0x19480] =	vst v63  }
0x148: {  	v6 =	vld [tilespmem:$0x91A0];
	_ =	sdelay $0x4  }
0x149: {  	v7 =	vshll.u32 v6, $0x1  }
0x14a: {  	v6 =	vand.u32 $0x7, v6;
	v7 =	vand.u32 $0xFFFFFFF0, v7  }
0x14b: {  	v6 =	vor.u32 v6, v7  }
0x14c: {  	v7 =	vperm.xlane v6, v3;
	_ =	sdelay $0x1  }
0x14d: {  	v6 =	vperm.xlane v6, v5;
	v7 =	vadd.s32 v4, v7;
	_ =	sdelay $0x1  }
0x14e: {  	v6 =	vadd.s32 v4, v6;
	_ =	sdelay $0x1  }
0x14f: {  	s16 =	simm.s32 $0xB480  }
0x150: {  	[tilespmem:s16], [sflag:$0x1] =	stream.indirect_vreg.gather [hbm4b:s2+s3], $0x80, v7, vm0, $0x2000b8;
	[tilespmem:$0x19480] =	vst v63  }
0x151: {  	s17 =	simm.s32 $0xBC80  }
0x152: {  	[tilespmem:s17], [sflag:$0x1] =	stream.indirect_vreg.gather [hbm4b:s2+s3], $0x80, v6, vm0, $0x2000b8;
	[tilespmem:$0x19480] =	vst v63  }
0x153: {  	v6 =	vld [tilespmem:$0x91B0];
	_ =	sdelay $0x4  }
0x154: {  	v7 =	vshll.u32 v6, $0x1  }
0x155: {  	v6 =	vand.u32 $0x7, v6;
	v7 =	vand.u32 $0xFFFFFFF0, v7  }
0x156: {  	v6 =	vor.u32 v6, v7  }
0x157: {  	v7 =	vperm.xlane v6, v3;
	_ =	sdelay $0x1  }
0x158: {  	v6 =	vperm.xlane v6, v5;
	v7 =	vadd.s32 v4, v7;
	_ =	sdelay $0x1  }
0x159: {  	v6 =	vadd.s32 v4, v6;
	_ =	sdelay $0x1  }
0x15a: {  	s18 =	simm.s32 $0xC480  }
0x15b: {  	[tilespmem:s18], [sflag:$0x1] =	stream.indirect_vreg.gather [hbm4b:s2+s3], $0x80, v7, vm0, $0x2000b8;
	[tilespmem:$0x19480] =	vst v63  }
0x15c: {  	s19 =	simm.s32 $0xCC80  }
0x15d: {  	[tilespmem:s19], [sflag:$0x1] =	stream.indirect_vreg.gather [hbm4b:s2+s3], $0x80, v6, vm0, $0x2000b8;
	[tilespmem:$0x19480] =	vst v63  }
0x15e: {  	_ =	swait.ge [sflag:s4], $0x4000  }
0x15f: {  	[sflag:s4] =	ssyncset.done $0x0  }
0x160: {  	s14 =	rddreg [dreg:$0x8];
	[sflag:s4] =	ssyncadd.s32 $0xFFFFC000  }
0x161: {  	[hbm4b:s14+s3] =	stream.linear.scatter [tilespmem:s24], [sflag:$0x2], $0x4000, $0x200038;
	[tilespmem:$0x19480] =	vst v63  }
0x162: {  	_ =	swait.ge [sflag:s7], $0x4000  }
0x163: {  	[sflag:s7] =	ssyncset.done $0x0  }
0x164: {  	[sflag:s7] =	ssyncadd.s32 $0xFFFFC000  }
0x165: {  	v6 =	vld [tilespmem:$0x91C0];
	_ =	sdelay $0x4  }
0x166: {  	v7 =	vshll.u32 v6, $0x1  }
0x167: {  	v6 =	vand.u32 $0x7, v6;
	v7 =	vand.u32 $0xFFFFFFF0, v7  }
0x168: {  	v6 =	vor.u32 v6, v7  }
0x169: {  	v7 =	vperm.xlane v6, v3;
	_ =	sdelay $0x1  }
0x16a: {  	v6 =	vperm.xlane v6, v5;
	v7 =	vadd.s32 v4, v7;
	_ =	sdelay $0x1  }
0x16b: {  	v6 =	vadd.s32 v4, v6;
	_ =	sdelay $0x2  }
0x16c: {  	[tilespmem:s21], [sflag:$0x1] =	stream.indirect_vreg.gather [hbm4b:s2+s3], $0x80, v7, vm0, $0x2000b8;
	[tilespmem:$0x19480] =	vst v63  }
0x16d: {  	s11 =	simm.s32 $0xDC80  }
0x16e: {  	[tilespmem:s11], [sflag:$0x1] =	stream.indirect_vreg.gather [hbm4b:s2+s3], $0x80, v6, vm0, $0x2000b8;
	[tilespmem:$0x19480] =	vst v63  }
0x16f: {  	v6 =	vld [tilespmem:$0x91D0];
	_ =	sdelay $0x4  }
0x170: {  	v7 =	vshll.u32 v6, $0x1  }
0x171: {  	v6 =	vand.u32 $0x7, v6;
	v7 =	vand.u32 $0xFFFFFFF0, v7  }
0x172: {  	v6 =	vor.u32 v6, v7  }
0x173: {  	v7 =	vperm.xlane v6, v3;
	_ =	sdelay $0x1  }
0x174: {  	v6 =	vperm.xlane v6, v5;
	v7 =	vadd.s32 v4, v7;
	_ =	sdelay $0x1  }
0x175: {  	v6 =	vadd.s32 v4, v6;
	_ =	sdelay $0x1  }
0x176: {  	s11 =	simm.s32 $0xE480  }
0x177: {  	[tilespmem:s11], [sflag:$0x1] =	stream.indirect_vreg.gather [hbm4b:s2+s3], $0x80, v7, vm0, $0x2000b8;
	[tilespmem:$0x19480] =	vst v63  }
0x178: {  	s12 =	simm.s32 $0xEC80  }
0x179: {  	[tilespmem:s12], [sflag:$0x1] =	stream.indirect_vreg.gather [hbm4b:s2+s3], $0x80, v6, vm0, $0x2000b8;
	[tilespmem:$0x19480] =	vst v63  }
0x17a: {  	v6 =	vld [tilespmem:$0x91E0];
	_ =	sdelay $0x4  }
0x17b: {  	v7 =	vshll.u32 v6, $0x1  }
0x17c: {  	v6 =	vand.u32 $0x7, v6;
	v7 =	vand.u32 $0xFFFFFFF0, v7  }
0x17d: {  	v6 =	vor.u32 v6, v7  }
0x17e: {  	v7 =	vperm.xlane v6, v3;
	_ =	sdelay $0x1  }
0x17f: {  	v6 =	vperm.xlane v6, v5;
	v7 =	vadd.s32 v4, v7;
	_ =	sdelay $0x1  }
0x180: {  	v6 =	vadd.s32 v4, v6;
	_ =	sdelay $0x1  }
0x181: {  	s12 =	simm.s32 $0xF480  }
0x182: {  	[tilespmem:s12], [sflag:$0x1] =	stream.indirect_vreg.gather [hbm4b:s2+s3], $0x80, v7, vm0, $0x2000b8;
	[tilespmem:$0x19480] =	vst v63  }
0x183: {  	s13 =	simm.s32 $0xFC80  }
0x184: {  	[tilespmem:s13], [sflag:$0x1] =	stream.indirect_vreg.gather [hbm4b:s2+s3], $0x80, v6, vm0, $0x2000b8;
	[tilespmem:$0x19480] =	vst v63  }
0x185: {  	v6 =	vld [tilespmem:$0x91F0];
	_ =	sdelay $0x4  }
0x186: {  	v7 =	vshll.u32 v6, $0x1  }
0x187: {  	v6 =	vand.u32 $0x7, v6;
	v7 =	vand.u32 $0xFFFFFFF0, v7  }
0x188: {  	v6 =	vor.u32 v6, v7  }
0x189: {  	v7 =	vperm.xlane v6, v3;
	_ =	sdelay $0x1  }
0x18a: {  	v6 =	vperm.xlane v6, v5;
	v7 =	vadd.s32 v4, v7;
	_ =	sdelay $0x1  }
0x18b: {  	v6 =	vadd.s32 v4, v6;
	_ =	sdelay $0x1  }
0x18c: {  	s13 =	simm.s32 $0x10480  }
0x18d: {  	[tilespmem:s13], [sflag:$0x1] =	stream.indirect_vreg.gather [hbm4b:s2+s3], $0x80, v7, vm0, $0x2000b8;
	[tilespmem:$0x19480] =	vst v63  }
0x18e: {  	s14 =	simm.s32 $0x10C80  }
0x18f: {  	[tilespmem:s14], [sflag:$0x1] =	stream.indirect_vreg.gather [hbm4b:s2+s3], $0x80, v6, vm0, $0x2000b8;
	[tilespmem:$0x19480] =	vst v63  }
0x190: {  	_ =	swait.ge [sflag:s4], $0x4000  }
0x191: {  	[sflag:s4] =	ssyncset.done $0x0  }
0x192: {  	s29 =	rddreg [dreg:$0x9];
	[sflag:s4] =	ssyncadd.s32 $0xFFFFC000  }
0x193: {  	[hbm4b:s29+s3] =	stream.linear.scatter [tilespmem:s0], [sflag:$0x2], $0x4000, $0x200038;
	[tilespmem:$0x19480] =	vst v63  }
0x194: {  	_ =	swait.ge [sflag:s7], $0x4000  }
0x195: {  	[sflag:s7] =	ssyncset.done $0x0  }
0x196: {  	[sflag:s7] =	ssyncadd.s32 $0xFFFFC000  }
0x197: {  	v6 =	vld [tilespmem:$0x9200];
	_ =	sdelay $0x4  }
0x198: {  	v7 =	vshll.u32 v6, $0x1  }
0x199: {  	v6 =	vand.u32 $0x7, v6;
	v7 =	vand.u32 $0xFFFFFFF0, v7  }
0x19a: {  	v6 =	vor.u32 v6, v7  }
0x19b: {  	v7 =	vperm.xlane v6, v3;
	_ =	sdelay $0x1  }
0x19c: {  	v6 =	vperm.xlane v6, v5;
	v7 =	vadd.s32 v4, v7;
	_ =	sdelay $0x1  }
0x19d: {  	v6 =	vadd.s32 v4, v6;
	_ =	sdelay $0x2  }
0x19e: {  	[tilespmem:s24], [sflag:$0x1] =	stream.indirect_vreg.gather [hbm4b:s2+s3], $0x80, v7, vm0, $0x2000b8;
	[tilespmem:$0x19480] =	vst v63  }
0x19f: {  	s1 =	simm.s32 $0x11C80  }
0x1a0: {  	[tilespmem:s1], [sflag:$0x1] =	stream.indirect_vreg.gather [hbm4b:s2+s3], $0x80, v6, vm0, $0x2000b8;
	[tilespmem:$0x19480] =	vst v63  }
0x1a1: {  	v6 =	vld [tilespmem:$0x9210];
	_ =	sdelay $0x4  }
0x1a2: {  	v7 =	vshll.u32 v6, $0x1  }
0x1a3: {  	v6 =	vand.u32 $0x7, v6;
	v7 =	vand.u32 $0xFFFFFFF0, v7  }
0x1a4: {  	v6 =	vor.u32 v6, v7  }
0x1a5: {  	v7 =	vperm.xlane v6, v3;
	_ =	sdelay $0x1  }
0x1a6: {  	v6 =	vperm.xlane v6, v5;
	v7 =	vadd.s32 v4, v7;
	_ =	sdelay $0x1  }
0x1a7: {  	v6 =	vadd.s32 v4, v6;
	_ =	sdelay $0x1  }
0x1a8: {  	s1 =	simm.s32 $0x12480  }
0x1a9: {  	[tilespmem:s1], [sflag:$0x1] =	stream.indirect_vreg.gather [hbm4b:s2+s3], $0x80, v7, vm0, $0x2000b8;
	[tilespmem:$0x19480] =	vst v63  }
0x1aa: {  	s5 =	simm.s32 $0x12C80  }
0x1ab: {  	[tilespmem:s5], [sflag:$0x1] =	stream.indirect_vreg.gather [hbm4b:s2+s3], $0x80, v6, vm0, $0x2000b8;
	[tilespmem:$0x19480] =	vst v63  }
0x1ac: {  	v6 =	vld [tilespmem:$0x9220];
	_ =	sdelay $0x4  }
0x1ad: {  	v7 =	vshll.u32 v6, $0x1  }
0x1ae: {  	v6 =	vand.u32 $0x7, v6;
	v7 =	vand.u32 $0xFFFFFFF0, v7  }
0x1af: {  	v6 =	vor.u32 v6, v7  }
0x1b0: {  	v7 =	vperm.xlane v6, v3;
	_ =	sdelay $0x1  }
0x1b1: {  	v6 =	vperm.xlane v6, v5;
	v7 =	vadd.s32 v4, v7;
	_ =	sdelay $0x1  }
0x1b2: {  	v6 =	vadd.s32 v4, v6;
	_ =	sdelay $0x1  }
0x1b3: {  	s5 =	simm.s32 $0x13480  }
0x1b4: {  	[tilespmem:s5], [sflag:$0x1] =	stream.indirect_vreg.gather [hbm4b:s2+s3], $0x80, v7, vm0, $0x2000b8;
	[tilespmem:$0x19480] =	vst v63  }
0x1b5: {  	s8 =	simm.s32 $0x13C80  }
0x1b6: {  	[tilespmem:s8], [sflag:$0x1] =	stream.indirect_vreg.gather [hbm4b:s2+s3], $0x80, v6, vm0, $0x2000b8;
	[tilespmem:$0x19480] =	vst v63  }
0x1b7: {  	v6 =	vld [tilespmem:$0x9230];
	_ =	sdelay $0x4  }
0x1b8: {  	v7 =	vshll.u32 v6, $0x1  }
0x1b9: {  	v6 =	vand.u32 $0x7, v6;
	v7 =	vand.u32 $0xFFFFFFF0, v7  }
0x1ba: {  	v6 =	vor.u32 v6, v7  }
0x1bb: {  	v7 =	vperm.xlane v6, v3;
	_ =	sdelay $0x1  }
0x1bc: {  	v6 =	vperm.xlane v6, v5;
	v7 =	vadd.s32 v4, v7;
	_ =	sdelay $0x1  }
0x1bd: {  	v6 =	vadd.s32 v4, v6;
	_ =	sdelay $0x1  }
0x1be: {  	s8 =	simm.s32 $0x14480  }
0x1bf: {  	[tilespmem:s8], [sflag:$0x1] =	stream.indirect_vreg.gather [hbm4b:s2+s3], $0x80, v7, vm0, $0x2000b8;
	[tilespmem:$0x19480] =	vst v63  }
0x1c0: {  	s22 =	simm.s32 $0x14C80  }
0x1c1: {  	[tilespmem:s22], [sflag:$0x1] =	stream.indirect_vreg.gather [hbm4b:s2+s3], $0x80, v6, vm0, $0x2000b8;
	[tilespmem:$0x19480] =	vst v63  }
0x1c2: {  	_ =	swait.ge [sflag:s4], $0x4000  }
0x1c3: {  	[sflag:s4] =	ssyncset.done $0x0  }
0x1c4: {  	s22 =	rddreg [dreg:$0xa];
	[sflag:s4] =	ssyncadd.s32 $0xFFFFC000  }
0x1c5: {  	[hbm4b:s22+s3] =	stream.linear.scatter [tilespmem:s20], [sflag:$0x2], $0x4000, $0x200038;
	[tilespmem:$0x19480] =	vst v63  }
0x1c6: {  	_ =	swait.ge [sflag:s7], $0x4000  }
0x1c7: {  	[sflag:s7] =	ssyncset.done $0x0  }
0x1c8: {  	[sflag:s7] =	ssyncadd.s32 $0xFFFFC000  }
0x1c9: {  	v6 =	vld [tilespmem:$0x9240];
	_ =	sdelay $0x4  }
0x1ca: {  	v7 =	vshll.u32 v6, $0x1  }
0x1cb: {  	v6 =	vand.u32 $0x7, v6;
	v7 =	vand.u32 $0xFFFFFFF0, v7  }
0x1cc: {  	v6 =	vor.u32 v6, v7  }
0x1cd: {  	v7 =	vperm.xlane v6, v3;
	_ =	sdelay $0x1  }
0x1ce: {  	v6 =	vperm.xlane v6, v5;
	v7 =	vadd.s32 v4, v7;
	_ =	sdelay $0x1  }
0x1cf: {  	v6 =	vadd.s32 v4, v6;
	_ =	sdelay $0x2  }
0x1d0: {  	[tilespmem:s0], [sflag:$0x1] =	stream.indirect_vreg.gather [hbm4b:s2+s3], $0x80, v7, vm0, $0x2000b8;
	[tilespmem:$0x19480] =	vst v63  }
0x1d1: {  	s28 =	simm.s32 $0x15C80  }
0x1d2: {  	[tilespmem:s28], [sflag:$0x1] =	stream.indirect_vreg.gather [hbm4b:s2+s3], $0x80, v6, vm0, $0x2000b8;
	[tilespmem:$0x19480] =	vst v63  }
0x1d3: {  	v6 =	vld [tilespmem:$0x9250];
	_ =	sdelay $0x4  }
0x1d4: {  	v7 =	vshll.u32 v6, $0x1  }
0x1d5: {  	v6 =	vand.u32 $0x7, v6;
	v7 =	vand.u32 $0xFFFFFFF0, v7  }
0x1d6: {  	v6 =	vor.u32 v6, v7  }
0x1d7: {  	v7 =	vperm.xlane v6, v3;
	_ =	sdelay $0x1  }
0x1d8: {  	v6 =	vperm.xlane v6, v5;
	v7 =	vadd.s32 v4, v7;
	_ =	sdelay $0x1  }
0x1d9: {  	v6 =	vadd.s32 v4, v6;
	_ =	sdelay $0x1  }
0x1da: {  	s25 =	simm.s32 $0x16480  }
0x1db: {  	[tilespmem:s25], [sflag:$0x1] =	stream.indirect_vreg.gather [hbm4b:s2+s3], $0x80, v7, vm0, $0x2000b8;
	[tilespmem:$0x19480] =	vst v63  }
0x1dc: {  	s30 =	simm.s32 $0x16C80  }
0x1dd: {  	[tilespmem:s30], [sflag:$0x1] =	stream.indirect_vreg.gather [hbm4b:s2+s3], $0x80, v6, vm0, $0x2000b8;
	[tilespmem:$0x19480] =	vst v63  }
0x1de: {  	v6 =	vld [tilespmem:$0x9260];
	_ =	sdelay $0x4  }
0x1df: {  	v7 =	vshll.u32 v6, $0x1  }
0x1e0: {  	v6 =	vand.u32 $0x7, v6;
	v7 =	vand.u32 $0xFFFFFFF0, v7  }
0x1e1: {  	v6 =	vor.u32 v6, v7  }
0x1e2: {  	v7 =	vperm.xlane v6, v3;
	_ =	sdelay $0x1  }
0x1e3: {  	v6 =	vperm.xlane v6, v5;
	v7 =	vadd.s32 v4, v7;
	_ =	sdelay $0x1  }
0x1e4: {  	v6 =	vadd.s32 v4, v6;
	_ =	sdelay $0x1  }
0x1e5: {  	s25 =	simm.s32 $0x17480  }
0x1e6: {  	[tilespmem:s25], [sflag:$0x1] =	stream.indirect_vreg.gather [hbm4b:s2+s3], $0x80, v7, vm0, $0x2000b8;
	[tilespmem:$0x19480] =	vst v63  }
0x1e7: {  	s31 =	simm.s32 $0x17C80  }
0x1e8: {  	[tilespmem:s31], [sflag:$0x1] =	stream.indirect_vreg.gather [hbm4b:s2+s3], $0x80, v6, vm0, $0x2000b8;
	[tilespmem:$0x19480] =	vst v63  }
0x1e9: {  	v6 =	vld [tilespmem:$0x9270];
	_ =	sdelay $0x4  }
0x1ea: {  	v7 =	vshll.u32 v6, $0x1  }
0x1eb: {  	v6 =	vand.u32 $0x7, v6;
	v7 =	vand.u32 $0xFFFFFFF0, v7  }
0x1ec: {  	v6 =	vor.u32 v6, v7  }
0x1ed: {  	v7 =	vperm.xlane v6, v3;
	_ =	sdelay $0x1  }
0x1ee: {  	v6 =	vperm.xlane v6, v5;
	v7 =	vadd.s32 v4, v7;
	_ =	sdelay $0x1  }
0x1ef: {  	v6 =	vadd.s32 v4, v6;
	_ =	sdelay $0x1  }
0x1f0: {  	s30 =	simm.s32 $0x18480  }
0x1f1: {  	[tilespmem:s30], [sflag:$0x1] =	stream.indirect_vreg.gather [hbm4b:s2+s3], $0x80, v7, vm0, $0x2000b8;
	[tilespmem:$0x19480] =	vst v63  }
0x1f2: {  	s23 =	simm.s32 $0x18C80  }
0x1f3: {  	[tilespmem:s23], [sflag:$0x1] =	stream.indirect_vreg.gather [hbm4b:s2+s3], $0x80, v6, vm0, $0x2000b8;
	[tilespmem:$0x19480] =	vst v63  }
0x1f4: {  	_ =	swait.ge [sflag:s4], $0x4000  }
0x1f5: {  	[sflag:s4] =	ssyncset.done $0x0  }
0x1f6: {  	s23 =	rddreg [dreg:$0xb];
	[sflag:s4] =	ssyncadd.s32 $0xFFFFC000  }
0x1f7: {  	[hbm4b:s23+s3] =	stream.linear.scatter [tilespmem:s21], [sflag:$0x2], $0x4000, $0x200038;
	[tilespmem:$0x19480] =	vst v63  }
0x1f8: {  	_ =	swait.ge [sflag:s7], $0x4000  }
0x1f9: {  	[sflag:s7] =	ssyncset.done $0x0  }
0x1fa: {  	[sflag:s7] =	ssyncadd.s32 $0xFFFFC000  }
0x1fb: {  	v6 =	vld [tilespmem:$0x9280];
	_ =	sdelay $0x4  }
0x1fc: {  	v7 =	vshll.u32 v6, $0x1  }
0x1fd: {  	v6 =	vand.u32 $0x7, v6;
	v7 =	vand.u32 $0xFFFFFFF0, v7  }
0x1fe: {  	v6 =	vor.u32 v6, v7  }
0x1ff: {  	v7 =	vperm.xlane v6, v3;
	_ =	sdelay $0x1  }
0x200: {  	v6 =	vperm.xlane v6, v5;
	v7 =	vadd.s32 v4, v7;
	_ =	sdelay $0x1  }
0x201: {  	v6 =	vadd.s32 v4, v6;
	_ =	sdelay $0x2  }
0x202: {  	[tilespmem:s20], [sflag:$0x1] =	stream.indirect_vreg.gather [hbm4b:s2+s3], $0x80, v7, vm0, $0x2000b8;
	[tilespmem:$0x19480] =	vst v63  }
0x203: {  	_ = 	snop  }
0x204: {  	[tilespmem:s15], [sflag:$0x1] =	stream.indirect_vreg.gather [hbm4b:s2+s3], $0x80, v6, vm0, $0x2000b8;
	[tilespmem:$0x19480] =	vst v63  }
0x205: {  	v6 =	vld [tilespmem:$0x9290];
	_ =	sdelay $0x4  }
0x206: {  	v7 =	vshll.u32 v6, $0x1  }
0x207: {  	v6 =	vand.u32 $0x7, v6;
	v7 =	vand.u32 $0xFFFFFFF0, v7  }
0x208: {  	v6 =	vor.u32 v6, v7  }
0x209: {  	v7 =	vperm.xlane v6, v3;
	_ =	sdelay $0x1  }
0x20a: {  	v6 =	vperm.xlane v6, v5;
	v7 =	vadd.s32 v4, v7;
	_ =	sdelay $0x1  }
0x20b: {  	v6 =	vadd.s32 v4, v6;
	_ =	sdelay $0x1  }
0x20c: {  	s23 =	simm.s32 $0xA480  }
0x20d: {  	[tilespmem:s23], [sflag:$0x1] =	stream.indirect_vreg.gather [hbm4b:s2+s3], $0x80, v7, vm0, $0x2000b8;
	[tilespmem:$0x19480] =	vst v63  }
0x20e: {  	s23 =	simm.s32 $0xAC80  }
0x20f: {  	[tilespmem:s23], [sflag:$0x1] =	stream.indirect_vreg.gather [hbm4b:s2+s3], $0x80, v6, vm0, $0x2000b8;
	[tilespmem:$0x19480] =	vst v63  }
0x210: {  	v6 =	vld [tilespmem:$0x92A0];
	_ =	sdelay $0x4  }
0x211: {  	v7 =	vshll.u32 v6, $0x1  }
0x212: {  	v6 =	vand.u32 $0x7, v6;
	v7 =	vand.u32 $0xFFFFFFF0, v7  }
0x213: {  	v6 =	vor.u32 v6, v7  }
0x214: {  	v7 =	vperm.xlane v6, v3;
	_ =	sdelay $0x1  }
0x215: {  	v6 =	vperm.xlane v6, v5;
	v7 =	vadd.s32 v4, v7;
	_ =	sdelay $0x1  }
0x216: {  	v6 =	vadd.s32 v4, v6;
	_ =	sdelay $0x2  }
0x217: {  	[tilespmem:s16], [sflag:$0x1] =	stream.indirect_vreg.gather [hbm4b:s2+s3], $0x80, v7, vm0, $0x2000b8;
	[tilespmem:$0x19480] =	vst v63  }
0x218: {  	_ = 	snop  }
0x219: {  	[tilespmem:s17], [sflag:$0x1] =	stream.indirect_vreg.gather [hbm4b:s2+s3], $0x80, v6, vm0, $0x2000b8;
	[tilespmem:$0x19480] =	vst v63  }
0x21a: {  	v6 =	vld [tilespmem:$0x92B0];
	_ =	sdelay $0x4  }
0x21b: {  	v7 =	vshll.u32 v6, $0x1  }
0x21c: {  	v6 =	vand.u32 $0x7, v6;
	v7 =	vand.u32 $0xFFFFFFF0, v7  }
0x21d: {  	v6 =	vor.u32 v6, v7  }
0x21e: {  	v7 =	vperm.xlane v6, v3;
	_ =	sdelay $0x1  }
0x21f: {  	v6 =	vperm.xlane v6, v5;
	v7 =	vadd.s32 v4, v7;
	_ =	sdelay $0x1  }
0x220: {  	v6 =	vadd.s32 v4, v6;
	_ =	sdelay $0x2  }
0x221: {  	[tilespmem:s18], [sflag:$0x1] =	stream.indirect_vreg.gather [hbm4b:s2+s3], $0x80, v7, vm0, $0x2000b8;
	[tilespmem:$0x19480] =	vst v63  }
0x222: {  	_ = 	snop  }
0x223: {  	[tilespmem:s19], [sflag:$0x1] =	stream.indirect_vreg.gather [hbm4b:s2+s3], $0x80, v6, vm0, $0x2000b8;
	[tilespmem:$0x19480] =	vst v63  }
0x224: {  	_ =	swait.ge [sflag:s4], $0x4000  }
0x225: {  	[sflag:s4] =	ssyncset.done $0x0  }
0x226: {  	s23 =	rddreg [dreg:$0xc];
	[sflag:s4] =	ssyncadd.s32 $0xFFFFC000  }
0x227: {  	[hbm4b:s23+s3] =	stream.linear.scatter [tilespmem:s24], [sflag:$0x2], $0x4000, $0x200038;
	[tilespmem:$0x19480] =	vst v63  }
0x228: {  	_ =	swait.ge [sflag:s7], $0x4000  }
0x229: {  	[sflag:s7] =	ssyncset.done $0x0  }
0x22a: {  	[sflag:s7] =	ssyncadd.s32 $0xFFFFC000  }
0x22b: {  	v6 =	vld [tilespmem:$0x92C0];
	_ =	sdelay $0x4  }
0x22c: {  	v7 =	vshll.u32 v6, $0x1  }
0x22d: {  	v6 =	vand.u32 $0x7, v6;
	v7 =	vand.u32 $0xFFFFFFF0, v7  }
0x22e: {  	v6 =	vor.u32 v6, v7  }
0x22f: {  	v7 =	vperm.xlane v6, v3;
	_ =	sdelay $0x1  }
0x230: {  	v6 =	vperm.xlane v6, v5;
	v7 =	vadd.s32 v4, v7;
	_ =	sdelay $0x1  }
0x231: {  	v6 =	vadd.s32 v4, v6;
	_ =	sdelay $0x2  }
0x232: {  	[tilespmem:s21], [sflag:$0x1] =	stream.indirect_vreg.gather [hbm4b:s2+s3], $0x80, v7, vm0, $0x2000b8;
	[tilespmem:$0x19480] =	vst v63  }
0x233: {  	s23 =	simm.s32 $0xDC80  }
0x234: {  	[tilespmem:s23], [sflag:$0x1] =	stream.indirect_vreg.gather [hbm4b:s2+s3], $0x80, v6, vm0, $0x2000b8;
	[tilespmem:$0x19480] =	vst v63  }
0x235: {  	v6 =	vld [tilespmem:$0x92D0];
	_ =	sdelay $0x4  }
0x236: {  	v7 =	vshll.u32 v6, $0x1  }
0x237: {  	v6 =	vand.u32 $0x7, v6;
	v7 =	vand.u32 $0xFFFFFFF0, v7  }
0x238: {  	v6 =	vor.u32 v6, v7  }
0x239: {  	v7 =	vperm.xlane v6, v3;
	_ =	sdelay $0x1  }
0x23a: {  	v6 =	vperm.xlane v6, v5;
	v7 =	vadd.s32 v4, v7;
	_ =	sdelay $0x1  }
0x23b: {  	v6 =	vadd.s32 v4, v6;
	_ =	sdelay $0x2  }
0x23c: {  	[tilespmem:s11], [sflag:$0x1] =	stream.indirect_vreg.gather [hbm4b:s2+s3], $0x80, v7, vm0, $0x2000b8;
	[tilespmem:$0x19480] =	vst v63  }
0x23d: {  	s23 =	simm.s32 $0xEC80  }
0x23e: {  	[tilespmem:s23], [sflag:$0x1] =	stream.indirect_vreg.gather [hbm4b:s2+s3], $0x80, v6, vm0, $0x2000b8;
	[tilespmem:$0x19480] =	vst v63  }
0x23f: {  	v6 =	vld [tilespmem:$0x92E0];
	_ =	sdelay $0x4  }
0x240: {  	v7 =	vshll.u32 v6, $0x1  }
0x241: {  	v6 =	vand.u32 $0x7, v6;
	v7 =	vand.u32 $0xFFFFFFF0, v7  }
0x242: {  	v6 =	vor.u32 v6, v7  }
0x243: {  	v7 =	vperm.xlane v6, v3;
	_ =	sdelay $0x1  }
0x244: {  	v6 =	vperm.xlane v6, v5;
	v7 =	vadd.s32 v4, v7;
	_ =	sdelay $0x1  }
0x245: {  	v6 =	vadd.s32 v4, v6;
	_ =	sdelay $0x2  }
0x246: {  	[tilespmem:s12], [sflag:$0x1] =	stream.indirect_vreg.gather [hbm4b:s2+s3], $0x80, v7, vm0, $0x2000b8;
	[tilespmem:$0x19480] =	vst v63  }
0x247: {  	s23 =	simm.s32 $0xFC80  }
0x248: {  	[tilespmem:s23], [sflag:$0x1] =	stream.indirect_vreg.gather [hbm4b:s2+s3], $0x80, v6, vm0, $0x2000b8;
	[tilespmem:$0x19480] =	vst v63  }
0x249: {  	v6 =	vld [tilespmem:$0x92F0];
	_ =	sdelay $0x4  }
0x24a: {  	v7 =	vshll.u32 v6, $0x1  }
0x24b: {  	v6 =	vand.u32 $0x7, v6;
	v7 =	vand.u32 $0xFFFFFFF0, v7  }
0x24c: {  	v6 =	vor.u32 v6, v7  }
0x24d: {  	v7 =	vperm.xlane v6, v3;
	_ =	sdelay $0x1  }
0x24e: {  	v6 =	vperm.xlane v6, v5;
	v7 =	vadd.s32 v4, v7;
	_ =	sdelay $0x1  }
0x24f: {  	v6 =	vadd.s32 v4, v6;
	_ =	sdelay $0x2  }
0x250: {  	[tilespmem:s13], [sflag:$0x1] =	stream.indirect_vreg.gather [hbm4b:s2+s3], $0x80, v7, vm0, $0x2000b8;
	[tilespmem:$0x19480] =	vst v63  }
0x251: {  	_ = 	snop  }
0x252: {  	[tilespmem:s14], [sflag:$0x1] =	stream.indirect_vreg.gather [hbm4b:s2+s3], $0x80, v6, vm0, $0x2000b8;
	[tilespmem:$0x19480] =	vst v63  }
0x253: {  	_ =	swait.ge [sflag:s4], $0x4000  }
0x254: {  	[sflag:s4] =	ssyncset.done $0x0  }
0x255: {  	s23 =	rddreg [dreg:$0xd];
	[sflag:s4] =	ssyncadd.s32 $0xFFFFC000  }
0x256: {  	[hbm4b:s23+s3] =	stream.linear.scatter [tilespmem:s0], [sflag:$0x2], $0x4000, $0x200038;
	[tilespmem:$0x19480] =	vst v63  }
0x257: {  	_ =	swait.ge [sflag:s7], $0x4000  }
0x258: {  	[sflag:s7] =	ssyncset.done $0x0  }
0x259: {  	[sflag:s7] =	ssyncadd.s32 $0xFFFFC000  }
0x25a: {  	v6 =	vld [tilespmem:$0x9300];
	_ =	sdelay $0x4  }
0x25b: {  	v7 =	vshll.u32 v6, $0x1  }
0x25c: {  	v6 =	vand.u32 $0x7, v6;
	v7 =	vand.u32 $0xFFFFFFF0, v7  }
0x25d: {  	v6 =	vor.u32 v6, v7  }
0x25e: {  	v7 =	vperm.xlane v6, v3;
	_ =	sdelay $0x1  }
0x25f: {  	v6 =	vperm.xlane v6, v5;
	v7 =	vadd.s32 v4, v7;
	_ =	sdelay $0x1  }
0x260: {  	v6 =	vadd.s32 v4, v6;
	_ =	sdelay $0x2  }
0x261: {  	[tilespmem:s24], [sflag:$0x1] =	stream.indirect_vreg.gather [hbm4b:s2+s3], $0x80, v7, vm0, $0x2000b8;
	[tilespmem:$0x19480] =	vst v63  }
0x262: {  	s23 =	simm.s32 $0x11C80  }
0x263: {  	[tilespmem:s23], [sflag:$0x1] =	stream.indirect_vreg.gather [hbm4b:s2+s3], $0x80, v6, vm0, $0x2000b8;
	[tilespmem:$0x19480] =	vst v63  }
0x264: {  	v6 =	vld [tilespmem:$0x9310];
	_ =	sdelay $0x4  }
0x265: {  	v7 =	vshll.u32 v6, $0x1  }
0x266: {  	v6 =	vand.u32 $0x7, v6;
	v7 =	vand.u32 $0xFFFFFFF0, v7  }
0x267: {  	v6 =	vor.u32 v6, v7  }
0x268: {  	v7 =	vperm.xlane v6, v3;
	_ =	sdelay $0x1  }
0x269: {  	v6 =	vperm.xlane v6, v5;
	v7 =	vadd.s32 v4, v7;
	_ =	sdelay $0x1  }
0x26a: {  	v6 =	vadd.s32 v4, v6;
	_ =	sdelay $0x2  }
0x26b: {  	[tilespmem:s1], [sflag:$0x1] =	stream.indirect_vreg.gather [hbm4b:s2+s3], $0x80, v7, vm0, $0x2000b8;
	[tilespmem:$0x19480] =	vst v63  }
0x26c: {  	s23 =	simm.s32 $0x12C80  }
0x26d: {  	[tilespmem:s23], [sflag:$0x1] =	stream.indirect_vreg.gather [hbm4b:s2+s3], $0x80, v6, vm0, $0x2000b8;
	[tilespmem:$0x19480] =	vst v63  }
0x26e: {  	v6 =	vld [tilespmem:$0x9320];
	_ =	sdelay $0x4  }
0x26f: {  	v7 =	vshll.u32 v6, $0x1  }
0x270: {  	v6 =	vand.u32 $0x7, v6;
	v7 =	vand.u32 $0xFFFFFFF0, v7  }
0x271: {  	v6 =	vor.u32 v6, v7  }
0x272: {  	v7 =	vperm.xlane v6, v3;
	_ =	sdelay $0x1  }
0x273: {  	v6 =	vperm.xlane v6, v5;
	v7 =	vadd.s32 v4, v7;
	_ =	sdelay $0x1  }
0x274: {  	v6 =	vadd.s32 v4, v6;
	_ =	sdelay $0x2  }
0x275: {  	[tilespmem:s5], [sflag:$0x1] =	stream.indirect_vreg.gather [hbm4b:s2+s3], $0x80, v7, vm0, $0x2000b8;
	[tilespmem:$0x19480] =	vst v63  }
0x276: {  	s23 =	simm.s32 $0x13C80  }
0x277: {  	[tilespmem:s23], [sflag:$0x1] =	stream.indirect_vreg.gather [hbm4b:s2+s3], $0x80, v6, vm0, $0x2000b8;
	[tilespmem:$0x19480] =	vst v63  }
0x278: {  	v6 =	vld [tilespmem:$0x9330];
	_ =	sdelay $0x4  }
0x279: {  	v7 =	vshll.u32 v6, $0x1  }
0x27a: {  	v6 =	vand.u32 $0x7, v6;
	v7 =	vand.u32 $0xFFFFFFF0, v7  }
0x27b: {  	v6 =	vor.u32 v6, v7  }
0x27c: {  	v7 =	vperm.xlane v6, v3;
	_ =	sdelay $0x1  }
0x27d: {  	v6 =	vperm.xlane v6, v5;
	v7 =	vadd.s32 v4, v7;
	_ =	sdelay $0x1  }
0x27e: {  	v6 =	vadd.s32 v4, v6;
	_ =	sdelay $0x2  }
0x27f: {  	[tilespmem:s8], [sflag:$0x1] =	stream.indirect_vreg.gather [hbm4b:s2+s3], $0x80, v7, vm0, $0x2000b8;
	[tilespmem:$0x19480] =	vst v63  }
0x280: {  	s23 =	simm.s32 $0x14C80  }
0x281: {  	[tilespmem:s23], [sflag:$0x1] =	stream.indirect_vreg.gather [hbm4b:s2+s3], $0x80, v6, vm0, $0x2000b8;
	[tilespmem:$0x19480] =	vst v63  }
0x282: {  	_ =	swait.ge [sflag:s4], $0x4000  }
0x283: {  	[sflag:s4] =	ssyncset.done $0x0  }
0x284: {  	s23 =	rddreg [dreg:$0xe];
	[sflag:s4] =	ssyncadd.s32 $0xFFFFC000  }
0x285: {  	[hbm4b:s23+s3] =	stream.linear.scatter [tilespmem:s20], [sflag:$0x2], $0x4000, $0x200038;
	[tilespmem:$0x19480] =	vst v63  }
0x286: {  	_ =	swait.ge [sflag:s7], $0x4000  }
0x287: {  	[sflag:s7] =	ssyncset.done $0x0  }
0x288: {  	[sflag:s7] =	ssyncadd.s32 $0xFFFFC000  }
0x289: {  	v6 =	vld [tilespmem:$0x9340];
	_ =	sdelay $0x4  }
0x28a: {  	v7 =	vshll.u32 v6, $0x1  }
0x28b: {  	v6 =	vand.u32 $0x7, v6;
	v7 =	vand.u32 $0xFFFFFFF0, v7  }
0x28c: {  	v6 =	vor.u32 v6, v7  }
0x28d: {  	v7 =	vperm.xlane v6, v3;
	_ =	sdelay $0x1  }
0x28e: {  	v6 =	vperm.xlane v6, v5;
	v7 =	vadd.s32 v4, v7;
	_ =	sdelay $0x1  }
0x28f: {  	v6 =	vadd.s32 v4, v6;
	_ =	sdelay $0x2  }
0x290: {  	[tilespmem:s0], [sflag:$0x1] =	stream.indirect_vreg.gather [hbm4b:s2+s3], $0x80, v7, vm0, $0x2000b8;
	[tilespmem:$0x19480] =	vst v63  }
0x291: {  	s28 =	simm.s32 $0x15C80  }
0x292: {  	[tilespmem:s28], [sflag:$0x1] =	stream.indirect_vreg.gather [hbm4b:s2+s3], $0x80, v6, vm0, $0x2000b8;
	[tilespmem:$0x19480] =	vst v63  }
0x293: {  	v6 =	vld [tilespmem:$0x9350];
	_ =	sdelay $0x4  }
0x294: {  	v7 =	vshll.u32 v6, $0x1  }
0x295: {  	v6 =	vand.u32 $0x7, v6;
	v7 =	vand.u32 $0xFFFFFFF0, v7  }
0x296: {  	v6 =	vor.u32 v6, v7  }
0x297: {  	v7 =	vperm.xlane v6, v3;
	_ =	sdelay $0x1  }
0x298: {  	v6 =	vperm.xlane v6, v5;
	v7 =	vadd.s32 v4, v7;
	_ =	sdelay $0x1  }
0x299: {  	v6 =	vadd.s32 v4, v6;
	_ =	sdelay $0x1  }
0x29a: {  	s22 =	simm.s32 $0x16480  }
0x29b: {  	[tilespmem:s22], [sflag:$0x1] =	stream.indirect_vreg.gather [hbm4b:s2+s3], $0x80, v7, vm0, $0x2000b8;
	[tilespmem:$0x19480] =	vst v63  }
0x29c: {  	s29 =	simm.s32 $0x16C80  }
0x29d: {  	[tilespmem:s29], [sflag:$0x1] =	stream.indirect_vreg.gather [hbm4b:s2+s3], $0x80, v6, vm0, $0x2000b8;
	[tilespmem:$0x19480] =	vst v63  }
0x29e: {  	v6 =	vld [tilespmem:$0x9360];
	_ =	sdelay $0x4  }
0x29f: {  	v7 =	vshll.u32 v6, $0x1  }
0x2a0: {  	v6 =	vand.u32 $0x7, v6;
	v7 =	vand.u32 $0xFFFFFFF0, v7  }
0x2a1: {  	v6 =	vor.u32 v6, v7  }
0x2a2: {  	v7 =	vperm.xlane v6, v3;
	_ =	sdelay $0x1  }
0x2a3: {  	v6 =	vperm.xlane v6, v5;
	v7 =	vadd.s32 v4, v7;
	_ =	sdelay $0x1  }
0x2a4: {  	v6 =	vadd.s32 v4, v6;
	_ =	sdelay $0x1  }
0x2a5: {  	s25 =	simm.s32 $0x17480  }
0x2a6: {  	[tilespmem:s25], [sflag:$0x1] =	stream.indirect_vreg.gather [hbm4b:s2+s3], $0x80, v7, vm0, $0x2000b8;
	[tilespmem:$0x19480] =	vst v63  }
0x2a7: {  	s31 =	simm.s32 $0x17C80  }
0x2a8: {  	[tilespmem:s31], [sflag:$0x1] =	stream.indirect_vreg.gather [hbm4b:s2+s3], $0x80, v6, vm0, $0x2000b8;
	[tilespmem:$0x19480] =	vst v63  }
0x2a9: {  	v6 =	vld [tilespmem:$0x9370];
	_ =	sdelay $0x4  }
0x2aa: {  	v7 =	vshll.u32 v6, $0x1  }
0x2ab: {  	v6 =	vand.u32 $0x7, v6;
	v7 =	vand.u32 $0xFFFFFFF0, v7  }
0x2ac: {  	v6 =	vor.u32 v6, v7  }
0x2ad: {  	v7 =	vperm.xlane v6, v3;
	_ =	sdelay $0x1  }
0x2ae: {  	v6 =	vperm.xlane v6, v5;
	v7 =	vadd.s32 v4, v7;
	_ =	sdelay $0x1  }
0x2af: {  	v6 =	vadd.s32 v4, v6;
	_ =	sdelay $0x1  }
0x2b0: {  	s25 =	simm.s32 $0x18480  }
0x2b1: {  	[tilespmem:s25], [sflag:$0x1] =	stream.indirect_vreg.gather [hbm4b:s2+s3], $0x80, v7, vm0, $0x2000b8;
	[tilespmem:$0x19480] =	vst v63  }
0x2b2: {  	s30 =	simm.s32 $0x18C80  }
0x2b3: {  	[tilespmem:s30], [sflag:$0x1] =	stream.indirect_vreg.gather [hbm4b:s2+s3], $0x80, v6, vm0, $0x2000b8;
	[tilespmem:$0x19480] =	vst v63  }
0x2b4: {  	_ =	swait.ge [sflag:s4], $0x4000  }
0x2b5: {  	[sflag:s4] =	ssyncset.done $0x0  }
0x2b6: {  	s30 =	rddreg [dreg:$0xf];
	[sflag:s4] =	ssyncadd.s32 $0xFFFFC000  }
0x2b7: {  	[hbm4b:s30+s3] =	stream.linear.scatter [tilespmem:s21], [sflag:$0x2], $0x4000, $0x200038;
	[tilespmem:$0x19480] =	vst v63  }
0x2b8: {  	_ =	swait.ge [sflag:s7], $0x4000  }
0x2b9: {  	[sflag:s7] =	ssyncset.done $0x0  }
0x2ba: {  	[sflag:s7] =	ssyncadd.s32 $0xFFFFC000  }
0x2bb: {  	v6 =	vld [tilespmem:$0x9380];
	_ =	sdelay $0x4  }
0x2bc: {  	v7 =	vshll.u32 v6, $0x1  }
0x2bd: {  	v6 =	vand.u32 $0x7, v6;
	v7 =	vand.u32 $0xFFFFFFF0, v7  }
0x2be: {  	v6 =	vor.u32 v6, v7  }
0x2bf: {  	v7 =	vperm.xlane v6, v3;
	_ =	sdelay $0x1  }
0x2c0: {  	v6 =	vperm.xlane v6, v5;
	v7 =	vadd.s32 v4, v7;
	_ =	sdelay $0x1  }
0x2c1: {  	v6 =	vadd.s32 v4, v6;
	_ =	sdelay $0x2  }
0x2c2: {  	[tilespmem:s20], [sflag:$0x1] =	stream.indirect_vreg.gather [hbm4b:s2+s3], $0x80, v7, vm0, $0x2000b8;
	[tilespmem:$0x19480] =	vst v63  }
0x2c3: {  	s15 =	simm.s32 $0x9C80  }
0x2c4: {  	[tilespmem:s15], [sflag:$0x1] =	stream.indirect_vreg.gather [hbm4b:s2+s3], $0x80, v6, vm0, $0x2000b8;
	[tilespmem:$0x19480] =	vst v63  }
0x2c5: {  	v6 =	vld [tilespmem:$0x9390];
	_ =	sdelay $0x4  }
0x2c6: {  	v7 =	vshll.u32 v6, $0x1  }
0x2c7: {  	v6 =	vand.u32 $0x7, v6;
	v7 =	vand.u32 $0xFFFFFFF0, v7  }
0x2c8: {  	v6 =	vor.u32 v6, v7  }
0x2c9: {  	v7 =	vperm.xlane v6, v3;
	_ =	sdelay $0x1  }
0x2ca: {  	v6 =	vperm.xlane v6, v5;
	v7 =	vadd.s32 v4, v7;
	_ =	sdelay $0x1  }
0x2cb: {  	v6 =	vadd.s32 v4, v6;
	_ =	sdelay $0x1  }
0x2cc: {  	s30 =	simm.s32 $0xA480  }
0x2cd: {  	[tilespmem:s30], [sflag:$0x1] =	stream.indirect_vreg.gather [hbm4b:s2+s3], $0x80, v7, vm0, $0x2000b8;
	[tilespmem:$0x19480] =	vst v63  }
0x2ce: {  	s15 =	simm.s32 $0xAC80  }
0x2cf: {  	[tilespmem:s15], [sflag:$0x1] =	stream.indirect_vreg.gather [hbm4b:s2+s3], $0x80, v6, vm0, $0x2000b8;
	[tilespmem:$0x19480] =	vst v63  }
0x2d0: {  	v6 =	vld [tilespmem:$0x93A0];
	_ =	sdelay $0x4  }
0x2d1: {  	v7 =	vshll.u32 v6, $0x1  }
0x2d2: {  	v6 =	vand.u32 $0x7, v6;
	v7 =	vand.u32 $0xFFFFFFF0, v7  }
0x2d3: {  	v6 =	vor.u32 v6, v7  }
0x2d4: {  	v7 =	vperm.xlane v6, v3;
	_ =	sdelay $0x1  }
0x2d5: {  	v6 =	vperm.xlane v6, v5;
	v7 =	vadd.s32 v4, v7;
	_ =	sdelay $0x1  }
0x2d6: {  	v6 =	vadd.s32 v4, v6;
	_ =	sdelay $0x1  }
0x2d7: {  	s16 =	simm.s32 $0xB480  }
0x2d8: {  	[tilespmem:s16], [sflag:$0x1] =	stream.indirect_vreg.gather [hbm4b:s2+s3], $0x80, v7, vm0, $0x2000b8;
	[tilespmem:$0x19480] =	vst v63  }
0x2d9: {  	s17 =	simm.s32 $0xBC80  }
0x2da: {  	[tilespmem:s17], [sflag:$0x1] =	stream.indirect_vreg.gather [hbm4b:s2+s3], $0x80, v6, vm0, $0x2000b8;
	[tilespmem:$0x19480] =	vst v63  }
0x2db: {  	v6 =	vld [tilespmem:$0x93B0];
	_ =	sdelay $0x4  }
0x2dc: {  	v7 =	vshll.u32 v6, $0x1  }
0x2dd: {  	v6 =	vand.u32 $0x7, v6;
	v7 =	vand.u32 $0xFFFFFFF0, v7  }
0x2de: {  	v6 =	vor.u32 v6, v7  }
0x2df: {  	v7 =	vperm.xlane v6, v3;
	_ =	sdelay $0x1  }
0x2e0: {  	v6 =	vperm.xlane v6, v5;
	v7 =	vadd.s32 v4, v7;
	_ =	sdelay $0x1  }
0x2e1: {  	v6 =	vadd.s32 v4, v6;
	_ =	sdelay $0x1  }
0x2e2: {  	s18 =	simm.s32 $0xC480  }
0x2e3: {  	[tilespmem:s18], [sflag:$0x1] =	stream.indirect_vreg.gather [hbm4b:s2+s3], $0x80, v7, vm0, $0x2000b8;
	[tilespmem:$0x19480] =	vst v63  }
0x2e4: {  	s19 =	simm.s32 $0xCC80  }
0x2e5: {  	[tilespmem:s19], [sflag:$0x1] =	stream.indirect_vreg.gather [hbm4b:s2+s3], $0x80, v6, vm0, $0x2000b8;
	[tilespmem:$0x19480] =	vst v63  }
0x2e6: {  	_ =	swait.ge [sflag:s4], $0x4000  }
0x2e7: {  	[sflag:s4] =	ssyncset.done $0x0  }
0x2e8: {  	s19 =	rddreg [dreg:$0x10];
	[sflag:s4] =	ssyncadd.s32 $0xFFFFC000  }
0x2e9: {  	[hbm4b:s19+s3] =	stream.linear.scatter [tilespmem:s24], [sflag:$0x2], $0x4000, $0x200038;
	[tilespmem:$0x19480] =	vst v63  }
0x2ea: {  	_ =	swait.ge [sflag:s7], $0x4000  }
0x2eb: {  	[sflag:s7] =	ssyncset.done $0x0  }
0x2ec: {  	[sflag:s7] =	ssyncadd.s32 $0xFFFFC000  }
0x2ed: {  	v6 =	vld [tilespmem:$0x93C0];
	_ =	sdelay $0x4  }
0x2ee: {  	v7 =	vshll.u32 v6, $0x1  }
0x2ef: {  	v6 =	vand.u32 $0x7, v6;
	v7 =	vand.u32 $0xFFFFFFF0, v7  }
0x2f0: {  	v6 =	vor.u32 v6, v7  }
0x2f1: {  	v7 =	vperm.xlane v6, v3;
	_ =	sdelay $0x1  }
0x2f2: {  	v6 =	vperm.xlane v6, v5;
	v7 =	vadd.s32 v4, v7;
	_ =	sdelay $0x1  }
0x2f3: {  	v6 =	vadd.s32 v4, v6;
	_ =	sdelay $0x2  }
0x2f4: {  	[tilespmem:s21], [sflag:$0x1] =	stream.indirect_vreg.gather [hbm4b:s2+s3], $0x80, v7, vm0, $0x2000b8;
	[tilespmem:$0x19480] =	vst v63  }
0x2f5: {  	s30 =	simm.s32 $0xDC80  }
0x2f6: {  	[tilespmem:s30], [sflag:$0x1] =	stream.indirect_vreg.gather [hbm4b:s2+s3], $0x80, v6, vm0, $0x2000b8;
	[tilespmem:$0x19480] =	vst v63  }
0x2f7: {  	v6 =	vld [tilespmem:$0x93D0];
	_ =	sdelay $0x4  }
0x2f8: {  	v7 =	vshll.u32 v6, $0x1  }
0x2f9: {  	v6 =	vand.u32 $0x7, v6;
	v7 =	vand.u32 $0xFFFFFFF0, v7  }
0x2fa: {  	v6 =	vor.u32 v6, v7  }
0x2fb: {  	v7 =	vperm.xlane v6, v3;
	_ =	sdelay $0x1  }
0x2fc: {  	v6 =	vperm.xlane v6, v5;
	v7 =	vadd.s32 v4, v7;
	_ =	sdelay $0x1  }
0x2fd: {  	v6 =	vadd.s32 v4, v6;
	_ =	sdelay $0x1  }
0x2fe: {  	s11 =	simm.s32 $0xE480  }
0x2ff: {  	[tilespmem:s11], [sflag:$0x1] =	stream.indirect_vreg.gather [hbm4b:s2+s3], $0x80, v7, vm0, $0x2000b8;
	[tilespmem:$0x19480] =	vst v63  }
0x300: {  	s11 =	simm.s32 $0xEC80  }
0x301: {  	[tilespmem:s11], [sflag:$0x1] =	stream.indirect_vreg.gather [hbm4b:s2+s3], $0x80, v6, vm0, $0x2000b8;
	[tilespmem:$0x19480] =	vst v63  }
0x302: {  	v6 =	vld [tilespmem:$0x93E0];
	_ =	sdelay $0x4  }
0x303: {  	v7 =	vshll.u32 v6, $0x1  }
0x304: {  	v6 =	vand.u32 $0x7, v6;
	v7 =	vand.u32 $0xFFFFFFF0, v7  }
0x305: {  	v6 =	vor.u32 v6, v7  }
0x306: {  	v7 =	vperm.xlane v6, v3;
	_ =	sdelay $0x1  }
0x307: {  	v6 =	vperm.xlane v6, v5;
	v7 =	vadd.s32 v4, v7;
	_ =	sdelay $0x1  }
0x308: {  	v6 =	vadd.s32 v4, v6;
	_ =	sdelay $0x1  }
0x309: {  	s12 =	simm.s32 $0xF480  }
0x30a: {  	[tilespmem:s12], [sflag:$0x1] =	stream.indirect_vreg.gather [hbm4b:s2+s3], $0x80, v7, vm0, $0x2000b8;
	[tilespmem:$0x19480] =	vst v63  }
0x30b: {  	s12 =	simm.s32 $0xFC80  }
0x30c: {  	[tilespmem:s12], [sflag:$0x1] =	stream.indirect_vreg.gather [hbm4b:s2+s3], $0x80, v6, vm0, $0x2000b8;
	[tilespmem:$0x19480] =	vst v63  }
0x30d: {  	v6 =	vld [tilespmem:$0x93F0];
	_ =	sdelay $0x4  }
0x30e: {  	v7 =	vshll.u32 v6, $0x1  }
0x30f: {  	v6 =	vand.u32 $0x7, v6;
	v7 =	vand.u32 $0xFFFFFFF0, v7  }
0x310: {  	v6 =	vor.u32 v6, v7  }
0x311: {  	v7 =	vperm.xlane v6, v3;
	_ =	sdelay $0x1  }
0x312: {  	v6 =	vperm.xlane v6, v5;
	v7 =	vadd.s32 v4, v7;
	_ =	sdelay $0x1  }
0x313: {  	v6 =	vadd.s32 v4, v6;
	_ =	sdelay $0x1  }
0x314: {  	s13 =	simm.s32 $0x10480  }
0x315: {  	[tilespmem:s13], [sflag:$0x1] =	stream.indirect_vreg.gather [hbm4b:s2+s3], $0x80, v7, vm0, $0x2000b8;
	[tilespmem:$0x19480] =	vst v63  }
0x316: {  	s14 =	simm.s32 $0x10C80  }
0x317: {  	[tilespmem:s14], [sflag:$0x1] =	stream.indirect_vreg.gather [hbm4b:s2+s3], $0x80, v6, vm0, $0x2000b8;
	[tilespmem:$0x19480] =	vst v63  }
0x318: {  	_ =	swait.ge [sflag:s4], $0x4000  }
0x319: {  	[sflag:s4] =	ssyncset.done $0x0  }
0x31a: {  	s14 =	rddreg [dreg:$0x11];
	[sflag:s4] =	ssyncadd.s32 $0xFFFFC000  }
0x31b: {  	[hbm4b:s14+s3] =	stream.linear.scatter [tilespmem:s0], [sflag:$0x2], $0x4000, $0x200038;
	[tilespmem:$0x19480] =	vst v63  }
0x31c: {  	_ =	swait.ge [sflag:s7], $0x4000  }
0x31d: {  	[sflag:s7] =	ssyncset.done $0x0  }
0x31e: {  	[sflag:s7] =	ssyncadd.s32 $0xFFFFC000  }
0x31f: {  	v6 =	vld [tilespmem:$0x9400];
	_ =	sdelay $0x4  }
0x320: {  	v7 =	vshll.u32 v6, $0x1  }
0x321: {  	v6 =	vand.u32 $0x7, v6;
	v7 =	vand.u32 $0xFFFFFFF0, v7  }
0x322: {  	v6 =	vor.u32 v6, v7  }
0x323: {  	v7 =	vperm.xlane v6, v3;
	_ =	sdelay $0x1  }
0x324: {  	v6 =	vperm.xlane v6, v5;
	v7 =	vadd.s32 v4, v7;
	_ =	sdelay $0x1  }
0x325: {  	v6 =	vadd.s32 v4, v6;
	_ =	sdelay $0x2  }
0x326: {  	[tilespmem:s24], [sflag:$0x1] =	stream.indirect_vreg.gather [hbm4b:s2+s3], $0x80, v7, vm0, $0x2000b8;
	[tilespmem:$0x19480] =	vst v63  }
0x327: {  	s15 =	simm.s32 $0x11C80  }
0x328: {  	[tilespmem:s15], [sflag:$0x1] =	stream.indirect_vreg.gather [hbm4b:s2+s3], $0x80, v6, vm0, $0x2000b8;
	[tilespmem:$0x19480] =	vst v63  }
0x329: {  	v6 =	vld [tilespmem:$0x9410];
	_ =	sdelay $0x4  }
0x32a: {  	v7 =	vshll.u32 v6, $0x1  }
0x32b: {  	v6 =	vand.u32 $0x7, v6;
	v7 =	vand.u32 $0xFFFFFFF0, v7  }
0x32c: {  	v6 =	vor.u32 v6, v7  }
0x32d: {  	v7 =	vperm.xlane v6, v3;
	_ =	sdelay $0x1  }
0x32e: {  	v6 =	vperm.xlane v6, v5;
	v7 =	vadd.s32 v4, v7;
	_ =	sdelay $0x1  }
0x32f: {  	v6 =	vadd.s32 v4, v6;
	_ =	sdelay $0x1  }
0x330: {  	s1 =	simm.s32 $0x12480  }
0x331: {  	[tilespmem:s1], [sflag:$0x1] =	stream.indirect_vreg.gather [hbm4b:s2+s3], $0x80, v7, vm0, $0x2000b8;
	[tilespmem:$0x19480] =	vst v63  }
0x332: {  	s16 =	simm.s32 $0x12C80  }
0x333: {  	[tilespmem:s16], [sflag:$0x1] =	stream.indirect_vreg.gather [hbm4b:s2+s3], $0x80, v6, vm0, $0x2000b8;
	[tilespmem:$0x19480] =	vst v63  }
0x334: {  	v6 =	vld [tilespmem:$0x9420];
	_ =	sdelay $0x4  }
0x335: {  	v7 =	vshll.u32 v6, $0x1  }
0x336: {  	v6 =	vand.u32 $0x7, v6;
	v7 =	vand.u32 $0xFFFFFFF0, v7  }
0x337: {  	v6 =	vor.u32 v6, v7  }
0x338: {  	v7 =	vperm.xlane v6, v3;
	_ =	sdelay $0x1  }
0x339: {  	v6 =	vperm.xlane v6, v5;
	v7 =	vadd.s32 v4, v7;
	_ =	sdelay $0x1  }
0x33a: {  	v6 =	vadd.s32 v4, v6;
	_ =	sdelay $0x1  }
0x33b: {  	s5 =	simm.s32 $0x13480  }
0x33c: {  	[tilespmem:s5], [sflag:$0x1] =	stream.indirect_vreg.gather [hbm4b:s2+s3], $0x80, v7, vm0, $0x2000b8;
	[tilespmem:$0x19480] =	vst v63  }
0x33d: {  	s17 =	simm.s32 $0x13C80  }
0x33e: {  	[tilespmem:s17], [sflag:$0x1] =	stream.indirect_vreg.gather [hbm4b:s2+s3], $0x80, v6, vm0, $0x2000b8;
	[tilespmem:$0x19480] =	vst v63  }
0x33f: {  	v6 =	vld [tilespmem:$0x9430];
	_ =	sdelay $0x4  }
0x340: {  	v7 =	vshll.u32 v6, $0x1  }
0x341: {  	v6 =	vand.u32 $0x7, v6;
	v7 =	vand.u32 $0xFFFFFFF0, v7  }
0x342: {  	v6 =	vor.u32 v6, v7  }
0x343: {  	v7 =	vperm.xlane v6, v3;
	_ =	sdelay $0x1  }
0x344: {  	v6 =	vperm.xlane v6, v5;
	v7 =	vadd.s32 v4, v7;
	_ =	sdelay $0x1  }
0x345: {  	v6 =	vadd.s32 v4, v6;
	_ =	sdelay $0x1  }
0x346: {  	s8 =	simm.s32 $0x14480  }
0x347: {  	[tilespmem:s8], [sflag:$0x1] =	stream.indirect_vreg.gather [hbm4b:s2+s3], $0x80, v7, vm0, $0x2000b8;
	[tilespmem:$0x19480] =	vst v63  }
0x348: {  	s18 =	simm.s32 $0x14C80  }
0x349: {  	[tilespmem:s18], [sflag:$0x1] =	stream.indirect_vreg.gather [hbm4b:s2+s3], $0x80, v6, vm0, $0x2000b8;
	[tilespmem:$0x19480] =	vst v63  }
0x34a: {  	_ =	swait.ge [sflag:s4], $0x4000  }
0x34b: {  	[sflag:s4] =	ssyncset.done $0x0  }
0x34c: {  	s19 =	rddreg [dreg:$0x12];
	[sflag:s4] =	ssyncadd.s32 $0xFFFFC000  }
0x34d: {  	[hbm4b:s19+s3] =	stream.linear.scatter [tilespmem:s20], [sflag:$0x2], $0x4000, $0x200038;
	[tilespmem:$0x19480] =	vst v63  }
0x34e: {  	_ =	swait.ge [sflag:s7], $0x4000  }
0x34f: {  	[sflag:s7] =	ssyncset.done $0x0  }
0x350: {  	[sflag:s7] =	ssyncadd.s32 $0xFFFFC000  }
0x351: {  	v6 =	vld [tilespmem:$0x9440];
	_ =	sdelay $0x4  }
0x352: {  	v7 =	vshll.u32 v6, $0x1  }
0x353: {  	v6 =	vand.u32 $0x7, v6;
	v7 =	vand.u32 $0xFFFFFFF0, v7  }
0x354: {  	v6 =	vor.u32 v6, v7  }
0x355: {  	v7 =	vperm.xlane v6, v3;
	_ =	sdelay $0x1  }
0x356: {  	v6 =	vperm.xlane v6, v5;
	v7 =	vadd.s32 v4, v7;
	_ =	sdelay $0x1  }
0x357: {  	v6 =	vadd.s32 v4, v6;
	_ =	sdelay $0x2  }
0x358: {  	[tilespmem:s0], [sflag:$0x1] =	stream.indirect_vreg.gather [hbm4b:s2+s3], $0x80, v7, vm0, $0x2000b8;
	[tilespmem:$0x19480] =	vst v63  }
0x359: {  	s28 =	simm.s32 $0x15C80  }
0x35a: {  	[tilespmem:s28], [sflag:$0x1] =	stream.indirect_vreg.gather [hbm4b:s2+s3], $0x80, v6, vm0, $0x2000b8;
	[tilespmem:$0x19480] =	vst v63  }
0x35b: {  	v6 =	vld [tilespmem:$0x9450];
	_ =	sdelay $0x4  }
0x35c: {  	v7 =	vshll.u32 v6, $0x1  }
0x35d: {  	v6 =	vand.u32 $0x7, v6;
	v7 =	vand.u32 $0xFFFFFFF0, v7  }
0x35e: {  	v6 =	vor.u32 v6, v7  }
0x35f: {  	v7 =	vperm.xlane v6, v3;
	_ =	sdelay $0x1  }
0x360: {  	v6 =	vperm.xlane v6, v5;
	v7 =	vadd.s32 v4, v7;
	_ =	sdelay $0x1  }
0x361: {  	v6 =	vadd.s32 v4, v6;
	_ =	sdelay $0x1  }
0x362: {  	s23 =	simm.s32 $0x16480  }
0x363: {  	[tilespmem:s23], [sflag:$0x1] =	stream.indirect_vreg.gather [hbm4b:s2+s3], $0x80, v7, vm0, $0x2000b8;
	[tilespmem:$0x19480] =	vst v63  }
0x364: {  	s29 =	simm.s32 $0x16C80  }
0x365: {  	[tilespmem:s29], [sflag:$0x1] =	stream.indirect_vreg.gather [hbm4b:s2+s3], $0x80, v6, vm0, $0x2000b8;
	[tilespmem:$0x19480] =	vst v63  }
0x366: {  	v6 =	vld [tilespmem:$0x9460];
	_ =	sdelay $0x4  }
0x367: {  	v7 =	vshll.u32 v6, $0x1  }
0x368: {  	v6 =	vand.u32 $0x7, v6;
	v7 =	vand.u32 $0xFFFFFFF0, v7  }
0x369: {  	v6 =	vor.u32 v6, v7  }
0x36a: {  	v7 =	vperm.xlane v6, v3;
	_ =	sdelay $0x1  }
0x36b: {  	v6 =	vperm.xlane v6, v5;
	v7 =	vadd.s32 v4, v7;
	_ =	sdelay $0x1  }
0x36c: {  	v6 =	vadd.s32 v4, v6;
	_ =	sdelay $0x1  }
0x36d: {  	s22 =	simm.s32 $0x17480  }
0x36e: {  	[tilespmem:s22], [sflag:$0x1] =	stream.indirect_vreg.gather [hbm4b:s2+s3], $0x80, v7, vm0, $0x2000b8;
	[tilespmem:$0x19480] =	vst v63  }
0x36f: {  	s31 =	simm.s32 $0x17C80  }
0x370: {  	[tilespmem:s31], [sflag:$0x1] =	stream.indirect_vreg.gather [hbm4b:s2+s3], $0x80, v6, vm0, $0x2000b8;
	[tilespmem:$0x19480] =	vst v63  }
0x371: {  	v6 =	vld [tilespmem:$0x9470];
	_ =	sdelay $0x4  }
0x372: {  	v7 =	vshll.u32 v6, $0x1  }
0x373: {  	v6 =	vand.u32 $0x7, v6;
	v7 =	vand.u32 $0xFFFFFFF0, v7  }
0x374: {  	v6 =	vor.u32 v6, v7  }
0x375: {  	v7 =	vperm.xlane v6, v3;
	_ =	sdelay $0x1  }
0x376: {  	v6 =	vperm.xlane v6, v5;
	v7 =	vadd.s32 v4, v7;
	_ =	sdelay $0x1  }
0x377: {  	v6 =	vadd.s32 v4, v6;
	_ =	sdelay $0x1  }
0x378: {  	s23 =	simm.s32 $0x18480  }
0x379: {  	[tilespmem:s23], [sflag:$0x1] =	stream.indirect_vreg.gather [hbm4b:s2+s3], $0x80, v7, vm0, $0x2000b8;
	[tilespmem:$0x19480] =	vst v63  }
0x37a: {  	s25 =	simm.s32 $0x18C80  }
0x37b: {  	[tilespmem:s25], [sflag:$0x1] =	stream.indirect_vreg.gather [hbm4b:s2+s3], $0x80, v6, vm0, $0x2000b8;
	[tilespmem:$0x19480] =	vst v63  }
0x37c: {  	_ =	swait.ge [sflag:s4], $0x4000  }
0x37d: {  	[sflag:s4] =	ssyncset.done $0x0  }
0x37e: {  	s28 =	rddreg [dreg:$0x13];
	[sflag:s4] =	ssyncadd.s32 $0xFFFFC000  }
0x37f: {  	[hbm4b:s28+s3] =	stream.linear.scatter [tilespmem:s21], [sflag:$0x2], $0x4000, $0x200038;
	[tilespmem:$0x19480] =	vst v63  }
0x380: {  	_ =	swait.ge [sflag:s4], $0x4000  }
0x381: {  	[sflag:s4] =	ssyncset.done $0x0  }
0x382: {  	s29 =	rddreg [dreg:$0x14];
	[sflag:s4] =	ssyncadd.s32 $0xFFFFC000  }
0x383: {  	[hbm4b:s29+s3] =	stream.linear.scatter [tilespmem:s24], [sflag:$0x2], $0x4000, $0x200038;
	[tilespmem:$0x19480] =	vst v63  }
0x384: {  	_ =	swait.ge [sflag:s4], $0x4000  }
0x385: {  	[sflag:s4] =	ssyncset.done $0x0  }
0x386: {  	s30 =	rddreg [dreg:$0x15];
	[sflag:s4] =	ssyncadd.s32 $0xFFFFC000  }
0x387: {  	[hbm4b:s30+s3] =	stream.linear.scatter [tilespmem:s0], [sflag:$0x2], $0x4000, $0x200038;
	[tilespmem:$0x19480] =	vst v63  }
0x388: {  	_ =	swait.ge [sflag:s7], $0x4000  }
0x389: {  	[sflag:s7] =	ssyncset.done $0x0  }
0x38a: {  	[sflag:s7] =	ssyncadd.s32 $0xFFFFC000  }
0x38b: {  	_ =	swait.ge [sflag:s7], $0x4000  }
0x38c: {  	[sflag:s7] =	ssyncset.done $0x0  }
0x38d: {  	[sflag:s7] =	ssyncadd.s32 $0xFFFFC000  }
0x38e: {  	_ =	swait.ge [sflag:s7], $0x4000  }
0x38f: {  	[sflag:s7] =	ssyncset.done $0x0  }
0x390: {  	[sflag:s7] =	ssyncadd.s32 $0xFFFFC000  }
0x391: {  	_ =	swait.ge [sflag:s7], $0x4000  }
0x392: {  	s9 =	sadd.s32 $0x1, s9;
	s31 =	rddreg [dreg:$0x16]  }
0x393: {  	p1 =	sne.s32 s9, s31  }
.Ltmp3:
0x394: {  	_ = 	snop;
	(pc) =	sbr.rel @p1 .LBB2_1-.Ltmp3, $4  }
0x395: {  	_ = 	snop  }
0x396: {  	[sflag:s7] =	ssyncset.done $0x0  }
0x397: {  	[sflag:s7] =	ssyncadd.s32 $0xFFFFC000  }
0x398: {  	_ =	strace $0x9000004D  }
0x399: {  	_ =	sfence.sel $0x180000  }
0x39a: {  	[bflag:$0x0] =	sbarrier.arrive $0xFFFF  }
0x39b: {  	_ =	strace $0x90000047  }
0x39c: {  	s0 =	stileid.u32;
	[bflag:$0x2] =	sbarrier.arrive $0xFFFF  }
0x39d: {  	p0 =	sne.s32 s0, $0x0;
	s0 =	rddreg [dreg:$0x3]  }
0x39e: {  	s0 =	sadd.s32 @!p0 $0x100000, s0  }
0x39f: {  	[sflag:s0] =	ssyncadd.tile.s32 @!p0 $0x1;
	_ =	shalt  }
.Lfunc_end2:
_tile_overlayer_lowered:
.L_overlay_start_2:
0x3a0: {  	(tag) =	ssettag $0x2  }
0x3a1: {  	s0 =	rddreg [dreg:$0x0];
	s2 =	stileid.u32  }
0x3a2: {  	s1 =	rddreg [dreg:$0x1];
	p0 =	sne.s32 s2, $0x0  }
0x3a3: {  	s3 =	rddreg [dreg:$0x2];
	[bflag:$0x3] =	sbarrier.arrive $0xFFFF;
	s2 =	simm.s32 @!p0 $0x1C03  }
0x3a4: {  	[timem:s3], [sflag:s2] =	dma.local @!p0 [hbm:s0], s1  }
0x3a5: {  	s0 =	simm.s32 @!p0 $0x3  }
0x3a6: {  	_ =	swait.ge @!p0 [sflag:s0], s1  }
0x3a7: {  	s1 =	ssub.s32 @!p0 $0x0, s1;
	[sflag:s0] =	ssyncset.done @!p0 $0x0  }
0x3a8: {  	[sflag:s0] =	ssyncadd.s32 @!p0 s1  }
0x3a9: {  	[bflag:$0x3] =	sbarrier.arrive $0xFFFF  }
0x3aa: {  	_ =	shalt  }

</sc_bundles>
